<compile_context>
chip_gen: v7x
topology: tpu7x:2x2x1
jax: 0.10.2.dev20260603
libtpu: 0.0.44.dev20260713+nightly
codegen_flags: <defaults>
</compile_context>

<pallas_src>
import functools

import jax
import jax.numpy as jnp
from jax import lax
from jax.experimental import pallas as pl
from jax.experimental.pallas import tpu as pltpu
from jax.experimental.pallas import tpu_sc as plsc

B = 16384
L = 50
D = 16
NC = 2
NS = 16
NW = NC * NS
BPW = B // NW
GRP = BPW // 16

V_ID = 1000001
V_SM = 100001
VP_ID = 1000064
VP_SM = 100096
CT_ID = VP_ID // 128
CT_SM = VP_SM // 128

_COMPILER_PARAMS = pltpu.CompilerParams(
    needs_layout_passes=False, use_tc_tiling_on_sc=False)

VP_CAT = 102400
CTILES = VP_CAT // 128
TPW = CTILES // NW


def _detile_body(w_cat_f, out_hbm, chunk, rows):
    wid = lax.axis_index("s") * NC + lax.axis_index("c")
    tc0 = wid * TPW

    pltpu.sync_copy(w_cat_f.at[pl.ds(tc0 * 1024, TPW * 1024)],
                    chunk.at[pl.ds(0, TPW * 1024)])
    pltpu.sync_copy(w_cat_f.at[pl.ds((CTILES + tc0) * 1024, TPW * 1024)],
                    chunk.at[pl.ds(TPW * 1024, TPW * 1024)])

    lane = jnp.arange(16, dtype=jnp.int32)
    loff = jnp.where(lane < 8, lane * 128, TPW * 1024 + (lane - 8) * 128)

    def t_body(t, _):
        def j_body(j, _):
            b0 = loff + (t * 1024 + j * 8)
            r0 = t * 128 + j * 8
            for u in range(8):
                rows[r0 + u, :] = plsc.load_gather(chunk, [b0 + u])
            return 0

        lax.fori_loop(0, 16, j_body, 0)
        return 0

    lax.fori_loop(0, TPW, t_body, 0)

    pltpu.sync_copy(rows, out_hbm.at[pl.ds(tc0 * 128, TPW * 128)])


def _cat_body(cat_t, w_category, out_hbm, cols, acc, n0, w0, c_t, sem_c):
    wid = lax.axis_index("s") * NC + lax.axis_index("c")
    base = wid * BPW

    pltpu.sync_copy(cat_t.at[:, pl.ds(base, BPW)], cols)

    pltpu.async_copy(w_category.at[cols.at[0]], acc, sem_c).wait()

    def c_fire(l, _):
        pltpu.async_copy(w_category.at[cols.at[l]], acc, sem_c, add=True)
        return 0

    lax.fori_loop(1, L, c_fire, 0)

    def g_body(g, _):
        def l_body(l, cnt):
            vals = cols[l, pl.ds(g * 16, 16)]
            return cnt + jnp.where(vals == 0, 1, 0).astype(jnp.int32)

        cnt = lax.fori_loop(0, L, l_body, jnp.zeros((16,), jnp.int32))
        n0[pl.ds(g * 16, 16)] = cnt.astype(jnp.float32)
        return 0

    lax.fori_loop(0, GRP, g_body, 0)

    pltpu.sync_copy(w_category.at[pl.ds(0, 1)], w0)

    def c_drain(l, _):
        pltpu.make_async_copy(w_category.at[cols.at[0]], acc, sem_c).wait()
        return 0

    lax.fori_loop(1, L, c_drain, 0)

    inv_l = jnp.float32(1.0 / L)
    w0s = w0[0, :] * inv_l
    lane = jnp.arange(16, dtype=jnp.int32)

    def o_body(b, _):
        bvec = jnp.full((16,), b, jnp.int32)
        n0b = plsc.load_gather(n0, [bvec])
        cv = acc[b, :] * inv_l - n0b * w0s
        plsc.store_scatter(c_t, [lane, bvec], cv)
        return 0

    lax.fori_loop(0, BPW, o_body, 0)

    pltpu.sync_copy(c_t, out_hbm.at[:, pl.ds(base, BPW)])


def _addr_build(idxv, addrs, ct):
    offs = [((d // 8) * ct * 8 + d % 8) * 128 for d in range(D)]

    def g_body(g, _):
        ids = idxv[pl.ds(g * 16, 16)]
        bse = ((ids >> 7) << 10) + (ids & 127)
        for d in range(D):
            addrs[pl.ds(d * BPW + g * 16, 16)] = bse + offs[d]
        return 0

    lax.fori_loop(0, GRP, g_body, 0)


def _uib_body(user_id, item_id, brand, w_user_f, w_item_f, w_brand_f,
              out_hbm, uidx, iidx, bidx, au, ai, ab, u_t, i_t, b_t,
              sem_u, sem_i, sem_b):
    wid = lax.axis_index("s") * NC + lax.axis_index("c")
    base = wid * BPW

    pltpu.sync_copy(user_id.at[pl.ds(base, BPW)], uidx)
    pltpu.sync_copy(item_id.at[pl.ds(base, BPW)], iidx)
    pltpu.sync_copy(brand.at[pl.ds(base, BPW)], bidx)

    _addr_build(uidx, au, CT_ID)
    _addr_build(iidx, ai, CT_ID)
    _addr_build(bidx, ab, CT_SM)

    for d in range(D):
        pltpu.async_copy(w_user_f.at[au.at[pl.ds(d * BPW, BPW)]], u_t.at[d], sem_u)
        pltpu.async_copy(w_item_f.at[ai.at[pl.ds(d * BPW, BPW)]], i_t.at[d], sem_i)
        pltpu.async_copy(w_brand_f.at[ab.at[pl.ds(d * BPW, BPW)]], b_t.at[d], sem_b)
    for d in range(D):
        pltpu.make_async_copy(w_user_f.at[au.at[pl.ds(0, BPW)]], u_t.at[0], sem_u).wait()
        pltpu.make_async_copy(w_item_f.at[ai.at[pl.ds(0, BPW)]], i_t.at[0], sem_i).wait()
        pltpu.make_async_copy(w_brand_f.at[ab.at[pl.ds(0, BPW)]], b_t.at[0], sem_b).wait()

    pltpu.sync_copy(u_t, out_hbm.at[0, :, pl.ds(base, BPW)])
    pltpu.sync_copy(i_t, out_hbm.at[1, :, pl.ds(base, BPW)])
    pltpu.sync_copy(b_t, out_hbm.at[2, :, pl.ds(base, BPW)])


def _tiled_flat(w, vp):
    v = w.shape[0]
    wp = jnp.pad(w.T, ((0, 0), (0, vp - v)))
    return wp.reshape(2, 8, vp // 128, 128).transpose(0, 2, 1, 3).reshape(-1)


@jax.jit
def _emb(user_id, item_id, category, brand, w_user, w_item, w_category, w_brand):
    mesh = plsc.VectorSubcoreMesh(core_axis_name="c", subcore_axis_name="s")

    detile_k = pl.kernel(
        _detile_body,
        out_type=jax.ShapeDtypeStruct((VP_CAT, D), jnp.float32),
        mesh=mesh,
        compiler_params=_COMPILER_PARAMS,
        scratch_types=[
            pltpu.VMEM((2 * TPW * 1024,), jnp.float32),
            pltpu.VMEM((TPW * 128, D), jnp.float32),
        ],
    )
    w_cat_rows = detile_k(_tiled_flat(w_category, VP_CAT))

    cat_k = pl.kernel(
        _cat_body,
        out_type=jax.ShapeDtypeStruct((D, B), jnp.float32),
        mesh=mesh,
        compiler_params=_COMPILER_PARAMS,
        scratch_types=[
            pltpu.VMEM((L, BPW), jnp.int32),
            pltpu.VMEM((BPW, D), jnp.float32),
            pltpu.VMEM((BPW,), jnp.float32),
            pltpu.VMEM((1, D), jnp.float32),
            pltpu.VMEM((D, BPW), jnp.float32),
            pltpu.SemaphoreType.DMA,
        ],
    )
    c_pl = cat_k(category.T, w_cat_rows)

    uib_k = pl.kernel(
        _uib_body,
        out_type=jax.ShapeDtypeStruct((3, D, B), jnp.float32),
        mesh=mesh,
        compiler_params=_COMPILER_PARAMS,
        scratch_types=[
            pltpu.VMEM((BPW,), jnp.int32),
            pltpu.VMEM((BPW,), jnp.int32),
            pltpu.VMEM((BPW,), jnp.int32),
            pltpu.VMEM((D * BPW,), jnp.int32),
            pltpu.VMEM((D * BPW,), jnp.int32),
            pltpu.VMEM((D * BPW,), jnp.int32),
            pltpu.VMEM((D, BPW), jnp.float32),
            pltpu.VMEM((D, BPW), jnp.float32),
            pltpu.VMEM((D, BPW), jnp.float32),
            pltpu.SemaphoreType.DMA,
            pltpu.SemaphoreType.DMA,
            pltpu.SemaphoreType.DMA,
        ],
    )
    uib = uib_k(user_id, item_id, brand,
                _tiled_flat(w_user, VP_ID), _tiled_flat(w_item, VP_ID),
                _tiled_flat(w_brand, VP_SM))

    out = jnp.concatenate(
        [uib[0:2], c_pl[None], uib[2:3]], axis=0)
    return jnp.transpose(out, (2, 0, 1))


def kernel(label, user_id, item_id, category, brand,
           W_user, W_item, W_category, W_brand):
    del label
    return _emb(user_id, item_id, category, brand,
                W_user, W_item, W_category, W_brand)

# --- scband reference (transcript-rebuilt; emitter-appended) ---
"""Pipeline reference for scband-embedding-74534862455392 (READ-ONLY COPY).

The authoritative reference and input builder live on the scoring server;
editing this copy changes nothing except your own understanding.
"""

import jax, jax.numpy as jnp
import numpy as np

B = 16384
L = 50
D = 16
V_ID = 1000000
V_SM = 100000

def _xavier(key, n_rows, d):
    limit = np.sqrt(6.0 / (n_rows + d))
    return jax.random.uniform(key, (n_rows, d), dtype=jnp.float32, minval=-limit, maxval=limit)

def setup_inputs(seed: int = 0) -> dict:
    key = jax.random.key(seed)
    ks = jax.random.split(key, 8)
    label = jnp.zeros((B,), dtype=jnp.float32)
    user_id = jax.random.randint(ks[0], (B,), 0, V_ID, dtype=jnp.int32)
    item_id = jax.random.randint(ks[1], (B,), 0, V_ID, dtype=jnp.int32)
    category = jax.random.randint(ks[2], (B, L), 0, V_SM, dtype=jnp.int32)
    brand = jax.random.randint(ks[3], (B,), 0, V_SM, dtype=jnp.int32)
    # embedding tables sized vocab+1 x 16, xavier-uniform init (matches nn.init.xavier_uniform_)
    W_user = _xavier(ks[4], V_ID + 1, D)
    W_item = _xavier(ks[5], V_ID + 1, D)
    W_category = _xavier(ks[6], V_SM + 1, D)
    W_brand = _xavier(ks[7], V_SM + 1, D)
    return {"label": label, "user_id": user_id, "item_id": item_id, "category": category,
            "brand": brand, "W_user": W_user, "W_item": W_item, "W_category": W_category,
            "W_brand": W_brand}

def reference(label, user_id, item_id, category, brand, W_user, W_item, W_category, W_brand):
    out = []
    # field order follows insertion order of config.feature_stastic (skipping 'label')
    e_user = jnp.take(W_user, user_id, axis=0)[:, None, :]            # [B,1,D]
    out.append(e_user)
    e_item = jnp.take(W_item, item_id, axis=0)[:, None, :]            # [B,1,D]
    out.append(e_item)
    # 'category' is a multi-valued field: masked mean over the sequence dim
    e_cat = jnp.take(W_category, category, axis=0)                     # [B,L,D]
    mask = (category != 0)[:, :, None].astype(e_cat.dtype)
    e_cat = jnp.mean(e_cat * mask, axis=1, keepdims=True)              # [B,1,D]
    out.append(e_cat)
    e_brand = jnp.take(W_brand, brand, axis=0)[:, None, :]            # [B,1,D]
    out.append(e_brand)
    return jnp.concatenate(out, axis=-2)                                # [B,4,D]

if __name__ == "__main__":
    import jax
    _d = setup_inputs()
    print(jax.jit(kernel)(*tuple(_d.values())))

</pallas_src>

<mosaic_0001>
#map = affine_map<(d0, d1) -> (0)>
#map1 = affine_map<(d0, d1) -> (0, 0, 0)>
module attributes {stable_mosaic.version = 14 : i64} {
  func.func @_uib_body(%arg0: i32, %arg1: i32, %arg2: memref<16384xi32, #tpu.memory_space<hbm>>, %arg3: memref<16384xi32, #tpu.memory_space<hbm>>, %arg4: memref<16384xi32, #tpu.memory_space<hbm>>, %arg5: memref<16001024xf32, #tpu.memory_space<hbm>>, %arg6: memref<16001024xf32, #tpu.memory_space<hbm>>, %arg7: memref<1601536xf32, #tpu.memory_space<hbm>>, %arg8: memref<3x16x16384xf32, #tpu.memory_space<hbm>>, %arg9: memref<512xi32, #tpu.memory_space<vmem>>, %arg10: memref<512xi32, #tpu.memory_space<vmem>>, %arg11: memref<512xi32, #tpu.memory_space<vmem>>, %arg12: memref<8192xi32, #tpu.memory_space<vmem>>, %arg13: memref<8192xi32, #tpu.memory_space<vmem>>, %arg14: memref<8192xi32, #tpu.memory_space<vmem>>, %arg15: memref<16x512xf32, #tpu.memory_space<vmem>>, %arg16: memref<16x512xf32, #tpu.memory_space<vmem>>, %arg17: memref<16x512xf32, #tpu.memory_space<vmem>>, %arg18: memref<!tpu.dma_semaphore, #tpu.memory_space<semaphore_mem>>, %arg19: memref<!tpu.dma_semaphore, #tpu.memory_space<semaphore_mem>>, %arg20: memref<!tpu.dma_semaphore, #tpu.memory_space<semaphore_mem>>) attributes {dimension_semantics = [#tpu.dimension_semantics<core_parallel>, #tpu.dimension_semantics<subcore_parallel>], iteration_bounds = array<i64: 2, 16>, scalar_prefetch = 0 : i64, scratch_operands = 12 : i64, tpu.core_type = #tpu.core_type<sc_vector_subcore>, window_params = [{transform_indices = #map}, {transform_indices = #map}, {transform_indices = #map}, {transform_indices = #map}, {transform_indices = #map}, {transform_indices = #map}, {transform_indices = #map1}]} {
    %mul3A = arith.constant 2 : i32
    %mul3A_0 = arith.muli %arg1, %mul3A : i32
    %add3A = arith.addi %mul3A_0, %arg0 : i32
    %mul3A_1 = arith.constant 512 : i32
    %mul3A_2 = arith.muli %add3A, %mul3A_1 : i32
    "tpu.region"() ({
      %run_scoped3A_791 = tpu.sem_alloc : memref<!tpu.dma_semaphore, #tpu.memory_space<semaphore_mem>>
      %dma_start3A_792 = tpu.memref_slice %arg2[%mul3A_2] : memref<16384xi32, #tpu.memory_space<hbm>> -> memref<512xi32, #tpu.memory_space<hbm>>
      %dma_start3A_793 = tpu.memref_slice %arg2[%mul3A_2] : memref<16384xi32, #tpu.memory_space<hbm>> -> memref<512xi32, #tpu.memory_space<hbm>>
      tpu.enqueue_dma source(%dma_start3A_793 : memref<512xi32, #tpu.memory_space<hbm>>) target(%arg9 : memref<512xi32, #tpu.memory_space<vmem>>) target_semaphore(%run_scoped3A_791 : memref<!tpu.dma_semaphore, #tpu.memory_space<semaphore_mem>>)
      %dma_wait3A_794 = tpu.memref_slice %arg2[%mul3A_2] : memref<16384xi32, #tpu.memory_space<hbm>> -> memref<512xi32, #tpu.memory_space<hbm>>
      %dma_wait3A_795 = tpu.memref_slice %arg2[%mul3A_2] : memref<16384xi32, #tpu.memory_space<hbm>> -> memref<512xi32, #tpu.memory_space<hbm>>
      tpu.wait_dma2 semaphore(%run_scoped3A_791 : memref<!tpu.dma_semaphore, #tpu.memory_space<semaphore_mem>>) src(%dma_wait3A_795 : memref<512xi32, #tpu.memory_space<hbm>>) dst(%arg9 : memref<512xi32, #tpu.memory_space<vmem>>)
      tpu.yield
    }) : () -> ()
    "tpu.region"() ({
      %run_scoped3A_791 = tpu.sem_alloc : memref<!tpu.dma_semaphore, #tpu.memory_space<semaphore_mem>>
      %dma_start3A_792 = tpu.memref_slice %arg3[%mul3A_2] : memref<16384xi32, #tpu.memory_space<hbm>> -> memref<512xi32, #tpu.memory_space<hbm>>
      %dma_start3A_793 = tpu.memref_slice %arg3[%mul3A_2] : memref<16384xi32, #tpu.memory_space<hbm>> -> memref<512xi32, #tpu.memory_space<hbm>>
      tpu.enqueue_dma source(%dma_start3A_793 : memref<512xi32, #tpu.memory_space<hbm>>) target(%arg10 : memref<512xi32, #tpu.memory_space<vmem>>) target_semaphore(%run_scoped3A_791 : memref<!tpu.dma_semaphore, #tpu.memory_space<semaphore_mem>>)
      %dma_wait3A_794 = tpu.memref_slice %arg3[%mul3A_2] : memref<16384xi32, #tpu.memory_space<hbm>> -> memref<512xi32, #tpu.memory_space<hbm>>
      %dma_wait3A_795 = tpu.memref_slice %arg3[%mul3A_2] : memref<16384xi32, #tpu.memory_space<hbm>> -> memref<512xi32, #tpu.memory_space<hbm>>
      tpu.wait_dma2 semaphore(%run_scoped3A_791 : memref<!tpu.dma_semaphore, #tpu.memory_space<semaphore_mem>>) src(%dma_wait3A_795 : memref<512xi32, #tpu.memory_space<hbm>>) dst(%arg10 : memref<512xi32, #tpu.memory_space<vmem>>)
      tpu.yield
    }) : () -> ()
    "tpu.region"() ({
      %run_scoped3A_791 = tpu.sem_alloc : memref<!tpu.dma_semaphore, #tpu.memory_space<semaphore_mem>>
      %dma_start3A_792 = tpu.memref_slice %arg4[%mul3A_2] : memref<16384xi32, #tpu.memory_space<hbm>> -> memref<512xi32, #tpu.memory_space<hbm>>
      %dma_start3A_793 = tpu.memref_slice %arg4[%mul3A_2] : memref<16384xi32, #tpu.memory_space<hbm>> -> memref<512xi32, #tpu.memory_space<hbm>>
      tpu.enqueue_dma source(%dma_start3A_793 : memref<512xi32, #tpu.memory_space<hbm>>) target(%arg11 : memref<512xi32, #tpu.memory_space<vmem>>) target_semaphore(%run_scoped3A_791 : memref<!tpu.dma_semaphore, #tpu.memory_space<semaphore_mem>>)
      %dma_wait3A_794 = tpu.memref_slice %arg4[%mul3A_2] : memref<16384xi32, #tpu.memory_space<hbm>> -> memref<512xi32, #tpu.memory_space<hbm>>
      %dma_wait3A_795 = tpu.memref_slice %arg4[%mul3A_2] : memref<16384xi32, #tpu.memory_space<hbm>> -> memref<512xi32, #tpu.memory_space<hbm>>
      tpu.wait_dma2 semaphore(%run_scoped3A_791 : memref<!tpu.dma_semaphore, #tpu.memory_space<semaphore_mem>>) src(%dma_wait3A_795 : memref<512xi32, #tpu.memory_space<hbm>>) dst(%arg11 : memref<512xi32, #tpu.memory_space<vmem>>)
      tpu.yield
    }) : () -> ()
    %scan3A = arith.constant 0 : i32
    %scan3A_3 = arith.constant 0 : i32
    %scan3A_4 = arith.constant 32 : i32
    %scan3A_5 = arith.addi %scan3A_3, %scan3A_4 : i32
    %scan3A_6 = arith.constant 1 : i32
    %scan3A_7 = scf.for %scan3A_791 = %scan3A_3 to %scan3A_5 step %scan3A_6 iter_args(%scan3A_792 = %scan3A) -> (i32)  : i32 {
      %mul3A_793 = arith.constant 16 : i32
      %mul3A_794 = arith.muli %scan3A_791, %mul3A_793 : i32
      %get3A = arith.index_cast %mul3A_794 : i32 to index
      %get3A_795 = tpu.vector_load %arg9[%get3A] {strides = array<i32>} : memref<512xi32, #tpu.memory_space<vmem>>, vector<16xi32>,
      %shift_right_arithmetic3A = arith.constant 7 : i32
      %shift_right_arithmetic3A_796 = vector.broadcast %shift_right_arithmetic3A : i32 to vector<16xi32>
      %shift_right_arithmetic3A_797 = arith.shrsi %get3A_795, %shift_right_arithmetic3A_796 : vector<16xi32>
      %shift_left3A = arith.constant 10 : i32
      %shift_left3A_798 = vector.broadcast %shift_left3A : i32 to vector<16xi32>
      %shift_left3A_799 = arith.shli %shift_right_arithmetic3A_797, %shift_left3A_798 : vector<16xi32>
      %and3A = arith.constant 127 : i32
      %and3A_800 = vector.broadcast %and3A : i32 to vector<16xi32>
      %and3A_801 = arith.andi %get3A_795, %and3A_800 : vector<16xi32>
      %add3A_802 = arith.addi %shift_left3A_799, %and3A_801 : vector<16xi32>
      %add3A_803 = arith.constant 0 : i32
      %add3A_804 = vector.broadcast %add3A_803 : i32 to vector<16xi32>
      %add3A_805 = arith.addi %add3A_802, %add3A_804 : vector<16xi32>
      %mul3A_806 = arith.constant 16 : i32
      %mul3A_807 = arith.muli %scan3A_791, %mul3A_806 : i32
      %add3A_808 = arith.constant 0 : i32
      %add3A_809 = arith.addi %add3A_808, %mul3A_807 : i32
      %swap3A = arith.index_cast %add3A_809 : i32 to index
      %swap3A_810 = tpu.vector_load %arg12[%swap3A] {strides = array<i32>} : memref<8192xi32, #tpu.memory_space<vmem>>, vector<16xi32>,
      tpu.vector_store %arg12[%swap3A], %add3A_805 {strides = array<i32>} : memref<8192xi32, #tpu.memory_space<vmem>>, vector<16xi32>,
      %add3A_811 = arith.constant 128 : i32
      %add3A_812 = vector.broadcast %add3A_811 : i32 to vector<16xi32>
      %add3A_813 = arith.addi %add3A_802, %add3A_812 : vector<16xi32>
      %mul3A_814 = arith.constant 16 : i32
      %mul3A_815 = arith.muli %scan3A_791, %mul3A_814 : i32
      %add3A_816 = arith.constant 512 : i32
      %add3A_817 = arith.addi %add3A_816, %mul3A_815 : i32
      %swap3A_818 = arith.index_cast %add3A_817 : i32 to index
      %swap3A_819 = tpu.vector_load %arg12[%swap3A_818] {strides = array<i32>} : memref<8192xi32, #tpu.memory_space<vmem>>, vector<16xi32>,
      tpu.vector_store %arg12[%swap3A_818], %add3A_813 {strides = array<i32>} : memref<8192xi32, #tpu.memory_space<vmem>>, vector<16xi32>,
      %add3A_820 = arith.constant 256 : i32
      %add3A_821 = vector.broadcast %add3A_820 : i32 to vector<16xi32>
      %add3A_822 = arith.addi %add3A_802, %add3A_821 : vector<16xi32>
      %mul3A_823 = arith.constant 16 : i32
      %mul3A_824 = arith.muli %scan3A_791, %mul3A_823 : i32
      %add3A_825 = arith.constant 1024 : i32
      %add3A_826 = arith.addi %add3A_825, %mul3A_824 : i32
      %swap3A_827 = arith.index_cast %add3A_826 : i32 to index
      %swap3A_828 = tpu.vector_load %arg12[%swap3A_827] {strides = array<i32>} : memref<8192xi32, #tpu.memory_space<vmem>>, vector<16xi32>,
      tpu.vector_store %arg12[%swap3A_827], %add3A_822 {strides = array<i32>} : memref<8192xi32, #tpu.memory_space<vmem>>, vector<16xi32>,
      %add3A_829 = arith.constant 384 : i32
      %add3A_830 = vector.broadcast %add3A_829 : i32 to vector<16xi32>
      %add3A_831 = arith.addi %add3A_802, %add3A_830 : vector<16xi32>
      %mul3A_832 = arith.constant 16 : i32
      %mul3A_833 = arith.muli %scan3A_791, %mul3A_832 : i32
      %add3A_834 = arith.constant 1536 : i32
      %add3A_835 = arith.addi %add3A_834, %mul3A_833 : i32
      %swap3A_836 = arith.index_cast %add3A_835 : i32 to index
      %swap3A_837 = tpu.vector_load %arg12[%swap3A_836] {strides = array<i32>} : memref<8192xi32, #tpu.memory_space<vmem>>, vector<16xi32>,
      tpu.vector_store %arg12[%swap3A_836], %add3A_831 {strides = array<i32>} : memref<8192xi32, #tpu.memory_space<vmem>>, vector<16xi32>,
      %add3A_838 = arith.constant 512 : i32
      %add3A_839 = vector.broadcast %add3A_838 : i32 to vector<16xi32>
      %add3A_840 = arith.addi %add3A_802, %add3A_839 : vector<16xi32>
      %mul3A_841 = arith.constant 16 : i32
      %mul3A_842 = arith.muli %scan3A_791, %mul3A_841 : i32
      %add3A_843 = arith.constant 2048 : i32
      %add3A_844 = arith.addi %add3A_843, %mul3A_842 : i32
      %swap3A_845 = arith.index_cast %add3A_844 : i32 to index
      %swap3A_846 = tpu.vector_load %arg12[%swap3A_845] {strides = array<i32>} : memref<8192xi32, #tpu.memory_space<vmem>>, vector<16xi32>,
      tpu.vector_store %arg12[%swap3A_845], %add3A_840 {strides = array<i32>} : memref<8192xi32, #tpu.memory_space<vmem>>, vector<16xi32>,
      %add3A_847 = arith.constant 640 : i32
      %add3A_848 = vector.broadcast %add3A_847 : i32 to vector<16xi32>
      %add3A_849 = arith.addi %add3A_802, %add3A_848 : vector<16xi32>
      %mul3A_850 = arith.constant 16 : i32
      %mul3A_851 = arith.muli %scan3A_791, %mul3A_850 : i32
      %add3A_852 = arith.constant 2560 : i32
      %add3A_853 = arith.addi %add3A_852, %mul3A_851 : i32
      %swap3A_854 = arith.index_cast %add3A_853 : i32 to index
      %swap3A_855 = tpu.vector_load %arg12[%swap3A_854] {strides = array<i32>} : memref<8192xi32, #tpu.memory_space<vmem>>, vector<16xi32>,
      tpu.vector_store %arg12[%swap3A_854], %add3A_849 {strides = array<i32>} : memref<8192xi32, #tpu.memory_space<vmem>>, vector<16xi32>,
      %add3A_856 = arith.constant 768 : i32
      %add3A_857 = vector.broadcast %add3A_856 : i32 to vector<16xi32>
      %add3A_858 = arith.addi %add3A_802, %add3A_857 : vector<16xi32>
      %mul3A_859 = arith.constant 16 : i32
      %mul3A_860 = arith.muli %scan3A_791, %mul3A_859 : i32
      %add3A_861 = arith.constant 3072 : i32
      %add3A_862 = arith.addi %add3A_861, %mul3A_860 : i32
      %swap3A_863 = arith.index_cast %add3A_862 : i32 to index
      %swap3A_864 = tpu.vector_load %arg12[%swap3A_863] {strides = array<i32>} : memref<8192xi32, #tpu.memory_space<vmem>>, vector<16xi32>,
      tpu.vector_store %arg12[%swap3A_863], %add3A_858 {strides = array<i32>} : memref<8192xi32, #tpu.memory_space<vmem>>, vector<16xi32>,
      %add3A_865 = arith.constant 896 : i32
      %add3A_866 = vector.broadcast %add3A_865 : i32 to vector<16xi32>
      %add3A_867 = arith.addi %add3A_802, %add3A_866 : vector<16xi32>
      %mul3A_868 = arith.constant 16 : i32
      %mul3A_869 = arith.muli %scan3A_791, %mul3A_868 : i32
      %add3A_870 = arith.constant 3584 : i32
      %add3A_871 = arith.addi %add3A_870, %mul3A_869 : i32
      %swap3A_872 = arith.index_cast %add3A_871 : i32 to index
      %swap3A_873 = tpu.vector_load %arg12[%swap3A_872] {strides = array<i32>} : memref<8192xi32, #tpu.memory_space<vmem>>, vector<16xi32>,
      tpu.vector_store %arg12[%swap3A_872], %add3A_867 {strides = array<i32>} : memref<8192xi32, #tpu.memory_space<vmem>>, vector<16xi32>,
      %add3A_874 = arith.constant 8000512 : i32
      %add3A_875 = vector.broadcast %add3A_874 : i32 to vector<16xi32>
      %add3A_876 = arith.addi %add3A_802, %add3A_875 : vector<16xi32>
      %mul3A_877 = arith.constant 16 : i32
      %mul3A_878 = arith.muli %scan3A_791, %mul3A_877 : i32
      %add3A_879 = arith.constant 4096 : i32
      %add3A_880 = arith.addi %add3A_879, %mul3A_878 : i32
      %swap3A_881 = arith.index_cast %add3A_880 : i32 to index
      %swap3A_882 = tpu.vector_load %arg12[%swap3A_881] {strides = array<i32>} : memref<8192xi32, #tpu.memory_space<vmem>>, vector<16xi32>,
      tpu.vector_store %arg12[%swap3A_881], %add3A_876 {strides = array<i32>} : memref<8192xi32, #tpu.memory_space<vmem>>, vector<16xi32>,
      %add3A_883 = arith.constant 8000640 : i32
      %add3A_884 = vector.broadcast %add3A_883 : i32 to vector<16xi32>
      %add3A_885 = arith.addi %add3A_802, %add3A_884 : vector<16xi32>
      %mul3A_886 = arith.constant 16 : i32
      %mul3A_887 = arith.muli %scan3A_791, %mul3A_886 : i32
      %add3A_888 = arith.constant 4608 : i32
      %add3A_889 = arith.addi %add3A_888, %mul3A_887 : i32
      %swap3A_890 = arith.index_cast %add3A_889 : i32 to index
      %swap3A_891 = tpu.vector_load %arg12[%swap3A_890] {strides = array<i32>} : memref<8192xi32, #tpu.memory_space<vmem>>, vector<16xi32>,
      tpu.vector_store %arg12[%swap3A_890], %add3A_885 {strides = array<i32>} : memref<8192xi32, #tpu.memory_space<vmem>>, vector<16xi32>,
      %add3A_892 = arith.constant 8000768 : i32
      %add3A_893 = vector.broadcast %add3A_892 : i32 to vector<16xi32>
      %add3A_894 = arith.addi %add3A_802, %add3A_893 : vector<16xi32>
      %mul3A_895 = arith.constant 16 : i32
      %mul3A_896 = arith.muli %scan3A_791, %mul3A_895 : i32
      %add3A_897 = arith.constant 5120 : i32
      %add3A_898 = arith.addi %add3A_897, %mul3A_896 : i32
      %swap3A_899 = arith.index_cast %add3A_898 : i32 to index
      %swap3A_900 = tpu.vector_load %arg12[%swap3A_899] {strides = array<i32>} : memref<8192xi32, #tpu.memory_space<vmem>>, vector<16xi32>,
      tpu.vector_store %arg12[%swap3A_899], %add3A_894 {strides = array<i32>} : memref<8192xi32, #tpu.memory_space<vmem>>, vector<16xi32>,
      %add3A_901 = arith.constant 8000896 : i32
      %add3A_902 = vector.broadcast %add3A_901 : i32 to vector<16xi32>
      %add3A_903 = arith.addi %add3A_802, %add3A_902 : vector<16xi32>
      %mul3A_904 = arith.constant 16 : i32
      %mul3A_905 = arith.muli %scan3A_791, %mul3A_904 : i32
      %add3A_906 = arith.constant 5632 : i32
      %add3A_907 = arith.addi %add3A_906, %mul3A_905 : i32
      %swap3A_908 = arith.index_cast %add3A_907 : i32 to index
      %swap3A_909 = tpu.vector_load %arg12[%swap3A_908] {strides = array<i32>} : memref<8192xi32, #tpu.memory_space<vmem>>, vector<16xi32>,
      tpu.vector_store %arg12[%swap3A_908], %add3A_903 {strides = array<i32>} : memref<8192xi32, #tpu.memory_space<vmem>>, vector<16xi32>,
      %add3A_910 = arith.constant 8001024 : i32
      %add3A_911 = vector.broadcast %add3A_910 : i32 to vector<16xi32>
      %add3A_912 = arith.addi %add3A_802, %add3A_911 : vector<16xi32>
      %mul3A_913 = arith.constant 16 : i32
      %mul3A_914 = arith.muli %scan3A_791, %mul3A_913 : i32
      %add3A_915 = arith.constant 6144 : i32
      %add3A_916 = arith.addi %add3A_915, %mul3A_914 : i32
      %swap3A_917 = arith.index_cast %add3A_916 : i32 to index
      %swap3A_918 = tpu.vector_load %arg12[%swap3A_917] {strides = array<i32>} : memref<8192xi32, #tpu.memory_space<vmem>>, vector<16xi32>,
      tpu.vector_store %arg12[%swap3A_917], %add3A_912 {strides = array<i32>} : memref<8192xi32, #tpu.memory_space<vmem>>, vector<16xi32>,
      %add3A_919 = arith.constant 8001152 : i32
      %add3A_920 = vector.broadcast %add3A_919 : i32 to vector<16xi32>
      %add3A_921 = arith.addi %add3A_802, %add3A_920 : vector<16xi32>
      %mul3A_922 = arith.constant 16 : i32
      %mul3A_923 = arith.muli %scan3A_791, %mul3A_922 : i32
      %add3A_924 = arith.constant 6656 : i32
      %add3A_925 = arith.addi %add3A_924, %mul3A_923 : i32
      %swap3A_926 = arith.index_cast %add3A_925 : i32 to index
      %swap3A_927 = tpu.vector_load %arg12[%swap3A_926] {strides = array<i32>} : memref<8192xi32, #tpu.memory_space<vmem>>, vector<16xi32>,
      tpu.vector_store %arg12[%swap3A_926], %add3A_921 {strides = array<i32>} : memref<8192xi32, #tpu.memory_space<vmem>>, vector<16xi32>,
      %add3A_928 = arith.constant 8001280 : i32
      %add3A_929 = vector.broadcast %add3A_928 : i32 to vector<16xi32>
      %add3A_930 = arith.addi %add3A_802, %add3A_929 : vector<16xi32>
      %mul3A_931 = arith.constant 16 : i32
      %mul3A_932 = arith.muli %scan3A_791, %mul3A_931 : i32
      %add3A_933 = arith.constant 7168 : i32
      %add3A_934 = arith.addi %add3A_933, %mul3A_932 : i32
      %swap3A_935 = arith.index_cast %add3A_934 : i32 to index
      %swap3A_936 = tpu.vector_load %arg12[%swap3A_935] {strides = array<i32>} : memref<8192xi32, #tpu.memory_space<vmem>>, vector<16xi32>,
      tpu.vector_store %arg12[%swap3A_935], %add3A_930 {strides = array<i32>} : memref<8192xi32, #tpu.memory_space<vmem>>, vector<16xi32>,
      %add3A_937 = arith.constant 8001408 : i32
      %add3A_938 = vector.broadcast %add3A_937 : i32 to vector<16xi32>
      %add3A_939 = arith.addi %add3A_802, %add3A_938 : vector<16xi32>
      %mul3A_940 = arith.constant 16 : i32
      %mul3A_941 = arith.muli %scan3A_791, %mul3A_940 : i32
      %add3A_942 = arith.constant 7680 : i32
      %add3A_943 = arith.addi %add3A_942, %mul3A_941 : i32
      %swap3A_944 = arith.index_cast %add3A_943 : i32 to index
      %swap3A_945 = tpu.vector_load %arg12[%swap3A_944] {strides = array<i32>} : memref<8192xi32, #tpu.memory_space<vmem>>, vector<16xi32>,
      tpu.vector_store %arg12[%swap3A_944], %add3A_939 {strides = array<i32>} : memref<8192xi32, #tpu.memory_space<vmem>>, vector<16xi32>,
      %scan3A_946 = arith.constant 0 : i32
      scf.yield %scan3A_946 : i32
    }
    %scan3A_8 = arith.constant 32 : i32
    %scan3A_9 = arith.constant 0 : i32
    %scan3A_10 = arith.constant 0 : i32
    %scan3A_11 = arith.constant 32 : i32
    %scan3A_12 = arith.addi %scan3A_10, %scan3A_11 : i32
    %scan3A_13 = arith.constant 1 : i32
    %scan3A_14 = scf.for %scan3A_791 = %scan3A_10 to %scan3A_12 step %scan3A_13 iter_args(%scan3A_792 = %scan3A_9) -> (i32)  : i32 {
      %mul3A_793 = arith.constant 16 : i32
      %mul3A_794 = arith.muli %scan3A_791, %mul3A_793 : i32
      %get3A = arith.index_cast %mul3A_794 : i32 to index
      %get3A_795 = tpu.vector_load %arg10[%get3A] {strides = array<i32>} : memref<512xi32, #tpu.memory_space<vmem>>, vector<16xi32>,
      %shift_right_arithmetic3A = arith.constant 7 : i32
      %shift_right_arithmetic3A_796 = vector.broadcast %shift_right_arithmetic3A : i32 to vector<16xi32>
      %shift_right_arithmetic3A_797 = arith.shrsi %get3A_795, %shift_right_arithmetic3A_796 : vector<16xi32>
      %shift_left3A = arith.constant 10 : i32
      %shift_left3A_798 = vector.broadcast %shift_left3A : i32 to vector<16xi32>
      %shift_left3A_799 = arith.shli %shift_right_arithmetic3A_797, %shift_left3A_798 : vector<16xi32>
      %and3A = arith.constant 127 : i32
      %and3A_800 = vector.broadcast %and3A : i32 to vector<16xi32>
      %and3A_801 = arith.andi %get3A_795, %and3A_800 : vector<16xi32>
      %add3A_802 = arith.addi %shift_left3A_799, %and3A_801 : vector<16xi32>
      %add3A_803 = arith.constant 0 : i32
      %add3A_804 = vector.broadcast %add3A_803 : i32 to vector<16xi32>
      %add3A_805 = arith.addi %add3A_802, %add3A_804 : vector<16xi32>
      %mul3A_806 = arith.constant 16 : i32
      %mul3A_807 = arith.muli %scan3A_791, %mul3A_806 : i32
      %add3A_808 = arith.constant 0 : i32
      %add3A_809 = arith.addi %add3A_808, %mul3A_807 : i32
      %swap3A = arith.index_cast %add3A_809 : i32 to index
      %swap3A_810 = tpu.vector_load %arg13[%swap3A] {strides = array<i32>} : memref<8192xi32, #tpu.memory_space<vmem>>, vector<16xi32>,
      tpu.vector_store %arg13[%swap3A], %add3A_805 {strides = array<i32>} : memref<8192xi32, #tpu.memory_space<vmem>>, vector<16xi32>,
      %add3A_811 = arith.constant 128 : i32
      %add3A_812 = vector.broadcast %add3A_811 : i32 to vector<16xi32>
      %add3A_813 = arith.addi %add3A_802, %add3A_812 : vector<16xi32>
      %mul3A_814 = arith.constant 16 : i32
      %mul3A_815 = arith.muli %scan3A_791, %mul3A_814 : i32
      %add3A_816 = arith.constant 512 : i32
      %add3A_817 = arith.addi %add3A_816, %mul3A_815 : i32
      %swap3A_818 = arith.index_cast %add3A_817 : i32 to index
      %swap3A_819 = tpu.vector_load %arg13[%swap3A_818] {strides = array<i32>} : memref<8192xi32, #tpu.memory_space<vmem>>, vector<16xi32>,
      tpu.vector_store %arg13[%swap3A_818], %add3A_813 {strides = array<i32>} : memref<8192xi32, #tpu.memory_space<vmem>>, vector<16xi32>,
      %add3A_820 = arith.constant 256 : i32
      %add3A_821 = vector.broadcast %add3A_820 : i32 to vector<16xi32>
      %add3A_822 = arith.addi %add3A_802, %add3A_821 : vector<16xi32>
      %mul3A_823 = arith.constant 16 : i32
      %mul3A_824 = arith.muli %scan3A_791, %mul3A_823 : i32
      %add3A_825 = arith.constant 1024 : i32
      %add3A_826 = arith.addi %add3A_825, %mul3A_824 : i32
      %swap3A_827 = arith.index_cast %add3A_826 : i32 to index
      %swap3A_828 = tpu.vector_load %arg13[%swap3A_827] {strides = array<i32>} : memref<8192xi32, #tpu.memory_space<vmem>>, vector<16xi32>,
      tpu.vector_store %arg13[%swap3A_827], %add3A_822 {strides = array<i32>} : memref<8192xi32, #tpu.memory_space<vmem>>, vector<16xi32>,
      %add3A_829 = arith.constant 384 : i32
      %add3A_830 = vector.broadcast %add3A_829 : i32 to vector<16xi32>
      %add3A_831 = arith.addi %add3A_802, %add3A_830 : vector<16xi32>
      %mul3A_832 = arith.constant 16 : i32
      %mul3A_833 = arith.muli %scan3A_791, %mul3A_832 : i32
      %add3A_834 = arith.constant 1536 : i32
      %add3A_835 = arith.addi %add3A_834, %mul3A_833 : i32
      %swap3A_836 = arith.index_cast %add3A_835 : i32 to index
      %swap3A_837 = tpu.vector_load %arg13[%swap3A_836] {strides = array<i32>} : memref<8192xi32, #tpu.memory_space<vmem>>, vector<16xi32>,
      tpu.vector_store %arg13[%swap3A_836], %add3A_831 {strides = array<i32>} : memref<8192xi32, #tpu.memory_space<vmem>>, vector<16xi32>,
      %add3A_838 = arith.constant 512 : i32
      %add3A_839 = vector.broadcast %add3A_838 : i32 to vector<16xi32>
      %add3A_840 = arith.addi %add3A_802, %add3A_839 : vector<16xi32>
      %mul3A_841 = arith.constant 16 : i32
      %mul3A_842 = arith.muli %scan3A_791, %mul3A_841 : i32
      %add3A_843 = arith.constant 2048 : i32
      %add3A_844 = arith.addi %add3A_843, %mul3A_842 : i32
      %swap3A_845 = arith.index_cast %add3A_844 : i32 to index
      %swap3A_846 = tpu.vector_load %arg13[%swap3A_845] {strides = array<i32>} : memref<8192xi32, #tpu.memory_space<vmem>>, vector<16xi32>,
      tpu.vector_store %arg13[%swap3A_845], %add3A_840 {strides = array<i32>} : memref<8192xi32, #tpu.memory_space<vmem>>, vector<16xi32>,
      %add3A_847 = arith.constant 640 : i32
      %add3A_848 = vector.broadcast %add3A_847 : i32 to vector<16xi32>
      %add3A_849 = arith.addi %add3A_802, %add3A_848 : vector<16xi32>
      %mul3A_850 = arith.constant 16 : i32
      %mul3A_851 = arith.muli %scan3A_791, %mul3A_850 : i32
      %add3A_852 = arith.constant 2560 : i32
      %add3A_853 = arith.addi %add3A_852, %mul3A_851 : i32
      %swap3A_854 = arith.index_cast %add3A_853 : i32 to index
      %swap3A_855 = tpu.vector_load %arg13[%swap3A_854] {strides = array<i32>} : memref<8192xi32, #tpu.memory_space<vmem>>, vector<16xi32>,
      tpu.vector_store %arg13[%swap3A_854], %add3A_849 {strides = array<i32>} : memref<8192xi32, #tpu.memory_space<vmem>>, vector<16xi32>,
      %add3A_856 = arith.constant 768 : i32
      %add3A_857 = vector.broadcast %add3A_856 : i32 to vector<16xi32>
      %add3A_858 = arith.addi %add3A_802, %add3A_857 : vector<16xi32>
      %mul3A_859 = arith.constant 16 : i32
      %mul3A_860 = arith.muli %scan3A_791, %mul3A_859 : i32
      %add3A_861 = arith.constant 3072 : i32
      %add3A_862 = arith.addi %add3A_861, %mul3A_860 : i32
      %swap3A_863 = arith.index_cast %add3A_862 : i32 to index
      %swap3A_864 = tpu.vector_load %arg13[%swap3A_863] {strides = array<i32>} : memref<8192xi32, #tpu.memory_space<vmem>>, vector<16xi32>,
      tpu.vector_store %arg13[%swap3A_863], %add3A_858 {strides = array<i32>} : memref<8192xi32, #tpu.memory_space<vmem>>, vector<16xi32>,
      %add3A_865 = arith.constant 896 : i32
      %add3A_866 = vector.broadcast %add3A_865 : i32 to vector<16xi32>
      %add3A_867 = arith.addi %add3A_802, %add3A_866 : vector<16xi32>
      %mul3A_868 = arith.constant 16 : i32
      %mul3A_869 = arith.muli %scan3A_791, %mul3A_868 : i32
      %add3A_870 = arith.constant 3584 : i32
      %add3A_871 = arith.addi %add3A_870, %mul3A_869 : i32
      %swap3A_872 = arith.index_cast %add3A_871 : i32 to index
      %swap3A_873 = tpu.vector_load %arg13[%swap3A_872] {strides = array<i32>} : memref<8192xi32, #tpu.memory_space<vmem>>, vector<16xi32>,
      tpu.vector_store %arg13[%swap3A_872], %add3A_867 {strides = array<i32>} : memref<8192xi32, #tpu.memory_space<vmem>>, vector<16xi32>,
      %add3A_874 = arith.constant 8000512 : i32
      %add3A_875 = vector.broadcast %add3A_874 : i32 to vector<16xi32>
      %add3A_876 = arith.addi %add3A_802, %add3A_875 : vector<16xi32>
      %mul3A_877 = arith.constant 16 : i32
      %mul3A_878 = arith.muli %scan3A_791, %mul3A_877 : i32
      %add3A_879 = arith.constant 4096 : i32
      %add3A_880 = arith.addi %add3A_879, %mul3A_878 : i32
      %swap3A_881 = arith.index_cast %add3A_880 : i32 to index
      %swap3A_882 = tpu.vector_load %arg13[%swap3A_881] {strides = array<i32>} : memref<8192xi32, #tpu.memory_space<vmem>>, vector<16xi32>,
      tpu.vector_store %arg13[%swap3A_881], %add3A_876 {strides = array<i32>} : memref<8192xi32, #tpu.memory_space<vmem>>, vector<16xi32>,
      %add3A_883 = arith.constant 8000640 : i32
      %add3A_884 = vector.broadcast %add3A_883 : i32 to vector<16xi32>
      %add3A_885 = arith.addi %add3A_802, %add3A_884 : vector<16xi32>
      %mul3A_886 = arith.constant 16 : i32
      %mul3A_887 = arith.muli %scan3A_791, %mul3A_886 : i32
      %add3A_888 = arith.constant 4608 : i32
      %add3A_889 = arith.addi %add3A_888, %mul3A_887 : i32
      %swap3A_890 = arith.index_cast %add3A_889 : i32 to index
      %swap3A_891 = tpu.vector_load %arg13[%swap3A_890] {strides = array<i32>} : memref<8192xi32, #tpu.memory_space<vmem>>, vector<16xi32>,
      tpu.vector_store %arg13[%swap3A_890], %add3A_885 {strides = array<i32>} : memref<8192xi32, #tpu.memory_space<vmem>>, vector<16xi32>,
      %add3A_892 = arith.constant 8000768 : i32
      %add3A_893 = vector.broadcast %add3A_892 : i32 to vector<16xi32>
      %add3A_894 = arith.addi %add3A_802, %add3A_893 : vector<16xi32>
      %mul3A_895 = arith.constant 16 : i32
      %mul3A_896 = arith.muli %scan3A_791, %mul3A_895 : i32
      %add3A_897 = arith.constant 5120 : i32
      %add3A_898 = arith.addi %add3A_897, %mul3A_896 : i32
      %swap3A_899 = arith.index_cast %add3A_898 : i32 to index
      %swap3A_900 = tpu.vector_load %arg13[%swap3A_899] {strides = array<i32>} : memref<8192xi32, #tpu.memory_space<vmem>>, vector<16xi32>,
      tpu.vector_store %arg13[%swap3A_899], %add3A_894 {strides = array<i32>} : memref<8192xi32, #tpu.memory_space<vmem>>, vector<16xi32>,
      %add3A_901 = arith.constant 8000896 : i32
      %add3A_902 = vector.broadcast %add3A_901 : i32 to vector<16xi32>
      %add3A_903 = arith.addi %add3A_802, %add3A_902 : vector<16xi32>
      %mul3A_904 = arith.constant 16 : i32
      %mul3A_905 = arith.muli %scan3A_791, %mul3A_904 : i32
      %add3A_906 = arith.constant 5632 : i32
      %add3A_907 = arith.addi %add3A_906, %mul3A_905 : i32
      %swap3A_908 = arith.index_cast %add3A_907 : i32 to index
      %swap3A_909 = tpu.vector_load %arg13[%swap3A_908] {strides = array<i32>} : memref<8192xi32, #tpu.memory_space<vmem>>, vector<16xi32>,
      tpu.vector_store %arg13[%swap3A_908], %add3A_903 {strides = array<i32>} : memref<8192xi32, #tpu.memory_space<vmem>>, vector<16xi32>,
      %add3A_910 = arith.constant 8001024 : i32
      %add3A_911 = vector.broadcast %add3A_910 : i32 to vector<16xi32>
      %add3A_912 = arith.addi %add3A_802, %add3A_911 : vector<16xi32>
      %mul3A_913 = arith.constant 16 : i32
      %mul3A_914 = arith.muli %scan3A_791, %mul3A_913 : i32
      %add3A_915 = arith.constant 6144 : i32
      %add3A_916 = arith.addi %add3A_915, %mul3A_914 : i32
      %swap3A_917 = arith.index_cast %add3A_916 : i32 to index
      %swap3A_918 = tpu.vector_load %arg13[%swap3A_917] {strides = array<i32>} : memref<8192xi32, #tpu.memory_space<vmem>>, vector<16xi32>,
      tpu.vector_store %arg13[%swap3A_917], %add3A_912 {strides = array<i32>} : memref<8192xi32, #tpu.memory_space<vmem>>, vector<16xi32>,
      %add3A_919 = arith.constant 8001152 : i32
      %add3A_920 = vector.broadcast %add3A_919 : i32 to vector<16xi32>
      %add3A_921 = arith.addi %add3A_802, %add3A_920 : vector<16xi32>
      %mul3A_922 = arith.constant 16 : i32
      %mul3A_923 = arith.muli %scan3A_791, %mul3A_922 : i32
      %add3A_924 = arith.constant 6656 : i32
      %add3A_925 = arith.addi %add3A_924, %mul3A_923 : i32
      %swap3A_926 = arith.index_cast %add3A_925 : i32 to index
      %swap3A_927 = tpu.vector_load %arg13[%swap3A_926] {strides = array<i32>} : memref<8192xi32, #tpu.memory_space<vmem>>, vector<16xi32>,
      tpu.vector_store %arg13[%swap3A_926], %add3A_921 {strides = array<i32>} : memref<8192xi32, #tpu.memory_space<vmem>>, vector<16xi32>,
      %add3A_928 = arith.constant 8001280 : i32
      %add3A_929 = vector.broadcast %add3A_928 : i32 to vector<16xi32>
      %add3A_930 = arith.addi %add3A_802, %add3A_929 : vector<16xi32>
      %mul3A_931 = arith.constant 16 : i32
      %mul3A_932 = arith.muli %scan3A_791, %mul3A_931 : i32
      %add3A_933 = arith.constant 7168 : i32
      %add3A_934 = arith.addi %add3A_933, %mul3A_932 : i32
      %swap3A_935 = arith.index_cast %add3A_934 : i32 to index
      %swap3A_936 = tpu.vector_load %arg13[%swap3A_935] {strides = array<i32>} : memref<8192xi32, #tpu.memory_space<vmem>>, vector<16xi32>,
      tpu.vector_store %arg13[%swap3A_935], %add3A_930 {strides = array<i32>} : memref<8192xi32, #tpu.memory_space<vmem>>, vector<16xi32>,
      %add3A_937 = arith.constant 8001408 : i32
      %add3A_938 = vector.broadcast %add3A_937 : i32 to vector<16xi32>
      %add3A_939 = arith.addi %add3A_802, %add3A_938 : vector<16xi32>
      %mul3A_940 = arith.constant 16 : i32
      %mul3A_941 = arith.muli %scan3A_791, %mul3A_940 : i32
      %add3A_942 = arith.constant 7680 : i32
      %add3A_943 = arith.addi %add3A_942, %mul3A_941 : i32
      %swap3A_944 = arith.index_cast %add3A_943 : i32 to index
      %swap3A_945 = tpu.vector_load %arg13[%swap3A_944] {strides = array<i32>} : memref<8192xi32, #tpu.memory_space<vmem>>, vector<16xi32>,
      tpu.vector_store %arg13[%swap3A_944], %add3A_939 {strides = array<i32>} : memref<8192xi32, #tpu.memory_space<vmem>>, vector<16xi32>,
      %scan3A_946 = arith.constant 0 : i32
      scf.yield %scan3A_946 : i32
    }
    %scan3A_15 = arith.constant 32 : i32
    %scan3A_16 = arith.constant 0 : i32
    %scan3A_17 = arith.constant 0 : i32
    %scan3A_18 = arith.constant 32 : i32
    %scan3A_19 = arith.addi %scan3A_17, %scan3A_18 : i32
    %scan3A_20 = arith.constant 1 : i32
    %scan3A_21 = scf.for %scan3A_791 = %scan3A_17 to %scan3A_19 step %scan3A_20 iter_args(%scan3A_792 = %scan3A_16) -> (i32)  : i32 {
      %mul3A_793 = arith.constant 16 : i32
      %mul3A_794 = arith.muli %scan3A_791, %mul3A_793 : i32
      %get3A = arith.index_cast %mul3A_794 : i32 to index
      %get3A_795 = tpu.vector_load %arg11[%get3A] {strides = array<i32>} : memref<512xi32, #tpu.memory_space<vmem>>, vector<16xi32>,
      %shift_right_arithmetic3A = arith.constant 7 : i32
      %shift_right_arithmetic3A_796 = vector.broadcast %shift_right_arithmetic3A : i32 to vector<16xi32>
      %shift_right_arithmetic3A_797 = arith.shrsi %get3A_795, %shift_right_arithmetic3A_796 : vector<16xi32>
      %shift_left3A = arith.constant 10 : i32
      %shift_left3A_798 = vector.broadcast %shift_left3A : i32 to vector<16xi32>
      %shift_left3A_799 = arith.shli %shift_right_arithmetic3A_797, %shift_left3A_798 : vector<16xi32>
      %and3A = arith.constant 127 : i32
      %and3A_800 = vector.broadcast %and3A : i32 to vector<16xi32>
      %and3A_801 = arith.andi %get3A_795, %and3A_800 : vector<16xi32>
      %add3A_802 = arith.addi %shift_left3A_799, %and3A_801 : vector<16xi32>
      %add3A_803 = arith.constant 0 : i32
      %add3A_804 = vector.broadcast %add3A_803 : i32 to vector<16xi32>
      %add3A_805 = arith.addi %add3A_802, %add3A_804 : vector<16xi32>
      %mul3A_806 = arith.constant 16 : i32
      %mul3A_807 = arith.muli %scan3A_791, %mul3A_806 : i32
      %add3A_808 = arith.constant 0 : i32
      %add3A_809 = arith.addi %add3A_808, %mul3A_807 : i32
      %swap3A = arith.index_cast %add3A_809 : i32 to index
      %swap3A_810 = tpu.vector_load %arg14[%swap3A] {strides = array<i32>} : memref<8192xi32, #tpu.memory_space<vmem>>, vector<16xi32>,
      tpu.vector_store %arg14[%swap3A], %add3A_805 {strides = array<i32>} : memref<8192xi32, #tpu.memory_space<vmem>>, vector<16xi32>,
      %add3A_811 = arith.constant 128 : i32
      %add3A_812 = vector.broadcast %add3A_811 : i32 to vector<16xi32>
      %add3A_813 = arith.addi %add3A_802, %add3A_812 : vector<16xi32>
      %mul3A_814 = arith.constant 16 : i32
      %mul3A_815 = arith.muli %scan3A_791, %mul3A_814 : i32
      %add3A_816 = arith.constant 512 : i32
      %add3A_817 = arith.addi %add3A_816, %mul3A_815 : i32
      %swap3A_818 = arith.index_cast %add3A_817 : i32 to index
      %swap3A_819 = tpu.vector_load %arg14[%swap3A_818] {strides = array<i32>} : memref<8192xi32, #tpu.memory_space<vmem>>, vector<16xi32>,
      tpu.vector_store %arg14[%swap3A_818], %add3A_813 {strides = array<i32>} : memref<8192xi32, #tpu.memory_space<vmem>>, vector<16xi32>,
      %add3A_820 = arith.constant 256 : i32
      %add3A_821 = vector.broadcast %add3A_820 : i32 to vector<16xi32>
      %add3A_822 = arith.addi %add3A_802, %add3A_821 : vector<16xi32>
      %mul3A_823 = arith.constant 16 : i32
      %mul3A_824 = arith.muli %scan3A_791, %mul3A_823 : i32
      %add3A_825 = arith.constant 1024 : i32
      %add3A_826 = arith.addi %add3A_825, %mul3A_824 : i32
      %swap3A_827 = arith.index_cast %add3A_826 : i32 to index
      %swap3A_828 = tpu.vector_load %arg14[%swap3A_827] {strides = array<i32>} : memref<8192xi32, #tpu.memory_space<vmem>>, vector<16xi32>,
      tpu.vector_store %arg14[%swap3A_827], %add3A_822 {strides = array<i32>} : memref<8192xi32, #tpu.memory_space<vmem>>, vector<16xi32>,
      %add3A_829 = arith.constant 384 : i32
      %add3A_830 = vector.broadcast %add3A_829 : i32 to vector<16xi32>
      %add3A_831 = arith.addi %add3A_802, %add3A_830 : vector<16xi32>
      %mul3A_832 = arith.constant 16 : i32
      %mul3A_833 = arith.muli %scan3A_791, %mul3A_832 : i32
      %add3A_834 = arith.constant 1536 : i32
      %add3A_835 = arith.addi %add3A_834, %mul3A_833 : i32
      %swap3A_836 = arith.index_cast %add3A_835 : i32 to index
      %swap3A_837 = tpu.vector_load %arg14[%swap3A_836] {strides = array<i32>} : memref<8192xi32, #tpu.memory_space<vmem>>, vector<16xi32>,
      tpu.vector_store %arg14[%swap3A_836], %add3A_831 {strides = array<i32>} : memref<8192xi32, #tpu.memory_space<vmem>>, vector<16xi32>,
      %add3A_838 = arith.constant 512 : i32
      %add3A_839 = vector.broadcast %add3A_838 : i32 to vector<16xi32>
      %add3A_840 = arith.addi %add3A_802, %add3A_839 : vector<16xi32>
      %mul3A_841 = arith.constant 16 : i32
      %mul3A_842 = arith.muli %scan3A_791, %mul3A_841 : i32
      %add3A_843 = arith.constant 2048 : i32
      %add3A_844 = arith.addi %add3A_843, %mul3A_842 : i32
      %swap3A_845 = arith.index_cast %add3A_844 : i32 to index
      %swap3A_846 = tpu.vector_load %arg14[%swap3A_845] {strides = array<i32>} : memref<8192xi32, #tpu.memory_space<vmem>>, vector<16xi32>,
      tpu.vector_store %arg14[%swap3A_845], %add3A_840 {strides = array<i32>} : memref<8192xi32, #tpu.memory_space<vmem>>, vector<16xi32>,
      %add3A_847 = arith.constant 640 : i32
      %add3A_848 = vector.broadcast %add3A_847 : i32 to vector<16xi32>
      %add3A_849 = arith.addi %add3A_802, %add3A_848 : vector<16xi32>
      %mul3A_850 = arith.constant 16 : i32
      %mul3A_851 = arith.muli %scan3A_791, %mul3A_850 : i32
      %add3A_852 = arith.constant 2560 : i32
      %add3A_853 = arith.addi %add3A_852, %mul3A_851 : i32
      %swap3A_854 = arith.index_cast %add3A_853 : i32 to index
      %swap3A_855 = tpu.vector_load %arg14[%swap3A_854] {strides = array<i32>} : memref<8192xi32, #tpu.memory_space<vmem>>, vector<16xi32>,
      tpu.vector_store %arg14[%swap3A_854], %add3A_849 {strides = array<i32>} : memref<8192xi32, #tpu.memory_space<vmem>>, vector<16xi32>,
      %add3A_856 = arith.constant 768 : i32
      %add3A_857 = vector.broadcast %add3A_856 : i32 to vector<16xi32>
      %add3A_858 = arith.addi %add3A_802, %add3A_857 : vector<16xi32>
      %mul3A_859 = arith.constant 16 : i32
      %mul3A_860 = arith.muli %scan3A_791, %mul3A_859 : i32
      %add3A_861 = arith.constant 3072 : i32
      %add3A_862 = arith.addi %add3A_861, %mul3A_860 : i32
      %swap3A_863 = arith.index_cast %add3A_862 : i32 to index
      %swap3A_864 = tpu.vector_load %arg14[%swap3A_863] {strides = array<i32>} : memref<8192xi32, #tpu.memory_space<vmem>>, vector<16xi32>,
      tpu.vector_store %arg14[%swap3A_863], %add3A_858 {strides = array<i32>} : memref<8192xi32, #tpu.memory_space<vmem>>, vector<16xi32>,
      %add3A_865 = arith.constant 896 : i32
      %add3A_866 = vector.broadcast %add3A_865 : i32 to vector<16xi32>
      %add3A_867 = arith.addi %add3A_802, %add3A_866 : vector<16xi32>
      %mul3A_868 = arith.constant 16 : i32
      %mul3A_869 = arith.muli %scan3A_791, %mul3A_868 : i32
      %add3A_870 = arith.constant 3584 : i32
      %add3A_871 = arith.addi %add3A_870, %mul3A_869 : i32
      %swap3A_872 = arith.index_cast %add3A_871 : i32 to index
      %swap3A_873 = tpu.vector_load %arg14[%swap3A_872] {strides = array<i32>} : memref<8192xi32, #tpu.memory_space<vmem>>, vector<16xi32>,
      tpu.vector_store %arg14[%swap3A_872], %add3A_867 {strides = array<i32>} : memref<8192xi32, #tpu.memory_space<vmem>>, vector<16xi32>,
      %add3A_874 = arith.constant 800768 : i32
      %add3A_875 = vector.broadcast %add3A_874 : i32 to vector<16xi32>
      %add3A_876 = arith.addi %add3A_802, %add3A_875 : vector<16xi32>
      %mul3A_877 = arith.constant 16 : i32
      %mul3A_878 = arith.muli %scan3A_791, %mul3A_877 : i32
      %add3A_879 = arith.constant 4096 : i32
      %add3A_880 = arith.addi %add3A_879, %mul3A_878 : i32
      %swap3A_881 = arith.index_cast %add3A_880 : i32 to index
      %swap3A_882 = tpu.vector_load %arg14[%swap3A_881] {strides = array<i32>} : memref<8192xi32, #tpu.memory_space<vmem>>, vector<16xi32>,
      tpu.vector_store %arg14[%swap3A_881], %add3A_876 {strides = array<i32>} : memref<8192xi32, #tpu.memory_space<vmem>>, vector<16xi32>,
      %add3A_883 = arith.constant 800896 : i32
      %add3A_884 = vector.broadcast %add3A_883 : i32 to vector<16xi32>
      %add3A_885 = arith.addi %add3A_802, %add3A_884 : vector<16xi32>
      %mul3A_886 = arith.constant 16 : i32
      %mul3A_887 = arith.muli %scan3A_791, %mul3A_886 : i32
      %add3A_888 = arith.constant 4608 : i32
      %add3A_889 = arith.addi %add3A_888, %mul3A_887 : i32
      %swap3A_890 = arith.index_cast %add3A_889 : i32 to index
      %swap3A_891 = tpu.vector_load %arg14[%swap3A_890] {strides = array<i32>} : memref<8192xi32, #tpu.memory_space<vmem>>, vector<16xi32>,
      tpu.vector_store %arg14[%swap3A_890], %add3A_885 {strides = array<i32>} : memref<8192xi32, #tpu.memory_space<vmem>>, vector<16xi32>,
      %add3A_892 = arith.constant 801024 : i32
      %add3A_893 = vector.broadcast %add3A_892 : i32 to vector<16xi32>
      %add3A_894 = arith.addi %add3A_802, %add3A_893 : vector<16xi32>
      %mul3A_895 = arith.constant 16 : i32
      %mul3A_896 = arith.muli %scan3A_791, %mul3A_895 : i32
      %add3A_897 = arith.constant 5120 : i32
      %add3A_898 = arith.addi %add3A_897, %mul3A_896 : i32
      %swap3A_899 = arith.index_cast %add3A_898 : i32 to index
      %swap3A_900 = tpu.vector_load %arg14[%swap3A_899] {strides = array<i32>} : memref<8192xi32, #tpu.memory_space<vmem>>, vector<16xi32>,
      tpu.vector_store %arg14[%swap3A_899], %add3A_894 {strides = array<i32>} : memref<8192xi32, #tpu.memory_space<vmem>>, vector<16xi32>,
      %add3A_901 = arith.constant 801152 : i32
      %add3A_902 = vector.broadcast %add3A_901 : i32 to vector<16xi32>
      %add3A_903 = arith.addi %add3A_802, %add3A_902 : vector<16xi32>
      %mul3A_904 = arith.constant 16 : i32
      %mul3A_905 = arith.muli %scan3A_791, %mul3A_904 : i32
      %add3A_906 = arith.constant 5632 : i32
      %add3A_907 = arith.addi %add3A_906, %mul3A_905 : i32
      %swap3A_908 = arith.index_cast %add3A_907 : i32 to index
      %swap3A_909 = tpu.vector_load %arg14[%swap3A_908] {strides = array<i32>} : memref<8192xi32, #tpu.memory_space<vmem>>, vector<16xi32>,
      tpu.vector_store %arg14[%swap3A_908], %add3A_903 {strides = array<i32>} : memref<8192xi32, #tpu.memory_space<vmem>>, vector<16xi32>,
      %add3A_910 = arith.constant 801280 : i32
      %add3A_911 = vector.broadcast %add3A_910 : i32 to vector<16xi32>
      %add3A_912 = arith.addi %add3A_802, %add3A_911 : vector<16xi32>
      %mul3A_913 = arith.constant 16 : i32
      %mul3A_914 = arith.muli %scan3A_791, %mul3A_913 : i32
      %add3A_915 = arith.constant 6144 : i32
      %add3A_916 = arith.addi %add3A_915, %mul3A_914 : i32
      %swap3A_917 = arith.index_cast %add3A_916 : i32 to index
      %swap3A_918 = tpu.vector_load %arg14[%swap3A_917] {strides = array<i32>} : memref<8192xi32, #tpu.memory_space<vmem>>, vector<16xi32>,
      tpu.vector_store %arg14[%swap3A_917], %add3A_912 {strides = array<i32>} : memref<8192xi32, #tpu.memory_space<vmem>>, vector<16xi32>,
      %add3A_919 = arith.constant 801408 : i32
      %add3A_920 = vector.broadcast %add3A_919 : i32 to vector<16xi32>
      %add3A_921 = arith.addi %add3A_802, %add3A_920 : vector<16xi32>
      %mul3A_922 = arith.constant 16 : i32
      %mul3A_923 = arith.muli %scan3A_791, %mul3A_922 : i32
      %add3A_924 = arith.constant 6656 : i32
      %add3A_925 = arith.addi %add3A_924, %mul3A_923 : i32
      %swap3A_926 = arith.index_cast %add3A_925 : i32 to index
      %swap3A_927 = tpu.vector_load %arg14[%swap3A_926] {strides = array<i32>} : memref<8192xi32, #tpu.memory_space<vmem>>, vector<16xi32>,
      tpu.vector_store %arg14[%swap3A_926], %add3A_921 {strides = array<i32>} : memref<8192xi32, #tpu.memory_space<vmem>>, vector<16xi32>,
      %add3A_928 = arith.constant 801536 : i32
      %add3A_929 = vector.broadcast %add3A_928 : i32 to vector<16xi32>
      %add3A_930 = arith.addi %add3A_802, %add3A_929 : vector<16xi32>
      %mul3A_931 = arith.constant 16 : i32
      %mul3A_932 = arith.muli %scan3A_791, %mul3A_931 : i32
      %add3A_933 = arith.constant 7168 : i32
      %add3A_934 = arith.addi %add3A_933, %mul3A_932 : i32
      %swap3A_935 = arith.index_cast %add3A_934 : i32 to index
      %swap3A_936 = tpu.vector_load %arg14[%swap3A_935] {strides = array<i32>} : memref<8192xi32, #tpu.memory_space<vmem>>, vector<16xi32>,
      tpu.vector_store %arg14[%swap3A_935], %add3A_930 {strides = array<i32>} : memref<8192xi32, #tpu.memory_space<vmem>>, vector<16xi32>,
      %add3A_937 = arith.constant 801664 : i32
      %add3A_938 = vector.broadcast %add3A_937 : i32 to vector<16xi32>
      %add3A_939 = arith.addi %add3A_802, %add3A_938 : vector<16xi32>
      %mul3A_940 = arith.constant 16 : i32
      %mul3A_941 = arith.muli %scan3A_791, %mul3A_940 : i32
      %add3A_942 = arith.constant 7680 : i32
      %add3A_943 = arith.addi %add3A_942, %mul3A_941 : i32
      %swap3A_944 = arith.index_cast %add3A_943 : i32 to index
      %swap3A_945 = tpu.vector_load %arg14[%swap3A_944] {strides = array<i32>} : memref<8192xi32, #tpu.memory_space<vmem>>, vector<16xi32>,
      tpu.vector_store %arg14[%swap3A_944], %add3A_939 {strides = array<i32>} : memref<8192xi32, #tpu.memory_space<vmem>>, vector<16xi32>,
      %scan3A_946 = arith.constant 0 : i32
      scf.yield %scan3A_946 : i32
    }
    %scan3A_22 = arith.constant 32 : i32
    %dma_start3A = arith.constant 0 : i32
    %dma_start3A_23 = arith.constant 0 : i32
    %dma_start3A_24 = tpu.memref_slice %arg15[%dma_start3A, %dma_start3A_23] : memref<16x512xf32, #tpu.memory_space<vmem>> -> memref<1x512xf32, #tpu.memory_space<vmem>>
    %dma_start3A_25 = tpu.memref_squeeze %dma_start3A_24 : memref<1x512xf32, #tpu.memory_space<vmem>> -> memref<512xf32, #tpu.memory_space<vmem>>
    %dma_start3A_26 = arith.constant 0 : i32
    %dma_start3A_27 = tpu.memref_slice %arg12[%dma_start3A_26] : memref<8192xi32, #tpu.memory_space<vmem>> -> memref<512xi32, #tpu.memory_space<vmem>>
    %dma_start3A_28 = arith.constant 0 : i32
    %dma_start3A_29 = tpu.memref_slice %arg5[%dma_start3A_28] : memref<16001024xf32, #tpu.memory_space<hbm>> -> memref<16001024xf32, #tpu.memory_space<hbm>>
    tpu.enqueue_indirect_dma source(%dma_start3A_29 : memref<16001024xf32, #tpu.memory_space<hbm>>) target(%dma_start3A_25 : memref<512xf32, #tpu.memory_space<vmem>>) offsets(%dma_start3A_27 : memref<512xi32, #tpu.memory_space<vmem>>) semaphore(%arg18 : memref<!tpu.dma_semaphore, #tpu.memory_space<semaphore_mem>>)
    %dma_start3A_30 = arith.constant 0 : i32
    %dma_start3A_31 = arith.constant 0 : i32
    %dma_start3A_32 = tpu.memref_slice %arg16[%dma_start3A_30, %dma_start3A_31] : memref<16x512xf32, #tpu.memory_space<vmem>> -> memref<1x512xf32, #tpu.memory_space<vmem>>
    %dma_start3A_33 = tpu.memref_squeeze %dma_start3A_32 : memref<1x512xf32, #tpu.memory_space<vmem>> -> memref<512xf32, #tpu.memory_space<vmem>>
    %dma_start3A_34 = arith.constant 0 : i32
    %dma_start3A_35 = tpu.memref_slice %arg13[%dma_start3A_34] : memref<8192xi32, #tpu.memory_space<vmem>> -> memref<512xi32, #tpu.memory_space<vmem>>
    %dma_start3A_36 = arith.constant 0 : i32
    %dma_start3A_37 = tpu.memref_slice %arg6[%dma_start3A_36] : memref<16001024xf32, #tpu.memory_space<hbm>> -> memref<16001024xf32, #tpu.memory_space<hbm>>
    tpu.enqueue_indirect_dma source(%dma_start3A_37 : memref<16001024xf32, #tpu.memory_space<hbm>>) target(%dma_start3A_33 : memref<512xf32, #tpu.memory_space<vmem>>) offsets(%dma_start3A_35 : memref<512xi32, #tpu.memory_space<vmem>>) semaphore(%arg19 : memref<!tpu.dma_semaphore, #tpu.memory_space<semaphore_mem>>)
    %dma_start3A_38 = arith.constant 0 : i32
    %dma_start3A_39 = arith.constant 0 : i32
    %dma_start3A_40 = tpu.memref_slice %arg17[%dma_start3A_38, %dma_start3A_39] : memref<16x512xf32, #tpu.memory_space<vmem>> -> memref<1x512xf32, #tpu.memory_space<vmem>>
    %dma_start3A_41 = tpu.memref_squeeze %dma_start3A_40 : memref<1x512xf32, #tpu.memory_space<vmem>> -> memref<512xf32, #tpu.memory_space<vmem>>
    %dma_start3A_42 = arith.constant 0 : i32
    %dma_start3A_43 = tpu.memref_slice %arg14[%dma_start3A_42] : memref<8192xi32, #tpu.memory_space<vmem>> -> memref<512xi32, #tpu.memory_space<vmem>>
    %dma_start3A_44 = arith.constant 0 : i32
    %dma_start3A_45 = tpu.memref_slice %arg7[%dma_start3A_44] : memref<1601536xf32, #tpu.memory_space<hbm>> -> memref<1601536xf32, #tpu.memory_space<hbm>>
    tpu.enqueue_indirect_dma source(%dma_start3A_45 : memref<1601536xf32, #tpu.memory_space<hbm>>) target(%dma_start3A_41 : memref<512xf32, #tpu.memory_space<vmem>>) offsets(%dma_start3A_43 : memref<512xi32, #tpu.memory_space<vmem>>) semaphore(%arg20 : memref<!tpu.dma_semaphore, #tpu.memory_space<semaphore_mem>>)
    %dma_start3A_46 = arith.constant 1 : i32
    %dma_start3A_47 = arith.constant 0 : i32
    %dma_start3A_48 = tpu.memref_slice %arg15[%dma_start3A_46, %dma_start3A_47] : memref<16x512xf32, #tpu.memory_space<vmem>> -> memref<1x512xf32, #tpu.memory_space<vmem>>
    %dma_start3A_49 = tpu.memref_squeeze %dma_start3A_48 : memref<1x512xf32, #tpu.memory_space<vmem>> -> memref<512xf32, #tpu.memory_space<vmem>>
    %dma_start3A_50 = arith.constant 512 : i32
    %dma_start3A_51 = tpu.memref_slice %arg12[%dma_start3A_50] : memref<8192xi32, #tpu.memory_space<vmem>> -> memref<512xi32, #tpu.memory_space<vmem>>
    %dma_start3A_52 = arith.constant 0 : i32
    %dma_start3A_53 = tpu.memref_slice %arg5[%dma_start3A_52] : memref<16001024xf32, #tpu.memory_space<hbm>> -> memref<16001024xf32, #tpu.memory_space<hbm>>
    tpu.enqueue_indirect_dma source(%dma_start3A_53 : memref<16001024xf32, #tpu.memory_space<hbm>>) target(%dma_start3A_49 : memref<512xf32, #tpu.memory_space<vmem>>) offsets(%dma_start3A_51 : memref<512xi32, #tpu.memory_space<vmem>>) semaphore(%arg18 : memref<!tpu.dma_semaphore, #tpu.memory_space<semaphore_mem>>)
    %dma_start3A_54 = arith.constant 1 : i32
    %dma_start3A_55 = arith.constant 0 : i32
    %dma_start3A_56 = tpu.memref_slice %arg16[%dma_start3A_54, %dma_start3A_55] : memref<16x512xf32, #tpu.memory_space<vmem>> -> memref<1x512xf32, #tpu.memory_space<vmem>>
    %dma_start3A_57 = tpu.memref_squeeze %dma_start3A_56 : memref<1x512xf32, #tpu.memory_space<vmem>> -> memref<512xf32, #tpu.memory_space<vmem>>
    %dma_start3A_58 = arith.constant 512 : i32
    %dma_start3A_59 = tpu.memref_slice %arg13[%dma_start3A_58] : memref<8192xi32, #tpu.memory_space<vmem>> -> memref<512xi32, #tpu.memory_space<vmem>>
    %dma_start3A_60 = arith.constant 0 : i32
    %dma_start3A_61 = tpu.memref_slice %arg6[%dma_start3A_60] : memref<16001024xf32, #tpu.memory_space<hbm>> -> memref<16001024xf32, #tpu.memory_space<hbm>>
    tpu.enqueue_indirect_dma source(%dma_start3A_61 : memref<16001024xf32, #tpu.memory_space<hbm>>) target(%dma_start3A_57 : memref<512xf32, #tpu.memory_space<vmem>>) offsets(%dma_start3A_59 : memref<512xi32, #tpu.memory_space<vmem>>) semaphore(%arg19 : memref<!tpu.dma_semaphore, #tpu.memory_space<semaphore_mem>>)
    %dma_start3A_62 = arith.constant 1 : i32
    %dma_start3A_63 = arith.constant 0 : i32
    %dma_start3A_64 = tpu.memref_slice %arg17[%dma_start3A_62, %dma_start3A_63] : memref<16x512xf32, #tpu.memory_space<vmem>> -> memref<1x512xf32, #tpu.memory_space<vmem>>
    %dma_start3A_65 = tpu.memref_squeeze %dma_start3A_64 : memref<1x512xf32, #tpu.memory_space<vmem>> -> memref<512xf32, #tpu.memory_space<vmem>>
    %dma_start3A_66 = arith.constant 512 : i32
    %dma_start3A_67 = tpu.memref_slice %arg14[%dma_start3A_66] : memref<8192xi32, #tpu.memory_space<vmem>> -> memref<512xi32, #tpu.memory_space<vmem>>
    %dma_start3A_68 = arith.constant 0 : i32
    %dma_start3A_69 = tpu.memref_slice %arg7[%dma_start3A_68] : memref<1601536xf32, #tpu.memory_space<hbm>> -> memref<1601536xf32, #tpu.memory_space<hbm>>
    tpu.enqueue_indirect_dma source(%dma_start3A_69 : memref<1601536xf32, #tpu.memory_space<hbm>>) target(%dma_start3A_65 : memref<512xf32, #tpu.memory_space<vmem>>) offsets(%dma_start3A_67 : memref<512xi32, #tpu.memory_space<vmem>>) semaphore(%arg20 : memref<!tpu.dma_semaphore, #tpu.memory_space<semaphore_mem>>)
    %dma_start3A_70 = arith.constant 2 : i32
    %dma_start3A_71 = arith.constant 0 : i32
    %dma_start3A_72 = tpu.memref_slice %arg15[%dma_start3A_70, %dma_start3A_71] : memref<16x512xf32, #tpu.memory_space<vmem>> -> memref<1x512xf32, #tpu.memory_space<vmem>>
    %dma_start3A_73 = tpu.memref_squeeze %dma_start3A_72 : memref<1x512xf32, #tpu.memory_space<vmem>> -> memref<512xf32, #tpu.memory_space<vmem>>
    %dma_start3A_74 = arith.constant 1024 : i32
    %dma_start3A_75 = tpu.memref_slice %arg12[%dma_start3A_74] : memref<8192xi32, #tpu.memory_space<vmem>> -> memref<512xi32, #tpu.memory_space<vmem>>
    %dma_start3A_76 = arith.constant 0 : i32
    %dma_start3A_77 = tpu.memref_slice %arg5[%dma_start3A_76] : memref<16001024xf32, #tpu.memory_space<hbm>> -> memref<16001024xf32, #tpu.memory_space<hbm>>
    tpu.enqueue_indirect_dma source(%dma_start3A_77 : memref<16001024xf32, #tpu.memory_space<hbm>>) target(%dma_start3A_73 : memref<512xf32, #tpu.memory_space<vmem>>) offsets(%dma_start3A_75 : memref<512xi32, #tpu.memory_space<vmem>>) semaphore(%arg18 : memref<!tpu.dma_semaphore, #tpu.memory_space<semaphore_mem>>)
    %dma_start3A_78 = arith.constant 2 : i32
    %dma_start3A_79 = arith.constant 0 : i32
    %dma_start3A_80 = tpu.memref_slice %arg16[%dma_start3A_78, %dma_start3A_79] : memref<16x512xf32, #tpu.memory_space<vmem>> -> memref<1x512xf32, #tpu.memory_space<vmem>>
    %dma_start3A_81 = tpu.memref_squeeze %dma_start3A_80 : memref<1x512xf32, #tpu.memory_space<vmem>> -> memref<512xf32, #tpu.memory_space<vmem>>
    %dma_start3A_82 = arith.constant 1024 : i32
    %dma_start3A_83 = tpu.memref_slice %arg13[%dma_start3A_82] : memref<8192xi32, #tpu.memory_space<vmem>> -> memref<512xi32, #tpu.memory_space<vmem>>
    %dma_start3A_84 = arith.constant 0 : i32
    %dma_start3A_85 = tpu.memref_slice %arg6[%dma_start3A_84] : memref<16001024xf32, #tpu.memory_space<hbm>> -> memref<16001024xf32, #tpu.memory_space<hbm>>
    tpu.enqueue_indirect_dma source(%dma_start3A_85 : memref<16001024xf32, #tpu.memory_space<hbm>>) target(%dma_start3A_81 : memref<512xf32, #tpu.memory_space<vmem>>) offsets(%dma_start3A_83 : memref<512xi32, #tpu.memory_space<vmem>>) semaphore(%arg19 : memref<!tpu.dma_semaphore, #tpu.memory_space<semaphore_mem>>)
    %dma_start3A_86 = arith.constant 2 : i32
    %dma_start3A_87 = arith.constant 0 : i32
    %dma_start3A_88 = tpu.memref_slice %arg17[%dma_start3A_86, %dma_start3A_87] : memref<16x512xf32, #tpu.memory_space<vmem>> -> memref<1x512xf32, #tpu.memory_space<vmem>>
    %dma_start3A_89 = tpu.memref_squeeze %dma_start3A_88 : memref<1x512xf32, #tpu.memory_space<vmem>> -> memref<512xf32, #tpu.memory_space<vmem>>
    %dma_start3A_90 = arith.constant 1024 : i32
    %dma_start3A_91 = tpu.memref_slice %arg14[%dma_start3A_90] : memref<8192xi32, #tpu.memory_space<vmem>> -> memref<512xi32, #tpu.memory_space<vmem>>
    %dma_start3A_92 = arith.constant 0 : i32
    %dma_start3A_93 = tpu.memref_slice %arg7[%dma_start3A_92] : memref<1601536xf32, #tpu.memory_space<hbm>> -> memref<1601536xf32, #tpu.memory_space<hbm>>
    tpu.enqueue_indirect_dma source(%dma_start3A_93 : memref<1601536xf32, #tpu.memory_space<hbm>>) target(%dma_start3A_89 : memref<512xf32, #tpu.memory_space<vmem>>) offsets(%dma_start3A_91 : memref<512xi32, #tpu.memory_space<vmem>>) semaphore(%arg20 : memref<!tpu.dma_semaphore, #tpu.memory_space<semaphore_mem>>)
    %dma_start3A_94 = arith.constant 3 : i32
    %dma_start3A_95 = arith.constant 0 : i32
    %dma_start3A_96 = tpu.memref_slice %arg15[%dma_start3A_94, %dma_start3A_95] : memref<16x512xf32, #tpu.memory_space<vmem>> -> memref<1x512xf32, #tpu.memory_space<vmem>>
    %dma_start3A_97 = tpu.memref_squeeze %dma_start3A_96 : memref<1x512xf32, #tpu.memory_space<vmem>> -> memref<512xf32, #tpu.memory_space<vmem>>
    %dma_start3A_98 = arith.constant 1536 : i32
    %dma_start3A_99 = tpu.memref_slice %arg12[%dma_start3A_98] : memref<8192xi32, #tpu.memory_space<vmem>> -> memref<512xi32, #tpu.memory_space<vmem>>
    %dma_start3A_100 = arith.constant 0 : i32
    %dma_start3A_101 = tpu.memref_slice %arg5[%dma_start3A_100] : memref<16001024xf32, #tpu.memory_space<hbm>> -> memref<16001024xf32, #tpu.memory_space<hbm>>
    tpu.enqueue_indirect_dma source(%dma_start3A_101 : memref<16001024xf32, #tpu.memory_space<hbm>>) target(%dma_start3A_97 : memref<512xf32, #tpu.memory_space<vmem>>) offsets(%dma_start3A_99 : memref<512xi32, #tpu.memory_space<vmem>>) semaphore(%arg18 : memref<!tpu.dma_semaphore, #tpu.memory_space<semaphore_mem>>)
    %dma_start3A_102 = arith.constant 3 : i32
    %dma_start3A_103 = arith.constant 0 : i32
    %dma_start3A_104 = tpu.memref_slice %arg16[%dma_start3A_102, %dma_start3A_103] : memref<16x512xf32, #tpu.memory_space<vmem>> -> memref<1x512xf32, #tpu.memory_space<vmem>>
    %dma_start3A_105 = tpu.memref_squeeze %dma_start3A_104 : memref<1x512xf32, #tpu.memory_space<vmem>> -> memref<512xf32, #tpu.memory_space<vmem>>
    %dma_start3A_106 = arith.constant 1536 : i32
    %dma_start3A_107 = tpu.memref_slice %arg13[%dma_start3A_106] : memref<8192xi32, #tpu.memory_space<vmem>> -> memref<512xi32, #tpu.memory_space<vmem>>
    %dma_start3A_108 = arith.constant 0 : i32
    %dma_start3A_109 = tpu.memref_slice %arg6[%dma_start3A_108] : memref<16001024xf32, #tpu.memory_space<hbm>> -> memref<16001024xf32, #tpu.memory_space<hbm>>
    tpu.enqueue_indirect_dma source(%dma_start3A_109 : memref<16001024xf32, #tpu.memory_space<hbm>>) target(%dma_start3A_105 : memref<512xf32, #tpu.memory_space<vmem>>) offsets(%dma_start3A_107 : memref<512xi32, #tpu.memory_space<vmem>>) semaphore(%arg19 : memref<!tpu.dma_semaphore, #tpu.memory_space<semaphore_mem>>)
    %dma_start3A_110 = arith.constant 3 : i32
    %dma_start3A_111 = arith.constant 0 : i32
    %dma_start3A_112 = tpu.memref_slice %arg17[%dma_start3A_110, %dma_start3A_111] : memref<16x512xf32, #tpu.memory_space<vmem>> -> memref<1x512xf32, #tpu.memory_space<vmem>>
    %dma_start3A_113 = tpu.memref_squeeze %dma_start3A_112 : memref<1x512xf32, #tpu.memory_space<vmem>> -> memref<512xf32, #tpu.memory_space<vmem>>
    %dma_start3A_114 = arith.constant 1536 : i32
    %dma_start3A_115 = tpu.memref_slice %arg14[%dma_start3A_114] : memref<8192xi32, #tpu.memory_space<vmem>> -> memref<512xi32, #tpu.memory_space<vmem>>
    %dma_start3A_116 = arith.constant 0 : i32
    %dma_start3A_117 = tpu.memref_slice %arg7[%dma_start3A_116] : memref<1601536xf32, #tpu.memory_space<hbm>> -> memref<1601536xf32, #tpu.memory_space<hbm>>
    tpu.enqueue_indirect_dma source(%dma_start3A_117 : memref<1601536xf32, #tpu.memory_space<hbm>>) target(%dma_start3A_113 : memref<512xf32, #tpu.memory_space<vmem>>) offsets(%dma_start3A_115 : memref<512xi32, #tpu.memory_space<vmem>>) semaphore(%arg20 : memref<!tpu.dma_semaphore, #tpu.memory_space<semaphore_mem>>)
    %dma_start3A_118 = arith.constant 4 : i32
    %dma_start3A_119 = arith.constant 0 : i32
    %dma_start3A_120 = tpu.memref_slice %arg15[%dma_start3A_118, %dma_start3A_119] : memref<16x512xf32, #tpu.memory_space<vmem>> -> memref<1x512xf32, #tpu.memory_space<vmem>>
    %dma_start3A_121 = tpu.memref_squeeze %dma_start3A_120 : memref<1x512xf32, #tpu.memory_space<vmem>> -> memref<512xf32, #tpu.memory_space<vmem>>
    %dma_start3A_122 = arith.constant 2048 : i32
    %dma_start3A_123 = tpu.memref_slice %arg12[%dma_start3A_122] : memref<8192xi32, #tpu.memory_space<vmem>> -> memref<512xi32, #tpu.memory_space<vmem>>
    %dma_start3A_124 = arith.constant 0 : i32
    %dma_start3A_125 = tpu.memref_slice %arg5[%dma_start3A_124] : memref<16001024xf32, #tpu.memory_space<hbm>> -> memref<16001024xf32, #tpu.memory_space<hbm>>
    tpu.enqueue_indirect_dma source(%dma_start3A_125 : memref<16001024xf32, #tpu.memory_space<hbm>>) target(%dma_start3A_121 : memref<512xf32, #tpu.memory_space<vmem>>) offsets(%dma_start3A_123 : memref<512xi32, #tpu.memory_space<vmem>>) semaphore(%arg18 : memref<!tpu.dma_semaphore, #tpu.memory_space<semaphore_mem>>)
    %dma_start3A_126 = arith.constant 4 : i32
    %dma_start3A_127 = arith.constant 0 : i32
    %dma_start3A_128 = tpu.memref_slice %arg16[%dma_start3A_126, %dma_start3A_127] : memref<16x512xf32, #tpu.memory_space<vmem>> -> memref<1x512xf32, #tpu.memory_space<vmem>>
    %dma_start3A_129 = tpu.memref_squeeze %dma_start3A_128 : memref<1x512xf32, #tpu.memory_space<vmem>> -> memref<512xf32, #tpu.memory_space<vmem>>
    %dma_start3A_130 = arith.constant 2048 : i32
    %dma_start3A_131 = tpu.memref_slice %arg13[%dma_start3A_130] : memref<8192xi32, #tpu.memory_space<vmem>> -> memref<512xi32, #tpu.memory_space<vmem>>
    %dma_start3A_132 = arith.constant 0 : i32
    %dma_start3A_133 = tpu.memref_slice %arg6[%dma_start3A_132] : memref<16001024xf32, #tpu.memory_space<hbm>> -> memref<16001024xf32, #tpu.memory_space<hbm>>
    tpu.enqueue_indirect_dma source(%dma_start3A_133 : memref<16001024xf32, #tpu.memory_space<hbm>>) target(%dma_start3A_129 : memref<512xf32, #tpu.memory_space<vmem>>) offsets(%dma_start3A_131 : memref<512xi32, #tpu.memory_space<vmem>>) semaphore(%arg19 : memref<!tpu.dma_semaphore, #tpu.memory_space<semaphore_mem>>)
    %dma_start3A_134 = arith.constant 4 : i32
    %dma_start3A_135 = arith.constant 0 : i32
    %dma_start3A_136 = tpu.memref_slice %arg17[%dma_start3A_134, %dma_start3A_135] : memref<16x512xf32, #tpu.memory_space<vmem>> -> memref<1x512xf32, #tpu.memory_space<vmem>>
    %dma_start3A_137 = tpu.memref_squeeze %dma_start3A_136 : memref<1x512xf32, #tpu.memory_space<vmem>> -> memref<512xf32, #tpu.memory_space<vmem>>
    %dma_start3A_138 = arith.constant 2048 : i32
    %dma_start3A_139 = tpu.memref_slice %arg14[%dma_start3A_138] : memref<8192xi32, #tpu.memory_space<vmem>> -> memref<512xi32, #tpu.memory_space<vmem>>
    %dma_start3A_140 = arith.constant 0 : i32
    %dma_start3A_141 = tpu.memref_slice %arg7[%dma_start3A_140] : memref<1601536xf32, #tpu.memory_space<hbm>> -> memref<1601536xf32, #tpu.memory_space<hbm>>
    tpu.enqueue_indirect_dma source(%dma_start3A_141 : memref<1601536xf32, #tpu.memory_space<hbm>>) target(%dma_start3A_137 : memref<512xf32, #tpu.memory_space<vmem>>) offsets(%dma_start3A_139 : memref<512xi32, #tpu.memory_space<vmem>>) semaphore(%arg20 : memref<!tpu.dma_semaphore, #tpu.memory_space<semaphore_mem>>)
    %dma_start3A_142 = arith.constant 5 : i32
    %dma_start3A_143 = arith.constant 0 : i32
    %dma_start3A_144 = tpu.memref_slice %arg15[%dma_start3A_142, %dma_start3A_143] : memref<16x512xf32, #tpu.memory_space<vmem>> -> memref<1x512xf32, #tpu.memory_space<vmem>>
    %dma_start3A_145 = tpu.memref_squeeze %dma_start3A_144 : memref<1x512xf32, #tpu.memory_space<vmem>> -> memref<512xf32, #tpu.memory_space<vmem>>
    %dma_start3A_146 = arith.constant 2560 : i32
    %dma_start3A_147 = tpu.memref_slice %arg12[%dma_start3A_146] : memref<8192xi32, #tpu.memory_space<vmem>> -> memref<512xi32, #tpu.memory_space<vmem>>
    %dma_start3A_148 = arith.constant 0 : i32
    %dma_start3A_149 = tpu.memref_slice %arg5[%dma_start3A_148] : memref<16001024xf32, #tpu.memory_space<hbm>> -> memref<16001024xf32, #tpu.memory_space<hbm>>
    tpu.enqueue_indirect_dma source(%dma_start3A_149 : memref<16001024xf32, #tpu.memory_space<hbm>>) target(%dma_start3A_145 : memref<512xf32, #tpu.memory_space<vmem>>) offsets(%dma_start3A_147 : memref<512xi32, #tpu.memory_space<vmem>>) semaphore(%arg18 : memref<!tpu.dma_semaphore, #tpu.memory_space<semaphore_mem>>)
    %dma_start3A_150 = arith.constant 5 : i32
    %dma_start3A_151 = arith.constant 0 : i32
    %dma_start3A_152 = tpu.memref_slice %arg16[%dma_start3A_150, %dma_start3A_151] : memref<16x512xf32, #tpu.memory_space<vmem>> -> memref<1x512xf32, #tpu.memory_space<vmem>>
    %dma_start3A_153 = tpu.memref_squeeze %dma_start3A_152 : memref<1x512xf32, #tpu.memory_space<vmem>> -> memref<512xf32, #tpu.memory_space<vmem>>
    %dma_start3A_154 = arith.constant 2560 : i32
    %dma_start3A_155 = tpu.memref_slice %arg13[%dma_start3A_154] : memref<8192xi32, #tpu.memory_space<vmem>> -> memref<512xi32, #tpu.memory_space<vmem>>
    %dma_start3A_156 = arith.constant 0 : i32
    %dma_start3A_157 = tpu.memref_slice %arg6[%dma_start3A_156] : memref<16001024xf32, #tpu.memory_space<hbm>> -> memref<16001024xf32, #tpu.memory_space<hbm>>
    tpu.enqueue_indirect_dma source(%dma_start3A_157 : memref<16001024xf32, #tpu.memory_space<hbm>>) target(%dma_start3A_153 : memref<512xf32, #tpu.memory_space<vmem>>) offsets(%dma_start3A_155 : memref<512xi32, #tpu.memory_space<vmem>>) semaphore(%arg19 : memref<!tpu.dma_semaphore, #tpu.memory_space<semaphore_mem>>)
    %dma_start3A_158 = arith.constant 5 : i32
    %dma_start3A_159 = arith.constant 0 : i32
    %dma_start3A_160 = tpu.memref_slice %arg17[%dma_start3A_158, %dma_start3A_159] : memref<16x512xf32, #tpu.memory_space<vmem>> -> memref<1x512xf32, #tpu.memory_space<vmem>>
    %dma_start3A_161 = tpu.memref_squeeze %dma_start3A_160 : memref<1x512xf32, #tpu.memory_space<vmem>> -> memref<512xf32, #tpu.memory_space<vmem>>
    %dma_start3A_162 = arith.constant 2560 : i32
    %dma_start3A_163 = tpu.memref_slice %arg14[%dma_start3A_162] : memref<8192xi32, #tpu.memory_space<vmem>> -> memref<512xi32, #tpu.memory_space<vmem>>
    %dma_start3A_164 = arith.constant 0 : i32
    %dma_start3A_165 = tpu.memref_slice %arg7[%dma_start3A_164] : memref<1601536xf32, #tpu.memory_space<hbm>> -> memref<1601536xf32, #tpu.memory_space<hbm>>
    tpu.enqueue_indirect_dma source(%dma_start3A_165 : memref<1601536xf32, #tpu.memory_space<hbm>>) target(%dma_start3A_161 : memref<512xf32, #tpu.memory_space<vmem>>) offsets(%dma_start3A_163 : memref<512xi32, #tpu.memory_space<vmem>>) semaphore(%arg20 : memref<!tpu.dma_semaphore, #tpu.memory_space<semaphore_mem>>)
    %dma_start3A_166 = arith.constant 6 : i32
    %dma_start3A_167 = arith.constant 0 : i32
    %dma_start3A_168 = tpu.memref_slice %arg15[%dma_start3A_166, %dma_start3A_167] : memref<16x512xf32, #tpu.memory_space<vmem>> -> memref<1x512xf32, #tpu.memory_space<vmem>>
    %dma_start3A_169 = tpu.memref_squeeze %dma_start3A_168 : memref<1x512xf32, #tpu.memory_space<vmem>> -> memref<512xf32, #tpu.memory_space<vmem>>
    %dma_start3A_170 = arith.constant 3072 : i32
    %dma_start3A_171 = tpu.memref_slice %arg12[%dma_start3A_170] : memref<8192xi32, #tpu.memory_space<vmem>> -> memref<512xi32, #tpu.memory_space<vmem>>
    %dma_start3A_172 = arith.constant 0 : i32
    %dma_start3A_173 = tpu.memref_slice %arg5[%dma_start3A_172] : memref<16001024xf32, #tpu.memory_space<hbm>> -> memref<16001024xf32, #tpu.memory_space<hbm>>
    tpu.enqueue_indirect_dma source(%dma_start3A_173 : memref<16001024xf32, #tpu.memory_space<hbm>>) target(%dma_start3A_169 : memref<512xf32, #tpu.memory_space<vmem>>) offsets(%dma_start3A_171 : memref<512xi32, #tpu.memory_space<vmem>>) semaphore(%arg18 : memref<!tpu.dma_semaphore, #tpu.memory_space<semaphore_mem>>)
    %dma_start3A_174 = arith.constant 6 : i32
    %dma_start3A_175 = arith.constant 0 : i32
    %dma_start3A_176 = tpu.memref_slice %arg16[%dma_start3A_174, %dma_start3A_175] : memref<16x512xf32, #tpu.memory_space<vmem>> -> memref<1x512xf32, #tpu.memory_space<vmem>>
    %dma_start3A_177 = tpu.memref_squeeze %dma_start3A_176 : memref<1x512xf32, #tpu.memory_space<vmem>> -> memref<512xf32, #tpu.memory_space<vmem>>
    %dma_start3A_178 = arith.constant 3072 : i32
    %dma_start3A_179 = tpu.memref_slice %arg13[%dma_start3A_178] : memref<8192xi32, #tpu.memory_space<vmem>> -> memref<512xi32, #tpu.memory_space<vmem>>
    %dma_start3A_180 = arith.constant 0 : i32
    %dma_start3A_181 = tpu.memref_slice %arg6[%dma_start3A_180] : memref<16001024xf32, #tpu.memory_space<hbm>> -> memref<16001024xf32, #tpu.memory_space<hbm>>
    tpu.enqueue_indirect_dma source(%dma_start3A_181 : memref<16001024xf32, #tpu.memory_space<hbm>>) target(%dma_start3A_177 : memref<512xf32, #tpu.memory_space<vmem>>) offsets(%dma_start3A_179 : memref<512xi32, #tpu.memory_space<vmem>>) semaphore(%arg19 : memref<!tpu.dma_semaphore, #tpu.memory_space<semaphore_mem>>)
    %dma_start3A_182 = arith.constant 6 : i32
    %dma_start3A_183 = arith.constant 0 : i32
    %dma_start3A_184 = tpu.memref_slice %arg17[%dma_start3A_182, %dma_start3A_183] : memref<16x512xf32, #tpu.memory_space<vmem>> -> memref<1x512xf32, #tpu.memory_space<vmem>>
    %dma_start3A_185 = tpu.memref_squeeze %dma_start3A_184 : memref<1x512xf32, #tpu.memory_space<vmem>> -> memref<512xf32, #tpu.memory_space<vmem>>
    %dma_start3A_186 = arith.constant 3072 : i32
    %dma_start3A_187 = tpu.memref_slice %arg14[%dma_start3A_186] : memref<8192xi32, #tpu.memory_space<vmem>> -> memref<512xi32, #tpu.memory_space<vmem>>
    %dma_start3A_188 = arith.constant 0 : i32
    %dma_start3A_189 = tpu.memref_slice %arg7[%dma_start3A_188] : memref<1601536xf32, #tpu.memory_space<hbm>> -> memref<1601536xf32, #tpu.memory_space<hbm>>
    tpu.enqueue_indirect_dma source(%dma_start3A_189 : memref<1601536xf32, #tpu.memory_space<hbm>>) target(%dma_start3A_185 : memref<512xf32, #tpu.memory_space<vmem>>) offsets(%dma_start3A_187 : memref<512xi32, #tpu.memory_space<vmem>>) semaphore(%arg20 : memref<!tpu.dma_semaphore, #tpu.memory_space<semaphore_mem>>)
    %dma_start3A_190 = arith.constant 7 : i32
    %dma_start3A_191 = arith.constant 0 : i32
    %dma_start3A_192 = tpu.memref_slice %arg15[%dma_start3A_190, %dma_start3A_191] : memref<16x512xf32, #tpu.memory_space<vmem>> -> memref<1x512xf32, #tpu.memory_space<vmem>>
    %dma_start3A_193 = tpu.memref_squeeze %dma_start3A_192 : memref<1x512xf32, #tpu.memory_space<vmem>> -> memref<512xf32, #tpu.memory_space<vmem>>
    %dma_start3A_194 = arith.constant 3584 : i32
    %dma_start3A_195 = tpu.memref_slice %arg12[%dma_start3A_194] : memref<8192xi32, #tpu.memory_space<vmem>> -> memref<512xi32, #tpu.memory_space<vmem>>
    %dma_start3A_196 = arith.constant 0 : i32
    %dma_start3A_197 = tpu.memref_slice %arg5[%dma_start3A_196] : memref<16001024xf32, #tpu.memory_space<hbm>> -> memref<16001024xf32, #tpu.memory_space<hbm>>
    tpu.enqueue_indirect_dma source(%dma_start3A_197 : memref<16001024xf32, #tpu.memory_space<hbm>>) target(%dma_start3A_193 : memref<512xf32, #tpu.memory_space<vmem>>) offsets(%dma_start3A_195 : memref<512xi32, #tpu.memory_space<vmem>>) semaphore(%arg18 : memref<!tpu.dma_semaphore, #tpu.memory_space<semaphore_mem>>)
    %dma_start3A_198 = arith.constant 7 : i32
    %dma_start3A_199 = arith.constant 0 : i32
    %dma_start3A_200 = tpu.memref_slice %arg16[%dma_start3A_198, %dma_start3A_199] : memref<16x512xf32, #tpu.memory_space<vmem>> -> memref<1x512xf32, #tpu.memory_space<vmem>>
    %dma_start3A_201 = tpu.memref_squeeze %dma_start3A_200 : memref<1x512xf32, #tpu.memory_space<vmem>> -> memref<512xf32, #tpu.memory_space<vmem>>
    %dma_start3A_202 = arith.constant 3584 : i32
    %dma_start3A_203 = tpu.memref_slice %arg13[%dma_start3A_202] : memref<8192xi32, #tpu.memory_space<vmem>> -> memref<512xi32, #tpu.memory_space<vmem>>
    %dma_start3A_204 = arith.constant 0 : i32
    %dma_start3A_205 = tpu.memref_slice %arg6[%dma_start3A_204] : memref<16001024xf32, #tpu.memory_space<hbm>> -> memref<16001024xf32, #tpu.memory_space<hbm>>
    tpu.enqueue_indirect_dma source(%dma_start3A_205 : memref<16001024xf32, #tpu.memory_space<hbm>>) target(%dma_start3A_201 : memref<512xf32, #tpu.memory_space<vmem>>) offsets(%dma_start3A_203 : memref<512xi32, #tpu.memory_space<vmem>>) semaphore(%arg19 : memref<!tpu.dma_semaphore, #tpu.memory_space<semaphore_mem>>)
    %dma_start3A_206 = arith.constant 7 : i32
    %dma_start3A_207 = arith.constant 0 : i32
    %dma_start3A_208 = tpu.memref_slice %arg17[%dma_start3A_206, %dma_start3A_207] : memref<16x512xf32, #tpu.memory_space<vmem>> -> memref<1x512xf32, #tpu.memory_space<vmem>>
    %dma_start3A_209 = tpu.memref_squeeze %dma_start3A_208 : memref<1x512xf32, #tpu.memory_space<vmem>> -> memref<512xf32, #tpu.memory_space<vmem>>
    %dma_start3A_210 = arith.constant 3584 : i32
    %dma_start3A_211 = tpu.memref_slice %arg14[%dma_start3A_210] : memref<8192xi32, #tpu.memory_space<vmem>> -> memref<512xi32, #tpu.memory_space<vmem>>
    %dma_start3A_212 = arith.constant 0 : i32
    %dma_start3A_213 = tpu.memref_slice %arg7[%dma_start3A_212] : memref<1601536xf32, #tpu.memory_space<hbm>> -> memref<1601536xf32, #tpu.memory_space<hbm>>
    tpu.enqueue_indirect_dma source(%dma_start3A_213 : memref<1601536xf32, #tpu.memory_space<hbm>>) target(%dma_start3A_209 : memref<512xf32, #tpu.memory_space<vmem>>) offsets(%dma_start3A_211 : memref<512xi32, #tpu.memory_space<vmem>>) semaphore(%arg20 : memref<!tpu.dma_semaphore, #tpu.memory_space<semaphore_mem>>)
    %dma_start3A_214 = arith.constant 8 : i32
    %dma_start3A_215 = arith.constant 0 : i32
    %dma_start3A_216 = tpu.memref_slice %arg15[%dma_start3A_214, %dma_start3A_215] : memref<16x512xf32, #tpu.memory_space<vmem>> -> memref<1x512xf32, #tpu.memory_space<vmem>>
    %dma_start3A_217 = tpu.memref_squeeze %dma_start3A_216 : memref<1x512xf32, #tpu.memory_space<vmem>> -> memref<512xf32, #tpu.memory_space<vmem>>
    %dma_start3A_218 = arith.constant 4096 : i32
    %dma_start3A_219 = tpu.memref_slice %arg12[%dma_start3A_218] : memref<8192xi32, #tpu.memory_space<vmem>> -> memref<512xi32, #tpu.memory_space<vmem>>
    %dma_start3A_220 = arith.constant 0 : i32
    %dma_start3A_221 = tpu.memref_slice %arg5[%dma_start3A_220] : memref<16001024xf32, #tpu.memory_space<hbm>> -> memref<16001024xf32, #tpu.memory_space<hbm>>
    tpu.enqueue_indirect_dma source(%dma_start3A_221 : memref<16001024xf32, #tpu.memory_space<hbm>>) target(%dma_start3A_217 : memref<512xf32, #tpu.memory_space<vmem>>) offsets(%dma_start3A_219 : memref<512xi32, #tpu.memory_space<vmem>>) semaphore(%arg18 : memref<!tpu.dma_semaphore, #tpu.memory_space<semaphore_mem>>)
    %dma_start3A_222 = arith.constant 8 : i32
    %dma_start3A_223 = arith.constant 0 : i32
    %dma_start3A_224 = tpu.memref_slice %arg16[%dma_start3A_222, %dma_start3A_223] : memref<16x512xf32, #tpu.memory_space<vmem>> -> memref<1x512xf32, #tpu.memory_space<vmem>>
    %dma_start3A_225 = tpu.memref_squeeze %dma_start3A_224 : memref<1x512xf32, #tpu.memory_space<vmem>> -> memref<512xf32, #tpu.memory_space<vmem>>
    %dma_start3A_226 = arith.constant 4096 : i32
    %dma_start3A_227 = tpu.memref_slice %arg13[%dma_start3A_226] : memref<8192xi32, #tpu.memory_space<vmem>> -> memref<512xi32, #tpu.memory_space<vmem>>
    %dma_start3A_228 = arith.constant 0 : i32
    %dma_start3A_229 = tpu.memref_slice %arg6[%dma_start3A_228] : memref<16001024xf32, #tpu.memory_space<hbm>> -> memref<16001024xf32, #tpu.memory_space<hbm>>
    tpu.enqueue_indirect_dma source(%dma_start3A_229 : memref<16001024xf32, #tpu.memory_space<hbm>>) target(%dma_start3A_225 : memref<512xf32, #tpu.memory_space<vmem>>) offsets(%dma_start3A_227 : memref<512xi32, #tpu.memory_space<vmem>>) semaphore(%arg19 : memref<!tpu.dma_semaphore, #tpu.memory_space<semaphore_mem>>)
    %dma_start3A_230 = arith.constant 8 : i32
    %dma_start3A_231 = arith.constant 0 : i32
    %dma_start3A_232 = tpu.memref_slice %arg17[%dma_start3A_230, %dma_start3A_231] : memref<16x512xf32, #tpu.memory_space<vmem>> -> memref<1x512xf32, #tpu.memory_space<vmem>>
    %dma_start3A_233 = tpu.memref_squeeze %dma_start3A_232 : memref<1x512xf32, #tpu.memory_space<vmem>> -> memref<512xf32, #tpu.memory_space<vmem>>
    %dma_start3A_234 = arith.constant 4096 : i32
    %dma_start3A_235 = tpu.memref_slice %arg14[%dma_start3A_234] : memref<8192xi32, #tpu.memory_space<vmem>> -> memref<512xi32, #tpu.memory_space<vmem>>
    %dma_start3A_236 = arith.constant 0 : i32
    %dma_start3A_237 = tpu.memref_slice %arg7[%dma_start3A_236] : memref<1601536xf32, #tpu.memory_space<hbm>> -> memref<1601536xf32, #tpu.memory_space<hbm>>
    tpu.enqueue_indirect_dma source(%dma_start3A_237 : memref<1601536xf32, #tpu.memory_space<hbm>>) target(%dma_start3A_233 : memref<512xf32, #tpu.memory_space<vmem>>) offsets(%dma_start3A_235 : memref<512xi32, #tpu.memory_space<vmem>>) semaphore(%arg20 : memref<!tpu.dma_semaphore, #tpu.memory_space<semaphore_mem>>)
    %dma_start3A_238 = arith.constant 9 : i32
    %dma_start3A_239 = arith.constant 0 : i32
    %dma_start3A_240 = tpu.memref_slice %arg15[%dma_start3A_238, %dma_start3A_239] : memref<16x512xf32, #tpu.memory_space<vmem>> -> memref<1x512xf32, #tpu.memory_space<vmem>>
    %dma_start3A_241 = tpu.memref_squeeze %dma_start3A_240 : memref<1x512xf32, #tpu.memory_space<vmem>> -> memref<512xf32, #tpu.memory_space<vmem>>
    %dma_start3A_242 = arith.constant 4608 : i32
    %dma_start3A_243 = tpu.memref_slice %arg12[%dma_start3A_242] : memref<8192xi32, #tpu.memory_space<vmem>> -> memref<512xi32, #tpu.memory_space<vmem>>
    %dma_start3A_244 = arith.constant 0 : i32
    %dma_start3A_245 = tpu.memref_slice %arg5[%dma_start3A_244] : memref<16001024xf32, #tpu.memory_space<hbm>> -> memref<16001024xf32, #tpu.memory_space<hbm>>
    tpu.enqueue_indirect_dma source(%dma_start3A_245 : memref<16001024xf32, #tpu.memory_space<hbm>>) target(%dma_start3A_241 : memref<512xf32, #tpu.memory_space<vmem>>) offsets(%dma_start3A_243 : memref<512xi32, #tpu.memory_space<vmem>>) semaphore(%arg18 : memref<!tpu.dma_semaphore, #tpu.memory_space<semaphore_mem>>)
    %dma_start3A_246 = arith.constant 9 : i32
    %dma_start3A_247 = arith.constant 0 : i32
    %dma_start3A_248 = tpu.memref_slice %arg16[%dma_start3A_246, %dma_start3A_247] : memref<16x512xf32, #tpu.memory_space<vmem>> -> memref<1x512xf32, #tpu.memory_space<vmem>>
    %dma_start3A_249 = tpu.memref_squeeze %dma_start3A_248 : memref<1x512xf32, #tpu.memory_space<vmem>> -> memref<512xf32, #tpu.memory_space<vmem>>
    %dma_start3A_250 = arith.constant 4608 : i32
    %dma_start3A_251 = tpu.memref_slice %arg13[%dma_start3A_250] : memref<8192xi32, #tpu.memory_space<vmem>> -> memref<512xi32, #tpu.memory_space<vmem>>
    %dma_start3A_252 = arith.constant 0 : i32
    %dma_start3A_253 = tpu.memref_slice %arg6[%dma_start3A_252] : memref<16001024xf32, #tpu.memory_space<hbm>> -> memref<16001024xf32, #tpu.memory_space<hbm>>
    tpu.enqueue_indirect_dma source(%dma_start3A_253 : memref<16001024xf32, #tpu.memory_space<hbm>>) target(%dma_start3A_249 : memref<512xf32, #tpu.memory_space<vmem>>) offsets(%dma_start3A_251 : memref<512xi32, #tpu.memory_space<vmem>>) semaphore(%arg19 : memref<!tpu.dma_semaphore, #tpu.memory_space<semaphore_mem>>)
    %dma_start3A_254 = arith.constant 9 : i32
    %dma_start3A_255 = arith.constant 0 : i32
    %dma_start3A_256 = tpu.memref_slice %arg17[%dma_start3A_254, %dma_start3A_255] : memref<16x512xf32, #tpu.memory_space<vmem>> -> memref<1x512xf32, #tpu.memory_space<vmem>>
    %dma_start3A_257 = tpu.memref_squeeze %dma_start3A_256 : memref<1x512xf32, #tpu.memory_space<vmem>> -> memref<512xf32, #tpu.memory_space<vmem>>
    %dma_start3A_258 = arith.constant 4608 : i32
    %dma_start3A_259 = tpu.memref_slice %arg14[%dma_start3A_258] : memref<8192xi32, #tpu.memory_space<vmem>> -> memref<512xi32, #tpu.memory_space<vmem>>
    %dma_start3A_260 = arith.constant 0 : i32
    %dma_start3A_261 = tpu.memref_slice %arg7[%dma_start3A_260] : memref<1601536xf32, #tpu.memory_space<hbm>> -> memref<1601536xf32, #tpu.memory_space<hbm>>
    tpu.enqueue_indirect_dma source(%dma_start3A_261 : memref<1601536xf32, #tpu.memory_space<hbm>>) target(%dma_start3A_257 : memref<512xf32, #tpu.memory_space<vmem>>) offsets(%dma_start3A_259 : memref<512xi32, #tpu.memory_space<vmem>>) semaphore(%arg20 : memref<!tpu.dma_semaphore, #tpu.memory_space<semaphore_mem>>)
    %dma_start3A_262 = arith.constant 10 : i32
    %dma_start3A_263 = arith.constant 0 : i32
    %dma_start3A_264 = tpu.memref_slice %arg15[%dma_start3A_262, %dma_start3A_263] : memref<16x512xf32, #tpu.memory_space<vmem>> -> memref<1x512xf32, #tpu.memory_space<vmem>>
    %dma_start3A_265 = tpu.memref_squeeze %dma_start3A_264 : memref<1x512xf32, #tpu.memory_space<vmem>> -> memref<512xf32, #tpu.memory_space<vmem>>
    %dma_start3A_266 = arith.constant 5120 : i32
    %dma_start3A_267 = tpu.memref_slice %arg12[%dma_start3A_266] : memref<8192xi32, #tpu.memory_space<vmem>> -> memref<512xi32, #tpu.memory_space<vmem>>
    %dma_start3A_268 = arith.constant 0 : i32
    %dma_start3A_269 = tpu.memref_slice %arg5[%dma_start3A_268] : memref<16001024xf32, #tpu.memory_space<hbm>> -> memref<16001024xf32, #tpu.memory_space<hbm>>
    tpu.enqueue_indirect_dma source(%dma_start3A_269 : memref<16001024xf32, #tpu.memory_space<hbm>>) target(%dma_start3A_265 : memref<512xf32, #tpu.memory_space<vmem>>) offsets(%dma_start3A_267 : memref<512xi32, #tpu.memory_space<vmem>>) semaphore(%arg18 : memref<!tpu.dma_semaphore, #tpu.memory_space<semaphore_mem>>)
    %dma_start3A_270 = arith.constant 10 : i32
    %dma_start3A_271 = arith.constant 0 : i32
    %dma_start3A_272 = tpu.memref_slice %arg16[%dma_start3A_270, %dma_start3A_271] : memref<16x512xf32, #tpu.memory_space<vmem>> -> memref<1x512xf32, #tpu.memory_space<vmem>>
    %dma_start3A_273 = tpu.memref_squeeze %dma_start3A_272 : memref<1x512xf32, #tpu.memory_space<vmem>> -> memref<512xf32, #tpu.memory_space<vmem>>
    %dma_start3A_274 = arith.constant 5120 : i32
    %dma_start3A_275 = tpu.memref_slice %arg13[%dma_start3A_274] : memref<8192xi32, #tpu.memory_space<vmem>> -> memref<512xi32, #tpu.memory_space<vmem>>
    %dma_start3A_276 = arith.constant 0 : i32
    %dma_start3A_277 = tpu.memref_slice %arg6[%dma_start3A_276] : memref<16001024xf32, #tpu.memory_space<hbm>> -> memref<16001024xf32, #tpu.memory_space<hbm>>
    tpu.enqueue_indirect_dma source(%dma_start3A_277 : memref<16001024xf32, #tpu.memory_space<hbm>>) target(%dma_start3A_273 : memref<512xf32, #tpu.memory_space<vmem>>) offsets(%dma_start3A_275 : memref<512xi32, #tpu.memory_space<vmem>>) semaphore(%arg19 : memref<!tpu.dma_semaphore, #tpu.memory_space<semaphore_mem>>)
    %dma_start3A_278 = arith.constant 10 : i32
    %dma_start3A_279 = arith.constant 0 : i32
    %dma_start3A_280 = tpu.memref_slice %arg17[%dma_start3A_278, %dma_start3A_279] : memref<16x512xf32, #tpu.memory_space<vmem>> -> memref<1x512xf32, #tpu.memory_space<vmem>>
    %dma_start3A_281 = tpu.memref_squeeze %dma_start3A_280 : memref<1x512xf32, #tpu.memory_space<vmem>> -> memref<512xf32, #tpu.memory_space<vmem>>
    %dma_start3A_282 = arith.constant 5120 : i32
    %dma_start3A_283 = tpu.memref_slice %arg14[%dma_start3A_282] : memref<8192xi32, #tpu.memory_space<vmem>> -> memref<512xi32, #tpu.memory_space<vmem>>
    %dma_start3A_284 = arith.constant 0 : i32
    %dma_start3A_285 = tpu.memref_slice %arg7[%dma_start3A_284] : memref<1601536xf32, #tpu.memory_space<hbm>> -> memref<1601536xf32, #tpu.memory_space<hbm>>
    tpu.enqueue_indirect_dma source(%dma_start3A_285 : memref<1601536xf32, #tpu.memory_space<hbm>>) target(%dma_start3A_281 : memref<512xf32, #tpu.memory_space<vmem>>) offsets(%dma_start3A_283 : memref<512xi32, #tpu.memory_space<vmem>>) semaphore(%arg20 : memref<!tpu.dma_semaphore, #tpu.memory_space<semaphore_mem>>)
    %dma_start3A_286 = arith.constant 11 : i32
    %dma_start3A_287 = arith.constant 0 : i32
    %dma_start3A_288 = tpu.memref_slice %arg15[%dma_start3A_286, %dma_start3A_287] : memref<16x512xf32, #tpu.memory_space<vmem>> -> memref<1x512xf32, #tpu.memory_space<vmem>>
    %dma_start3A_289 = tpu.memref_squeeze %dma_start3A_288 : memref<1x512xf32, #tpu.memory_space<vmem>> -> memref<512xf32, #tpu.memory_space<vmem>>
    %dma_start3A_290 = arith.constant 5632 : i32
    %dma_start3A_291 = tpu.memref_slice %arg12[%dma_start3A_290] : memref<8192xi32, #tpu.memory_space<vmem>> -> memref<512xi32, #tpu.memory_space<vmem>>
    %dma_start3A_292 = arith.constant 0 : i32
    %dma_start3A_293 = tpu.memref_slice %arg5[%dma_start3A_292] : memref<16001024xf32, #tpu.memory_space<hbm>> -> memref<16001024xf32, #tpu.memory_space<hbm>>
    tpu.enqueue_indirect_dma source(%dma_start3A_293 : memref<16001024xf32, #tpu.memory_space<hbm>>) target(%dma_start3A_289 : memref<512xf32, #tpu.memory_space<vmem>>) offsets(%dma_start3A_291 : memref<512xi32, #tpu.memory_space<vmem>>) semaphore(%arg18 : memref<!tpu.dma_semaphore, #tpu.memory_space<semaphore_mem>>)
    %dma_start3A_294 = arith.constant 11 : i32
    %dma_start3A_295 = arith.constant 0 : i32
    %dma_start3A_296 = tpu.memref_slice %arg16[%dma_start3A_294, %dma_start3A_295] : memref<16x512xf32, #tpu.memory_space<vmem>> -> memref<1x512xf32, #tpu.memory_space<vmem>>
    %dma_start3A_297 = tpu.memref_squeeze %dma_start3A_296 : memref<1x512xf32, #tpu.memory_space<vmem>> -> memref<512xf32, #tpu.memory_space<vmem>>
    %dma_start3A_298 = arith.constant 5632 : i32
    %dma_start3A_299 = tpu.memref_slice %arg13[%dma_start3A_298] : memref<8192xi32, #tpu.memory_space<vmem>> -> memref<512xi32, #tpu.memory_space<vmem>>
    %dma_start3A_300 = arith.constant 0 : i32
    %dma_start3A_301 = tpu.memref_slice %arg6[%dma_start3A_300] : memref<16001024xf32, #tpu.memory_space<hbm>> -> memref<16001024xf32, #tpu.memory_space<hbm>>
    tpu.enqueue_indirect_dma source(%dma_start3A_301 : memref<16001024xf32, #tpu.memory_space<hbm>>) target(%dma_start3A_297 : memref<512xf32, #tpu.memory_space<vmem>>) offsets(%dma_start3A_299 : memref<512xi32, #tpu.memory_space<vmem>>) semaphore(%arg19 : memref<!tpu.dma_semaphore, #tpu.memory_space<semaphore_mem>>)
    %dma_start3A_302 = arith.constant 11 : i32
    %dma_start3A_303 = arith.constant 0 : i32
    %dma_start3A_304 = tpu.memref_slice %arg17[%dma_start3A_302, %dma_start3A_303] : memref<16x512xf32, #tpu.memory_space<vmem>> -> memref<1x512xf32, #tpu.memory_space<vmem>>
    %dma_start3A_305 = tpu.memref_squeeze %dma_start3A_304 : memref<1x512xf32, #tpu.memory_space<vmem>> -> memref<512xf32, #tpu.memory_space<vmem>>
    %dma_start3A_306 = arith.constant 5632 : i32
    %dma_start3A_307 = tpu.memref_slice %arg14[%dma_start3A_306] : memref<8192xi32, #tpu.memory_space<vmem>> -> memref<512xi32, #tpu.memory_space<vmem>>
    %dma_start3A_308 = arith.constant 0 : i32
    %dma_start3A_309 = tpu.memref_slice %arg7[%dma_start3A_308] : memref<1601536xf32, #tpu.memory_space<hbm>> -> memref<1601536xf32, #tpu.memory_space<hbm>>
    tpu.enqueue_indirect_dma source(%dma_start3A_309 : memref<1601536xf32, #tpu.memory_space<hbm>>) target(%dma_start3A_305 : memref<512xf32, #tpu.memory_space<vmem>>) offsets(%dma_start3A_307 : memref<512xi32, #tpu.memory_space<vmem>>) semaphore(%arg20 : memref<!tpu.dma_semaphore, #tpu.memory_space<semaphore_mem>>)
    %dma_start3A_310 = arith.constant 12 : i32
    %dma_start3A_311 = arith.constant 0 : i32
    %dma_start3A_312 = tpu.memref_slice %arg15[%dma_start3A_310, %dma_start3A_311] : memref<16x512xf32, #tpu.memory_space<vmem>> -> memref<1x512xf32, #tpu.memory_space<vmem>>
    %dma_start3A_313 = tpu.memref_squeeze %dma_start3A_312 : memref<1x512xf32, #tpu.memory_space<vmem>> -> memref<512xf32, #tpu.memory_space<vmem>>
    %dma_start3A_314 = arith.constant 6144 : i32
    %dma_start3A_315 = tpu.memref_slice %arg12[%dma_start3A_314] : memref<8192xi32, #tpu.memory_space<vmem>> -> memref<512xi32, #tpu.memory_space<vmem>>
    %dma_start3A_316 = arith.constant 0 : i32
    %dma_start3A_317 = tpu.memref_slice %arg5[%dma_start3A_316] : memref<16001024xf32, #tpu.memory_space<hbm>> -> memref<16001024xf32, #tpu.memory_space<hbm>>
    tpu.enqueue_indirect_dma source(%dma_start3A_317 : memref<16001024xf32, #tpu.memory_space<hbm>>) target(%dma_start3A_313 : memref<512xf32, #tpu.memory_space<vmem>>) offsets(%dma_start3A_315 : memref<512xi32, #tpu.memory_space<vmem>>) semaphore(%arg18 : memref<!tpu.dma_semaphore, #tpu.memory_space<semaphore_mem>>)
    %dma_start3A_318 = arith.constant 12 : i32
    %dma_start3A_319 = arith.constant 0 : i32
    %dma_start3A_320 = tpu.memref_slice %arg16[%dma_start3A_318, %dma_start3A_319] : memref<16x512xf32, #tpu.memory_space<vmem>> -> memref<1x512xf32, #tpu.memory_space<vmem>>
    %dma_start3A_321 = tpu.memref_squeeze %dma_start3A_320 : memref<1x512xf32, #tpu.memory_space<vmem>> -> memref<512xf32, #tpu.memory_space<vmem>>
    %dma_start3A_322 = arith.constant 6144 : i32
    %dma_start3A_323 = tpu.memref_slice %arg13[%dma_start3A_322] : memref<8192xi32, #tpu.memory_space<vmem>> -> memref<512xi32, #tpu.memory_space<vmem>>
    %dma_start3A_324 = arith.constant 0 : i32
    %dma_start3A_325 = tpu.memref_slice %arg6[%dma_start3A_324] : memref<16001024xf32, #tpu.memory_space<hbm>> -> memref<16001024xf32, #tpu.memory_space<hbm>>
    tpu.enqueue_indirect_dma source(%dma_start3A_325 : memref<16001024xf32, #tpu.memory_space<hbm>>) target(%dma_start3A_321 : memref<512xf32, #tpu.memory_space<vmem>>) offsets(%dma_start3A_323 : memref<512xi32, #tpu.memory_space<vmem>>) semaphore(%arg19 : memref<!tpu.dma_semaphore, #tpu.memory_space<semaphore_mem>>)
    %dma_start3A_326 = arith.constant 12 : i32
    %dma_start3A_327 = arith.constant 0 : i32
    %dma_start3A_328 = tpu.memref_slice %arg17[%dma_start3A_326, %dma_start3A_327] : memref<16x512xf32, #tpu.memory_space<vmem>> -> memref<1x512xf32, #tpu.memory_space<vmem>>
    %dma_start3A_329 = tpu.memref_squeeze %dma_start3A_328 : memref<1x512xf32, #tpu.memory_space<vmem>> -> memref<512xf32, #tpu.memory_space<vmem>>
    %dma_start3A_330 = arith.constant 6144 : i32
    %dma_start3A_331 = tpu.memref_slice %arg14[%dma_start3A_330] : memref<8192xi32, #tpu.memory_space<vmem>> -> memref<512xi32, #tpu.memory_space<vmem>>
    %dma_start3A_332 = arith.constant 0 : i32
    %dma_start3A_333 = tpu.memref_slice %arg7[%dma_start3A_332] : memref<1601536xf32, #tpu.memory_space<hbm>> -> memref<1601536xf32, #tpu.memory_space<hbm>>
    tpu.enqueue_indirect_dma source(%dma_start3A_333 : memref<1601536xf32, #tpu.memory_space<hbm>>) target(%dma_start3A_329 : memref<512xf32, #tpu.memory_space<vmem>>) offsets(%dma_start3A_331 : memref<512xi32, #tpu.memory_space<vmem>>) semaphore(%arg20 : memref<!tpu.dma_semaphore, #tpu.memory_space<semaphore_mem>>)
    %dma_start3A_334 = arith.constant 13 : i32
    %dma_start3A_335 = arith.constant 0 : i32
    %dma_start3A_336 = tpu.memref_slice %arg15[%dma_start3A_334, %dma_start3A_335] : memref<16x512xf32, #tpu.memory_space<vmem>> -> memref<1x512xf32, #tpu.memory_space<vmem>>
    %dma_start3A_337 = tpu.memref_squeeze %dma_start3A_336 : memref<1x512xf32, #tpu.memory_space<vmem>> -> memref<512xf32, #tpu.memory_space<vmem>>
    %dma_start3A_338 = arith.constant 6656 : i32
    %dma_start3A_339 = tpu.memref_slice %arg12[%dma_start3A_338] : memref<8192xi32, #tpu.memory_space<vmem>> -> memref<512xi32, #tpu.memory_space<vmem>>
    %dma_start3A_340 = arith.constant 0 : i32
    %dma_start3A_341 = tpu.memref_slice %arg5[%dma_start3A_340] : memref<16001024xf32, #tpu.memory_space<hbm>> -> memref<16001024xf32, #tpu.memory_space<hbm>>
    tpu.enqueue_indirect_dma source(%dma_start3A_341 : memref<16001024xf32, #tpu.memory_space<hbm>>) target(%dma_start3A_337 : memref<512xf32, #tpu.memory_space<vmem>>) offsets(%dma_start3A_339 : memref<512xi32, #tpu.memory_space<vmem>>) semaphore(%arg18 : memref<!tpu.dma_semaphore, #tpu.memory_space<semaphore_mem>>)
    %dma_start3A_342 = arith.constant 13 : i32
    %dma_start3A_343 = arith.constant 0 : i32
    %dma_start3A_344 = tpu.memref_slice %arg16[%dma_start3A_342, %dma_start3A_343] : memref<16x512xf32, #tpu.memory_space<vmem>> -> memref<1x512xf32, #tpu.memory_space<vmem>>
    %dma_start3A_345 = tpu.memref_squeeze %dma_start3A_344 : memref<1x512xf32, #tpu.memory_space<vmem>> -> memref<512xf32, #tpu.memory_space<vmem>>
    %dma_start3A_346 = arith.constant 6656 : i32
    %dma_start3A_347 = tpu.memref_slice %arg13[%dma_start3A_346] : memref<8192xi32, #tpu.memory_space<vmem>> -> memref<512xi32, #tpu.memory_space<vmem>>
    %dma_start3A_348 = arith.constant 0 : i32
    %dma_start3A_349 = tpu.memref_slice %arg6[%dma_start3A_348] : memref<16001024xf32, #tpu.memory_space<hbm>> -> memref<16001024xf32, #tpu.memory_space<hbm>>
    tpu.enqueue_indirect_dma source(%dma_start3A_349 : memref<16001024xf32, #tpu.memory_space<hbm>>) target(%dma_start3A_345 : memref<512xf32, #tpu.memory_space<vmem>>) offsets(%dma_start3A_347 : memref<512xi32, #tpu.memory_space<vmem>>) semaphore(%arg19 : memref<!tpu.dma_semaphore, #tpu.memory_space<semaphore_mem>>)
    %dma_start3A_350 = arith.constant 13 : i32
    %dma_start3A_351 = arith.constant 0 : i32
    %dma_start3A_352 = tpu.memref_slice %arg17[%dma_start3A_350, %dma_start3A_351] : memref<16x512xf32, #tpu.memory_space<vmem>> -> memref<1x512xf32, #tpu.memory_space<vmem>>
    %dma_start3A_353 = tpu.memref_squeeze %dma_start3A_352 : memref<1x512xf32, #tpu.memory_space<vmem>> -> memref<512xf32, #tpu.memory_space<vmem>>
    %dma_start3A_354 = arith.constant 6656 : i32
    %dma_start3A_355 = tpu.memref_slice %arg14[%dma_start3A_354] : memref<8192xi32, #tpu.memory_space<vmem>> -> memref<512xi32, #tpu.memory_space<vmem>>
    %dma_start3A_356 = arith.constant 0 : i32
    %dma_start3A_357 = tpu.memref_slice %arg7[%dma_start3A_356] : memref<1601536xf32, #tpu.memory_space<hbm>> -> memref<1601536xf32, #tpu.memory_space<hbm>>
    tpu.enqueue_indirect_dma source(%dma_start3A_357 : memref<1601536xf32, #tpu.memory_space<hbm>>) target(%dma_start3A_353 : memref<512xf32, #tpu.memory_space<vmem>>) offsets(%dma_start3A_355 : memref<512xi32, #tpu.memory_space<vmem>>) semaphore(%arg20 : memref<!tpu.dma_semaphore, #tpu.memory_space<semaphore_mem>>)
    %dma_start3A_358 = arith.constant 14 : i32
    %dma_start3A_359 = arith.constant 0 : i32
    %dma_start3A_360 = tpu.memref_slice %arg15[%dma_start3A_358, %dma_start3A_359] : memref<16x512xf32, #tpu.memory_space<vmem>> -> memref<1x512xf32, #tpu.memory_space<vmem>>
    %dma_start3A_361 = tpu.memref_squeeze %dma_start3A_360 : memref<1x512xf32, #tpu.memory_space<vmem>> -> memref<512xf32, #tpu.memory_space<vmem>>
    %dma_start3A_362 = arith.constant 7168 : i32
    %dma_start3A_363 = tpu.memref_slice %arg12[%dma_start3A_362] : memref<8192xi32, #tpu.memory_space<vmem>> -> memref<512xi32, #tpu.memory_space<vmem>>
    %dma_start3A_364 = arith.constant 0 : i32
    %dma_start3A_365 = tpu.memref_slice %arg5[%dma_start3A_364] : memref<16001024xf32, #tpu.memory_space<hbm>> -> memref<16001024xf32, #tpu.memory_space<hbm>>
    tpu.enqueue_indirect_dma source(%dma_start3A_365 : memref<16001024xf32, #tpu.memory_space<hbm>>) target(%dma_start3A_361 : memref<512xf32, #tpu.memory_space<vmem>>) offsets(%dma_start3A_363 : memref<512xi32, #tpu.memory_space<vmem>>) semaphore(%arg18 : memref<!tpu.dma_semaphore, #tpu.memory_space<semaphore_mem>>)
    %dma_start3A_366 = arith.constant 14 : i32
    %dma_start3A_367 = arith.constant 0 : i32
    %dma_start3A_368 = tpu.memref_slice %arg16[%dma_start3A_366, %dma_start3A_367] : memref<16x512xf32, #tpu.memory_space<vmem>> -> memref<1x512xf32, #tpu.memory_space<vmem>>
    %dma_start3A_369 = tpu.memref_squeeze %dma_start3A_368 : memref<1x512xf32, #tpu.memory_space<vmem>> -> memref<512xf32, #tpu.memory_space<vmem>>
    %dma_start3A_370 = arith.constant 7168 : i32
    %dma_start3A_371 = tpu.memref_slice %arg13[%dma_start3A_370] : memref<8192xi32, #tpu.memory_space<vmem>> -> memref<512xi32, #tpu.memory_space<vmem>>
    %dma_start3A_372 = arith.constant 0 : i32
    %dma_start3A_373 = tpu.memref_slice %arg6[%dma_start3A_372] : memref<16001024xf32, #tpu.memory_space<hbm>> -> memref<16001024xf32, #tpu.memory_space<hbm>>
    tpu.enqueue_indirect_dma source(%dma_start3A_373 : memref<16001024xf32, #tpu.memory_space<hbm>>) target(%dma_start3A_369 : memref<512xf32, #tpu.memory_space<vmem>>) offsets(%dma_start3A_371 : memref<512xi32, #tpu.memory_space<vmem>>) semaphore(%arg19 : memref<!tpu.dma_semaphore, #tpu.memory_space<semaphore_mem>>)
    %dma_start3A_374 = arith.constant 14 : i32
    %dma_start3A_375 = arith.constant 0 : i32
    %dma_start3A_376 = tpu.memref_slice %arg17[%dma_start3A_374, %dma_start3A_375] : memref<16x512xf32, #tpu.memory_space<vmem>> -> memref<1x512xf32, #tpu.memory_space<vmem>>
    %dma_start3A_377 = tpu.memref_squeeze %dma_start3A_376 : memref<1x512xf32, #tpu.memory_space<vmem>> -> memref<512xf32, #tpu.memory_space<vmem>>
    %dma_start3A_378 = arith.constant 7168 : i32
    %dma_start3A_379 = tpu.memref_slice %arg14[%dma_start3A_378] : memref<8192xi32, #tpu.memory_space<vmem>> -> memref<512xi32, #tpu.memory_space<vmem>>
    %dma_start3A_380 = arith.constant 0 : i32
    %dma_start3A_381 = tpu.memref_slice %arg7[%dma_start3A_380] : memref<1601536xf32, #tpu.memory_space<hbm>> -> memref<1601536xf32, #tpu.memory_space<hbm>>
    tpu.enqueue_indirect_dma source(%dma_start3A_381 : memref<1601536xf32, #tpu.memory_space<hbm>>) target(%dma_start3A_377 : memref<512xf32, #tpu.memory_space<vmem>>) offsets(%dma_start3A_379 : memref<512xi32, #tpu.memory_space<vmem>>) semaphore(%arg20 : memref<!tpu.dma_semaphore, #tpu.memory_space<semaphore_mem>>)
    %dma_start3A_382 = arith.constant 15 : i32
    %dma_start3A_383 = arith.constant 0 : i32
    %dma_start3A_384 = tpu.memref_slice %arg15[%dma_start3A_382, %dma_start3A_383] : memref<16x512xf32, #tpu.memory_space<vmem>> -> memref<1x512xf32, #tpu.memory_space<vmem>>
    %dma_start3A_385 = tpu.memref_squeeze %dma_start3A_384 : memref<1x512xf32, #tpu.memory_space<vmem>> -> memref<512xf32, #tpu.memory_space<vmem>>
    %dma_start3A_386 = arith.constant 7680 : i32
    %dma_start3A_387 = tpu.memref_slice %arg12[%dma_start3A_386] : memref<8192xi32, #tpu.memory_space<vmem>> -> memref<512xi32, #tpu.memory_space<vmem>>
    %dma_start3A_388 = arith.constant 0 : i32
    %dma_start3A_389 = tpu.memref_slice %arg5[%dma_start3A_388] : memref<16001024xf32, #tpu.memory_space<hbm>> -> memref<16001024xf32, #tpu.memory_space<hbm>>
    tpu.enqueue_indirect_dma source(%dma_start3A_389 : memref<16001024xf32, #tpu.memory_space<hbm>>) target(%dma_start3A_385 : memref<512xf32, #tpu.memory_space<vmem>>) offsets(%dma_start3A_387 : memref<512xi32, #tpu.memory_space<vmem>>) semaphore(%arg18 : memref<!tpu.dma_semaphore, #tpu.memory_space<semaphore_mem>>)
    %dma_start3A_390 = arith.constant 15 : i32
    %dma_start3A_391 = arith.constant 0 : i32
    %dma_start3A_392 = tpu.memref_slice %arg16[%dma_start3A_390, %dma_start3A_391] : memref<16x512xf32, #tpu.memory_space<vmem>> -> memref<1x512xf32, #tpu.memory_space<vmem>>
    %dma_start3A_393 = tpu.memref_squeeze %dma_start3A_392 : memref<1x512xf32, #tpu.memory_space<vmem>> -> memref<512xf32, #tpu.memory_space<vmem>>
    %dma_start3A_394 = arith.constant 7680 : i32
    %dma_start3A_395 = tpu.memref_slice %arg13[%dma_start3A_394] : memref<8192xi32, #tpu.memory_space<vmem>> -> memref<512xi32, #tpu.memory_space<vmem>>
    %dma_start3A_396 = arith.constant 0 : i32
    %dma_start3A_397 = tpu.memref_slice %arg6[%dma_start3A_396] : memref<16001024xf32, #tpu.memory_space<hbm>> -> memref<16001024xf32, #tpu.memory_space<hbm>>
    tpu.enqueue_indirect_dma source(%dma_start3A_397 : memref<16001024xf32, #tpu.memory_space<hbm>>) target(%dma_start3A_393 : memref<512xf32, #tpu.memory_space<vmem>>) offsets(%dma_start3A_395 : memref<512xi32, #tpu.memory_space<vmem>>) semaphore(%arg19 : memref<!tpu.dma_semaphore, #tpu.memory_space<semaphore_mem>>)
    %dma_start3A_398 = arith.constant 15 : i32
    %dma_start3A_399 = arith.constant 0 : i32
    %dma_start3A_400 = tpu.memref_slice %arg17[%dma_start3A_398, %dma_start3A_399] : memref<16x512xf32, #tpu.memory_space<vmem>> -> memref<1x512xf32, #tpu.memory_space<vmem>>
    %dma_start3A_401 = tpu.memref_squeeze %dma_start3A_400 : memref<1x512xf32, #tpu.memory_space<vmem>> -> memref<512xf32, #tpu.memory_space<vmem>>
    %dma_start3A_402 = arith.constant 7680 : i32
    %dma_start3A_403 = tpu.memref_slice %arg14[%dma_start3A_402] : memref<8192xi32, #tpu.memory_space<vmem>> -> memref<512xi32, #tpu.memory_space<vmem>>
    %dma_start3A_404 = arith.constant 0 : i32
    %dma_start3A_405 = tpu.memref_slice %arg7[%dma_start3A_404] : memref<1601536xf32, #tpu.memory_space<hbm>> -> memref<1601536xf32, #tpu.memory_space<hbm>>
    tpu.enqueue_indirect_dma source(%dma_start3A_405 : memref<1601536xf32, #tpu.memory_space<hbm>>) target(%dma_start3A_401 : memref<512xf32, #tpu.memory_space<vmem>>) offsets(%dma_start3A_403 : memref<512xi32, #tpu.memory_space<vmem>>) semaphore(%arg20 : memref<!tpu.dma_semaphore, #tpu.memory_space<semaphore_mem>>)
    %dma_wait3A = arith.constant 0 : i32
    %dma_wait3A_406 = arith.constant 0 : i32
    %dma_wait3A_407 = tpu.memref_slice %arg15[%dma_wait3A, %dma_wait3A_406] : memref<16x512xf32, #tpu.memory_space<vmem>> -> memref<1x512xf32, #tpu.memory_space<vmem>>
    %dma_wait3A_408 = tpu.memref_squeeze %dma_wait3A_407 : memref<1x512xf32, #tpu.memory_space<vmem>> -> memref<512xf32, #tpu.memory_space<vmem>>
    %dma_wait3A_409 = arith.constant 0 : i32
    %dma_wait3A_410 = tpu.memref_slice %arg12[%dma_wait3A_409] : memref<8192xi32, #tpu.memory_space<vmem>> -> memref<512xi32, #tpu.memory_space<vmem>>
    %dma_wait3A_411 = arith.constant 0 : i32
    %dma_wait3A_412 = tpu.memref_slice %arg5[%dma_wait3A_411] : memref<16001024xf32, #tpu.memory_space<hbm>> -> memref<16001024xf32, #tpu.memory_space<hbm>>
    tpu.wait_indirect_dma semaphore(%arg18 : memref<!tpu.dma_semaphore, #tpu.memory_space<semaphore_mem>>) src(%dma_wait3A_412 : memref<16001024xf32, #tpu.memory_space<hbm>>) dst(%dma_wait3A_408 : memref<512xf32, #tpu.memory_space<vmem>>)
    %dma_wait3A_413 = arith.constant 0 : i32
    %dma_wait3A_414 = arith.constant 0 : i32
    %dma_wait3A_415 = tpu.memref_slice %arg16[%dma_wait3A_413, %dma_wait3A_414] : memref<16x512xf32, #tpu.memory_space<vmem>> -> memref<1x512xf32, #tpu.memory_space<vmem>>
    %dma_wait3A_416 = tpu.memref_squeeze %dma_wait3A_415 : memref<1x512xf32, #tpu.memory_space<vmem>> -> memref<512xf32, #tpu.memory_space<vmem>>
    %dma_wait3A_417 = arith.constant 0 : i32
    %dma_wait3A_418 = tpu.memref_slice %arg13[%dma_wait3A_417] : memref<8192xi32, #tpu.memory_space<vmem>> -> memref<512xi32, #tpu.memory_space<vmem>>
    %dma_wait3A_419 = arith.constant 0 : i32
    %dma_wait3A_420 = tpu.memref_slice %arg6[%dma_wait3A_419] : memref<16001024xf32, #tpu.memory_space<hbm>> -> memref<16001024xf32, #tpu.memory_space<hbm>>
    tpu.wait_indirect_dma semaphore(%arg19 : memref<!tpu.dma_semaphore, #tpu.memory_space<semaphore_mem>>) src(%dma_wait3A_420 : memref<16001024xf32, #tpu.memory_space<hbm>>) dst(%dma_wait3A_416 : memref<512xf32, #tpu.memory_space<vmem>>)
    %dma_wait3A_421 = arith.constant 0 : i32
    %dma_wait3A_422 = arith.constant 0 : i32
    %dma_wait3A_423 = tpu.memref_slice %arg17[%dma_wait3A_421, %dma_wait3A_422] : memref<16x512xf32, #tpu.memory_space<vmem>> -> memref<1x512xf32, #tpu.memory_space<vmem>>
    %dma_wait3A_424 = tpu.memref_squeeze %dma_wait3A_423 : memref<1x512xf32, #tpu.memory_space<vmem>> -> memref<512xf32, #tpu.memory_space<vmem>>
    %dma_wait3A_425 = arith.constant 0 : i32
    %dma_wait3A_426 = tpu.memref_slice %arg14[%dma_wait3A_425] : memref<8192xi32, #tpu.memory_space<vmem>> -> memref<512xi32, #tpu.memory_space<vmem>>
    %dma_wait3A_427 = arith.constant 0 : i32
    %dma_wait3A_428 = tpu.memref_slice %arg7[%dma_wait3A_427] : memref<1601536xf32, #tpu.memory_space<hbm>> -> memref<1601536xf32, #tpu.memory_space<hbm>>
    tpu.wait_indirect_dma semaphore(%arg20 : memref<!tpu.dma_semaphore, #tpu.memory_space<semaphore_mem>>) src(%dma_wait3A_428 : memref<1601536xf32, #tpu.memory_space<hbm>>) dst(%dma_wait3A_424 : memref<512xf32, #tpu.memory_space<vmem>>)
    %dma_wait3A_429 = arith.constant 0 : i32
    %dma_wait3A_430 = arith.constant 0 : i32
    %dma_wait3A_431 = tpu.memref_slice %arg15[%dma_wait3A_429, %dma_wait3A_430] : memref<16x512xf32, #tpu.memory_space<vmem>> -> memref<1x512xf32, #tpu.memory_space<vmem>>
    %dma_wait3A_432 = tpu.memref_squeeze %dma_wait3A_431 : memref<1x512xf32, #tpu.memory_space<vmem>> -> memref<512xf32, #tpu.memory_space<vmem>>
    %dma_wait3A_433 = arith.constant 0 : i32
    %dma_wait3A_434 = tpu.memref_slice %arg12[%dma_wait3A_433] : memref<8192xi32, #tpu.memory_space<vmem>> -> memref<512xi32, #tpu.memory_space<vmem>>
    %dma_wait3A_435 = arith.constant 0 : i32
    %dma_wait3A_436 = tpu.memref_slice %arg5[%dma_wait3A_435] : memref<16001024xf32, #tpu.memory_space<hbm>> -> memref<16001024xf32, #tpu.memory_space<hbm>>
    tpu.wait_indirect_dma semaphore(%arg18 : memref<!tpu.dma_semaphore, #tpu.memory_space<semaphore_mem>>) src(%dma_wait3A_436 : memref<16001024xf32, #tpu.memory_space<hbm>>) dst(%dma_wait3A_432 : memref<512xf32, #tpu.memory_space<vmem>>)
    %dma_wait3A_437 = arith.constant 0 : i32
    %dma_wait3A_438 = arith.constant 0 : i32
    %dma_wait3A_439 = tpu.memref_slice %arg16[%dma_wait3A_437, %dma_wait3A_438] : memref<16x512xf32, #tpu.memory_space<vmem>> -> memref<1x512xf32, #tpu.memory_space<vmem>>
    %dma_wait3A_440 = tpu.memref_squeeze %dma_wait3A_439 : memref<1x512xf32, #tpu.memory_space<vmem>> -> memref<512xf32, #tpu.memory_space<vmem>>
    %dma_wait3A_441 = arith.constant 0 : i32
    %dma_wait3A_442 = tpu.memref_slice %arg13[%dma_wait3A_441] : memref<8192xi32, #tpu.memory_space<vmem>> -> memref<512xi32, #tpu.memory_space<vmem>>
    %dma_wait3A_443 = arith.constant 0 : i32
    %dma_wait3A_444 = tpu.memref_slice %arg6[%dma_wait3A_443] : memref<16001024xf32, #tpu.memory_space<hbm>> -> memref<16001024xf32, #tpu.memory_space<hbm>>
    tpu.wait_indirect_dma semaphore(%arg19 : memref<!tpu.dma_semaphore, #tpu.memory_space<semaphore_mem>>) src(%dma_wait3A_444 : memref<16001024xf32, #tpu.memory_space<hbm>>) dst(%dma_wait3A_440 : memref<512xf32, #tpu.memory_space<vmem>>)
    %dma_wait3A_445 = arith.constant 0 : i32
    %dma_wait3A_446 = arith.constant 0 : i32
    %dma_wait3A_447 = tpu.memref_slice %arg17[%dma_wait3A_445, %dma_wait3A_446] : memref<16x512xf32, #tpu.memory_space<vmem>> -> memref<1x512xf32, #tpu.memory_space<vmem>>
    %dma_wait3A_448 = tpu.memref_squeeze %dma_wait3A_447 : memref<1x512xf32, #tpu.memory_space<vmem>> -> memref<512xf32, #tpu.memory_space<vmem>>
    %dma_wait3A_449 = arith.constant 0 : i32
    %dma_wait3A_450 = tpu.memref_slice %arg14[%dma_wait3A_449] : memref<8192xi32, #tpu.memory_space<vmem>> -> memref<512xi32, #tpu.memory_space<vmem>>
    %dma_wait3A_451 = arith.constant 0 : i32
    %dma_wait3A_452 = tpu.memref_slice %arg7[%dma_wait3A_451] : memref<1601536xf32, #tpu.memory_space<hbm>> -> memref<1601536xf32, #tpu.memory_space<hbm>>
    tpu.wait_indirect_dma semaphore(%arg20 : memref<!tpu.dma_semaphore, #tpu.memory_space<semaphore_mem>>) src(%dma_wait3A_452 : memref<1601536xf32, #tpu.memory_space<hbm>>) dst(%dma_wait3A_448 : memref<512xf32, #tpu.memory_space<vmem>>)
    %dma_wait3A_453 = arith.constant 0 : i32
    %dma_wait3A_454 = arith.constant 0 : i32
    %dma_wait3A_455 = tpu.memref_slice %arg15[%dma_wait3A_453, %dma_wait3A_454] : memref<16x512xf32, #tpu.memory_space<vmem>> -> memref<1x512xf32, #tpu.memory_space<vmem>>
    %dma_wait3A_456 = tpu.memref_squeeze %dma_wait3A_455 : memref<1x512xf32, #tpu.memory_space<vmem>> -> memref<512xf32, #tpu.memory_space<vmem>>
    %dma_wait3A_457 = arith.constant 0 : i32
    %dma_wait3A_458 = tpu.memref_slice %arg12[%dma_wait3A_457] : memref<8192xi32, #tpu.memory_space<vmem>> -> memref<512xi32, #tpu.memory_space<vmem>>
    %dma_wait3A_459 = arith.constant 0 : i32
    %dma_wait3A_460 = tpu.memref_slice %arg5[%dma_wait3A_459] : memref<16001024xf32, #tpu.memory_space<hbm>> -> memref<16001024xf32, #tpu.memory_space<hbm>>
    tpu.wait_indirect_dma semaphore(%arg18 : memref<!tpu.dma_semaphore, #tpu.memory_space<semaphore_mem>>) src(%dma_wait3A_460 : memref<16001024xf32, #tpu.memory_space<hbm>>) dst(%dma_wait3A_456 : memref<512xf32, #tpu.memory_space<vmem>>)
    %dma_wait3A_461 = arith.constant 0 : i32
    %dma_wait3A_462 = arith.constant 0 : i32
    %dma_wait3A_463 = tpu.memref_slice %arg16[%dma_wait3A_461, %dma_wait3A_462] : memref<16x512xf32, #tpu.memory_space<vmem>> -> memref<1x512xf32, #tpu.memory_space<vmem>>
    %dma_wait3A_464 = tpu.memref_squeeze %dma_wait3A_463 : memref<1x512xf32, #tpu.memory_space<vmem>> -> memref<512xf32, #tpu.memory_space<vmem>>
    %dma_wait3A_465 = arith.constant 0 : i32
    %dma_wait3A_466 = tpu.memref_slice %arg13[%dma_wait3A_465] : memref<8192xi32, #tpu.memory_space<vmem>> -> memref<512xi32, #tpu.memory_space<vmem>>
    %dma_wait3A_467 = arith.constant 0 : i32
    %dma_wait3A_468 = tpu.memref_slice %arg6[%dma_wait3A_467] : memref<16001024xf32, #tpu.memory_space<hbm>> -> memref<16001024xf32, #tpu.memory_space<hbm>>
    tpu.wait_indirect_dma semaphore(%arg19 : memref<!tpu.dma_semaphore, #tpu.memory_space<semaphore_mem>>) src(%dma_wait3A_468 : memref<16001024xf32, #tpu.memory_space<hbm>>) dst(%dma_wait3A_464 : memref<512xf32, #tpu.memory_space<vmem>>)
    %dma_wait3A_469 = arith.constant 0 : i32
    %dma_wait3A_470 = arith.constant 0 : i32
    %dma_wait3A_471 = tpu.memref_slice %arg17[%dma_wait3A_469, %dma_wait3A_470] : memref<16x512xf32, #tpu.memory_space<vmem>> -> memref<1x512xf32, #tpu.memory_space<vmem>>
    %dma_wait3A_472 = tpu.memref_squeeze %dma_wait3A_471 : memref<1x512xf32, #tpu.memory_space<vmem>> -> memref<512xf32, #tpu.memory_space<vmem>>
    %dma_wait3A_473 = arith.constant 0 : i32
    %dma_wait3A_474 = tpu.memref_slice %arg14[%dma_wait3A_473] : memref<8192xi32, #tpu.memory_space<vmem>> -> memref<512xi32, #tpu.memory_space<vmem>>
    %dma_wait3A_475 = arith.constant 0 : i32
    %dma_wait3A_476 = tpu.memref_slice %arg7[%dma_wait3A_475] : memref<1601536xf32, #tpu.memory_space<hbm>> -> memref<1601536xf32, #tpu.memory_space<hbm>>
    tpu.wait_indirect_dma semaphore(%arg20 : memref<!tpu.dma_semaphore, #tpu.memory_space<semaphore_mem>>) src(%dma_wait3A_476 : memref<1601536xf32, #tpu.memory_space<hbm>>) dst(%dma_wait3A_472 : memref<512xf32, #tpu.memory_space<vmem>>)
    %dma_wait3A_477 = arith.constant 0 : i32
    %dma_wait3A_478 = arith.constant 0 : i32
    %dma_wait3A_479 = tpu.memref_slice %arg15[%dma_wait3A_477, %dma_wait3A_478] : memref<16x512xf32, #tpu.memory_space<vmem>> -> memref<1x512xf32, #tpu.memory_space<vmem>>
    %dma_wait3A_480 = tpu.memref_squeeze %dma_wait3A_479 : memref<1x512xf32, #tpu.memory_space<vmem>> -> memref<512xf32, #tpu.memory_space<vmem>>
    %dma_wait3A_481 = arith.constant 0 : i32
    %dma_wait3A_482 = tpu.memref_slice %arg12[%dma_wait3A_481] : memref<8192xi32, #tpu.memory_space<vmem>> -> memref<512xi32, #tpu.memory_space<vmem>>
    %dma_wait3A_483 = arith.constant 0 : i32
    %dma_wait3A_484 = tpu.memref_slice %arg5[%dma_wait3A_483] : memref<16001024xf32, #tpu.memory_space<hbm>> -> memref<16001024xf32, #tpu.memory_space<hbm>>
    tpu.wait_indirect_dma semaphore(%arg18 : memref<!tpu.dma_semaphore, #tpu.memory_space<semaphore_mem>>) src(%dma_wait3A_484 : memref<16001024xf32, #tpu.memory_space<hbm>>) dst(%dma_wait3A_480 : memref<512xf32, #tpu.memory_space<vmem>>)
    %dma_wait3A_485 = arith.constant 0 : i32
    %dma_wait3A_486 = arith.constant 0 : i32
    %dma_wait3A_487 = tpu.memref_slice %arg16[%dma_wait3A_485, %dma_wait3A_486] : memref<16x512xf32, #tpu.memory_space<vmem>> -> memref<1x512xf32, #tpu.memory_space<vmem>>
    %dma_wait3A_488 = tpu.memref_squeeze %dma_wait3A_487 : memref<1x512xf32, #tpu.memory_space<vmem>> -> memref<512xf32, #tpu.memory_space<vmem>>
    %dma_wait3A_489 = arith.constant 0 : i32
    %dma_wait3A_490 = tpu.memref_slice %arg13[%dma_wait3A_489] : memref<8192xi32, #tpu.memory_space<vmem>> -> memref<512xi32, #tpu.memory_space<vmem>>
    %dma_wait3A_491 = arith.constant 0 : i32
    %dma_wait3A_492 = tpu.memref_slice %arg6[%dma_wait3A_491] : memref<16001024xf32, #tpu.memory_space<hbm>> -> memref<16001024xf32, #tpu.memory_space<hbm>>
    tpu.wait_indirect_dma semaphore(%arg19 : memref<!tpu.dma_semaphore, #tpu.memory_space<semaphore_mem>>) src(%dma_wait3A_492 : memref<16001024xf32, #tpu.memory_space<hbm>>) dst(%dma_wait3A_488 : memref<512xf32, #tpu.memory_space<vmem>>)
    %dma_wait3A_493 = arith.constant 0 : i32
    %dma_wait3A_494 = arith.constant 0 : i32
    %dma_wait3A_495 = tpu.memref_slice %arg17[%dma_wait3A_493, %dma_wait3A_494] : memref<16x512xf32, #tpu.memory_space<vmem>> -> memref<1x512xf32, #tpu.memory_space<vmem>>
    %dma_wait3A_496 = tpu.memref_squeeze %dma_wait3A_495 : memref<1x512xf32, #tpu.memory_space<vmem>> -> memref<512xf32, #tpu.memory_space<vmem>>
    %dma_wait3A_497 = arith.constant 0 : i32
    %dma_wait3A_498 = tpu.memref_slice %arg14[%dma_wait3A_497] : memref<8192xi32, #tpu.memory_space<vmem>> -> memref<512xi32, #tpu.memory_space<vmem>>
    %dma_wait3A_499 = arith.constant 0 : i32
    %dma_wait3A_500 = tpu.memref_slice %arg7[%dma_wait3A_499] : memref<1601536xf32, #tpu.memory_space<hbm>> -> memref<1601536xf32, #tpu.memory_space<hbm>>
    tpu.wait_indirect_dma semaphore(%arg20 : memref<!tpu.dma_semaphore, #tpu.memory_space<semaphore_mem>>) src(%dma_wait3A_500 : memref<1601536xf32, #tpu.memory_space<hbm>>) dst(%dma_wait3A_496 : memref<512xf32, #tpu.memory_space<vmem>>)
    %dma_wait3A_501 = arith.constant 0 : i32
    %dma_wait3A_502 = arith.constant 0 : i32
    %dma_wait3A_503 = tpu.memref_slice %arg15[%dma_wait3A_501, %dma_wait3A_502] : memref<16x512xf32, #tpu.memory_space<vmem>> -> memref<1x512xf32, #tpu.memory_space<vmem>>
    %dma_wait3A_504 = tpu.memref_squeeze %dma_wait3A_503 : memref<1x512xf32, #tpu.memory_space<vmem>> -> memref<512xf32, #tpu.memory_space<vmem>>
    %dma_wait3A_505 = arith.constant 0 : i32
    %dma_wait3A_506 = tpu.memref_slice %arg12[%dma_wait3A_505] : memref<8192xi32, #tpu.memory_space<vmem>> -> memref<512xi32, #tpu.memory_space<vmem>>
    %dma_wait3A_507 = arith.constant 0 : i32
    %dma_wait3A_508 = tpu.memref_slice %arg5[%dma_wait3A_507] : memref<16001024xf32, #tpu.memory_space<hbm>> -> memref<16001024xf32, #tpu.memory_space<hbm>>
    tpu.wait_indirect_dma semaphore(%arg18 : memref<!tpu.dma_semaphore, #tpu.memory_space<semaphore_mem>>) src(%dma_wait3A_508 : memref<16001024xf32, #tpu.memory_space<hbm>>) dst(%dma_wait3A_504 : memref<512xf32, #tpu.memory_space<vmem>>)
    %dma_wait3A_509 = arith.constant 0 : i32
    %dma_wait3A_510 = arith.constant 0 : i32
    %dma_wait3A_511 = tpu.memref_slice %arg16[%dma_wait3A_509, %dma_wait3A_510] : memref<16x512xf32, #tpu.memory_space<vmem>> -> memref<1x512xf32, #tpu.memory_space<vmem>>
    %dma_wait3A_512 = tpu.memref_squeeze %dma_wait3A_511 : memref<1x512xf32, #tpu.memory_space<vmem>> -> memref<512xf32, #tpu.memory_space<vmem>>
    %dma_wait3A_513 = arith.constant 0 : i32
    %dma_wait3A_514 = tpu.memref_slice %arg13[%dma_wait3A_513] : memref<8192xi32, #tpu.memory_space<vmem>> -> memref<512xi32, #tpu.memory_space<vmem>>
    %dma_wait3A_515 = arith.constant 0 : i32
    %dma_wait3A_516 = tpu.memref_slice %arg6[%dma_wait3A_515] : memref<16001024xf32, #tpu.memory_space<hbm>> -> memref<16001024xf32, #tpu.memory_space<hbm>>
    tpu.wait_indirect_dma semaphore(%arg19 : memref<!tpu.dma_semaphore, #tpu.memory_space<semaphore_mem>>) src(%dma_wait3A_516 : memref<16001024xf32, #tpu.memory_space<hbm>>) dst(%dma_wait3A_512 : memref<512xf32, #tpu.memory_space<vmem>>)
    %dma_wait3A_517 = arith.constant 0 : i32
    %dma_wait3A_518 = arith.constant 0 : i32
    %dma_wait3A_519 = tpu.memref_slice %arg17[%dma_wait3A_517, %dma_wait3A_518] : memref<16x512xf32, #tpu.memory_space<vmem>> -> memref<1x512xf32, #tpu.memory_space<vmem>>
    %dma_wait3A_520 = tpu.memref_squeeze %dma_wait3A_519 : memref<1x512xf32, #tpu.memory_space<vmem>> -> memref<512xf32, #tpu.memory_space<vmem>>
    %dma_wait3A_521 = arith.constant 0 : i32
    %dma_wait3A_522 = tpu.memref_slice %arg14[%dma_wait3A_521] : memref<8192xi32, #tpu.memory_space<vmem>> -> memref<512xi32, #tpu.memory_space<vmem>>
    %dma_wait3A_523 = arith.constant 0 : i32
    %dma_wait3A_524 = tpu.memref_slice %arg7[%dma_wait3A_523] : memref<1601536xf32, #tpu.memory_space<hbm>> -> memref<1601536xf32, #tpu.memory_space<hbm>>
    tpu.wait_indirect_dma semaphore(%arg20 : memref<!tpu.dma_semaphore, #tpu.memory_space<semaphore_mem>>) src(%dma_wait3A_524 : memref<1601536xf32, #tpu.memory_space<hbm>>) dst(%dma_wait3A_520 : memref<512xf32, #tpu.memory_space<vmem>>)
    %dma_wait3A_525 = arith.constant 0 : i32
    %dma_wait3A_526 = arith.constant 0 : i32
    %dma_wait3A_527 = tpu.memref_slice %arg15[%dma_wait3A_525, %dma_wait3A_526] : memref<16x512xf32, #tpu.memory_space<vmem>> -> memref<1x512xf32, #tpu.memory_space<vmem>>
    %dma_wait3A_528 = tpu.memref_squeeze %dma_wait3A_527 : memref<1x512xf32, #tpu.memory_space<vmem>> -> memref<512xf32, #tpu.memory_space<vmem>>
    %dma_wait3A_529 = arith.constant 0 : i32
    %dma_wait3A_530 = tpu.memref_slice %arg12[%dma_wait3A_529] : memref<8192xi32, #tpu.memory_space<vmem>> -> memref<512xi32, #tpu.memory_space<vmem>>
    %dma_wait3A_531 = arith.constant 0 : i32
    %dma_wait3A_532 = tpu.memref_slice %arg5[%dma_wait3A_531] : memref<16001024xf32, #tpu.memory_space<hbm>> -> memref<16001024xf32, #tpu.memory_space<hbm>>
    tpu.wait_indirect_dma semaphore(%arg18 : memref<!tpu.dma_semaphore, #tpu.memory_space<semaphore_mem>>) src(%dma_wait3A_532 : memref<16001024xf32, #tpu.memory_space<hbm>>) dst(%dma_wait3A_528 : memref<512xf32, #tpu.memory_space<vmem>>)
    %dma_wait3A_533 = arith.constant 0 : i32
    %dma_wait3A_534 = arith.constant 0 : i32
    %dma_wait3A_535 = tpu.memref_slice %arg16[%dma_wait3A_533, %dma_wait3A_534] : memref<16x512xf32, #tpu.memory_space<vmem>> -> memref<1x512xf32, #tpu.memory_space<vmem>>
    %dma_wait3A_536 = tpu.memref_squeeze %dma_wait3A_535 : memref<1x512xf32, #tpu.memory_space<vmem>> -> memref<512xf32, #tpu.memory_space<vmem>>
    %dma_wait3A_537 = arith.constant 0 : i32
    %dma_wait3A_538 = tpu.memref_slice %arg13[%dma_wait3A_537] : memref<8192xi32, #tpu.memory_space<vmem>> -> memref<512xi32, #tpu.memory_space<vmem>>
    %dma_wait3A_539 = arith.constant 0 : i32
    %dma_wait3A_540 = tpu.memref_slice %arg6[%dma_wait3A_539] : memref<16001024xf32, #tpu.memory_space<hbm>> -> memref<16001024xf32, #tpu.memory_space<hbm>>
    tpu.wait_indirect_dma semaphore(%arg19 : memref<!tpu.dma_semaphore, #tpu.memory_space<semaphore_mem>>) src(%dma_wait3A_540 : memref<16001024xf32, #tpu.memory_space<hbm>>) dst(%dma_wait3A_536 : memref<512xf32, #tpu.memory_space<vmem>>)
    %dma_wait3A_541 = arith.constant 0 : i32
    %dma_wait3A_542 = arith.constant 0 : i32
    %dma_wait3A_543 = tpu.memref_slice %arg17[%dma_wait3A_541, %dma_wait3A_542] : memref<16x512xf32, #tpu.memory_space<vmem>> -> memref<1x512xf32, #tpu.memory_space<vmem>>
    %dma_wait3A_544 = tpu.memref_squeeze %dma_wait3A_543 : memref<1x512xf32, #tpu.memory_space<vmem>> -> memref<512xf32, #tpu.memory_space<vmem>>
    %dma_wait3A_545 = arith.constant 0 : i32
    %dma_wait3A_546 = tpu.memref_slice %arg14[%dma_wait3A_545] : memref<8192xi32, #tpu.memory_space<vmem>> -> memref<512xi32, #tpu.memory_space<vmem>>
    %dma_wait3A_547 = arith.constant 0 : i32
    %dma_wait3A_548 = tpu.memref_slice %arg7[%dma_wait3A_547] : memref<1601536xf32, #tpu.memory_space<hbm>> -> memref<1601536xf32, #tpu.memory_space<hbm>>
    tpu.wait_indirect_dma semaphore(%arg20 : memref<!tpu.dma_semaphore, #tpu.memory_space<semaphore_mem>>) src(%dma_wait3A_548 : memref<1601536xf32, #tpu.memory_space<hbm>>) dst(%dma_wait3A_544 : memref<512xf32, #tpu.memory_space<vmem>>)
    %dma_wait3A_549 = arith.constant 0 : i32
    %dma_wait3A_550 = arith.constant 0 : i32
    %dma_wait3A_551 = tpu.memref_slice %arg15[%dma_wait3A_549, %dma_wait3A_550] : memref<16x512xf32, #tpu.memory_space<vmem>> -> memref<1x512xf32, #tpu.memory_space<vmem>>
    %dma_wait3A_552 = tpu.memref_squeeze %dma_wait3A_551 : memref<1x512xf32, #tpu.memory_space<vmem>> -> memref<512xf32, #tpu.memory_space<vmem>>
    %dma_wait3A_553 = arith.constant 0 : i32
    %dma_wait3A_554 = tpu.memref_slice %arg12[%dma_wait3A_553] : memref<8192xi32, #tpu.memory_space<vmem>> -> memref<512xi32, #tpu.memory_space<vmem>>
    %dma_wait3A_555 = arith.constant 0 : i32
    %dma_wait3A_556 = tpu.memref_slice %arg5[%dma_wait3A_555] : memref<16001024xf32, #tpu.memory_space<hbm>> -> memref<16001024xf32, #tpu.memory_space<hbm>>
    tpu.wait_indirect_dma semaphore(%arg18 : memref<!tpu.dma_semaphore, #tpu.memory_space<semaphore_mem>>) src(%dma_wait3A_556 : memref<16001024xf32, #tpu.memory_space<hbm>>) dst(%dma_wait3A_552 : memref<512xf32, #tpu.memory_space<vmem>>)
    %dma_wait3A_557 = arith.constant 0 : i32
    %dma_wait3A_558 = arith.constant 0 : i32
    %dma_wait3A_559 = tpu.memref_slice %arg16[%dma_wait3A_557, %dma_wait3A_558] : memref<16x512xf32, #tpu.memory_space<vmem>> -> memref<1x512xf32, #tpu.memory_space<vmem>>
    %dma_wait3A_560 = tpu.memref_squeeze %dma_wait3A_559 : memref<1x512xf32, #tpu.memory_space<vmem>> -> memref<512xf32, #tpu.memory_space<vmem>>
    %dma_wait3A_561 = arith.constant 0 : i32
    %dma_wait3A_562 = tpu.memref_slice %arg13[%dma_wait3A_561] : memref<8192xi32, #tpu.memory_space<vmem>> -> memref<512xi32, #tpu.memory_space<vmem>>
    %dma_wait3A_563 = arith.constant 0 : i32
    %dma_wait3A_564 = tpu.memref_slice %arg6[%dma_wait3A_563] : memref<16001024xf32, #tpu.memory_space<hbm>> -> memref<16001024xf32, #tpu.memory_space<hbm>>
    tpu.wait_indirect_dma semaphore(%arg19 : memref<!tpu.dma_semaphore, #tpu.memory_space<semaphore_mem>>) src(%dma_wait3A_564 : memref<16001024xf32, #tpu.memory_space<hbm>>) dst(%dma_wait3A_560 : memref<512xf32, #tpu.memory_space<vmem>>)
    %dma_wait3A_565 = arith.constant 0 : i32
    %dma_wait3A_566 = arith.constant 0 : i32
    %dma_wait3A_567 = tpu.memref_slice %arg17[%dma_wait3A_565, %dma_wait3A_566] : memref<16x512xf32, #tpu.memory_space<vmem>> -> memref<1x512xf32, #tpu.memory_space<vmem>>
    %dma_wait3A_568 = tpu.memref_squeeze %dma_wait3A_567 : memref<1x512xf32, #tpu.memory_space<vmem>> -> memref<512xf32, #tpu.memory_space<vmem>>
    %dma_wait3A_569 = arith.constant 0 : i32
    %dma_wait3A_570 = tpu.memref_slice %arg14[%dma_wait3A_569] : memref<8192xi32, #tpu.memory_space<vmem>> -> memref<512xi32, #tpu.memory_space<vmem>>
    %dma_wait3A_571 = arith.constant 0 : i32
    %dma_wait3A_572 = tpu.memref_slice %arg7[%dma_wait3A_571] : memref<1601536xf32, #tpu.memory_space<hbm>> -> memref<1601536xf32, #tpu.memory_space<hbm>>
    tpu.wait_indirect_dma semaphore(%arg20 : memref<!tpu.dma_semaphore, #tpu.memory_space<semaphore_mem>>) src(%dma_wait3A_572 : memref<1601536xf32, #tpu.memory_space<hbm>>) dst(%dma_wait3A_568 : memref<512xf32, #tpu.memory_space<vmem>>)
    %dma_wait3A_573 = arith.constant 0 : i32
    %dma_wait3A_574 = arith.constant 0 : i32
    %dma_wait3A_575 = tpu.memref_slice %arg15[%dma_wait3A_573, %dma_wait3A_574] : memref<16x512xf32, #tpu.memory_space<vmem>> -> memref<1x512xf32, #tpu.memory_space<vmem>>
    %dma_wait3A_576 = tpu.memref_squeeze %dma_wait3A_575 : memref<1x512xf32, #tpu.memory_space<vmem>> -> memref<512xf32, #tpu.memory_space<vmem>>
    %dma_wait3A_577 = arith.constant 0 : i32
    %dma_wait3A_578 = tpu.memref_slice %arg12[%dma_wait3A_577] : memref<8192xi32, #tpu.memory_space<vmem>> -> memref<512xi32, #tpu.memory_space<vmem>>
    %dma_wait3A_579 = arith.constant 0 : i32
    %dma_wait3A_580 = tpu.memref_slice %arg5[%dma_wait3A_579] : memref<16001024xf32, #tpu.memory_space<hbm>> -> memref<16001024xf32, #tpu.memory_space<hbm>>
    tpu.wait_indirect_dma semaphore(%arg18 : memref<!tpu.dma_semaphore, #tpu.memory_space<semaphore_mem>>) src(%dma_wait3A_580 : memref<16001024xf32, #tpu.memory_space<hbm>>) dst(%dma_wait3A_576 : memref<512xf32, #tpu.memory_space<vmem>>)
    %dma_wait3A_581 = arith.constant 0 : i32
    %dma_wait3A_582 = arith.constant 0 : i32
    %dma_wait3A_583 = tpu.memref_slice %arg16[%dma_wait3A_581, %dma_wait3A_582] : memref<16x512xf32, #tpu.memory_space<vmem>> -> memref<1x512xf32, #tpu.memory_space<vmem>>
    %dma_wait3A_584 = tpu.memref_squeeze %dma_wait3A_583 : memref<1x512xf32, #tpu.memory_space<vmem>> -> memref<512xf32, #tpu.memory_space<vmem>>
    %dma_wait3A_585 = arith.constant 0 : i32
    %dma_wait3A_586 = tpu.memref_slice %arg13[%dma_wait3A_585] : memref<8192xi32, #tpu.memory_space<vmem>> -> memref<512xi32, #tpu.memory_space<vmem>>
    %dma_wait3A_587 = arith.constant 0 : i32
    %dma_wait3A_588 = tpu.memref_slice %arg6[%dma_wait3A_587] : memref<16001024xf32, #tpu.memory_space<hbm>> -> memref<16001024xf32, #tpu.memory_space<hbm>>
    tpu.wait_indirect_dma semaphore(%arg19 : memref<!tpu.dma_semaphore, #tpu.memory_space<semaphore_mem>>) src(%dma_wait3A_588 : memref<16001024xf32, #tpu.memory_space<hbm>>) dst(%dma_wait3A_584 : memref<512xf32, #tpu.memory_space<vmem>>)
    %dma_wait3A_589 = arith.constant 0 : i32
    %dma_wait3A_590 = arith.constant 0 : i32
    %dma_wait3A_591 = tpu.memref_slice %arg17[%dma_wait3A_589, %dma_wait3A_590] : memref<16x512xf32, #tpu.memory_space<vmem>> -> memref<1x512xf32, #tpu.memory_space<vmem>>
    %dma_wait3A_592 = tpu.memref_squeeze %dma_wait3A_591 : memref<1x512xf32, #tpu.memory_space<vmem>> -> memref<512xf32, #tpu.memory_space<vmem>>
    %dma_wait3A_593 = arith.constant 0 : i32
    %dma_wait3A_594 = tpu.memref_slice %arg14[%dma_wait3A_593] : memref<8192xi32, #tpu.memory_space<vmem>> -> memref<512xi32, #tpu.memory_space<vmem>>
    %dma_wait3A_595 = arith.constant 0 : i32
    %dma_wait3A_596 = tpu.memref_slice %arg7[%dma_wait3A_595] : memref<1601536xf32, #tpu.memory_space<hbm>> -> memref<1601536xf32, #tpu.memory_space<hbm>>
    tpu.wait_indirect_dma semaphore(%arg20 : memref<!tpu.dma_semaphore, #tpu.memory_space<semaphore_mem>>) src(%dma_wait3A_596 : memref<1601536xf32, #tpu.memory_space<hbm>>) dst(%dma_wait3A_592 : memref<512xf32, #tpu.memory_space<vmem>>)
    %dma_wait3A_597 = arith.constant 0 : i32
    %dma_wait3A_598 = arith.constant 0 : i32
    %dma_wait3A_599 = tpu.memref_slice %arg15[%dma_wait3A_597, %dma_wait3A_598] : memref<16x512xf32, #tpu.memory_space<vmem>> -> memref<1x512xf32, #tpu.memory_space<vmem>>
    %dma_wait3A_600 = tpu.memref_squeeze %dma_wait3A_599 : memref<1x512xf32, #tpu.memory_space<vmem>> -> memref<512xf32, #tpu.memory_space<vmem>>
    %dma_wait3A_601 = arith.constant 0 : i32
    %dma_wait3A_602 = tpu.memref_slice %arg12[%dma_wait3A_601] : memref<8192xi32, #tpu.memory_space<vmem>> -> memref<512xi32, #tpu.memory_space<vmem>>
    %dma_wait3A_603 = arith.constant 0 : i32
    %dma_wait3A_604 = tpu.memref_slice %arg5[%dma_wait3A_603] : memref<16001024xf32, #tpu.memory_space<hbm>> -> memref<16001024xf32, #tpu.memory_space<hbm>>
    tpu.wait_indirect_dma semaphore(%arg18 : memref<!tpu.dma_semaphore, #tpu.memory_space<semaphore_mem>>) src(%dma_wait3A_604 : memref<16001024xf32, #tpu.memory_space<hbm>>) dst(%dma_wait3A_600 : memref<512xf32, #tpu.memory_space<vmem>>)
    %dma_wait3A_605 = arith.constant 0 : i32
    %dma_wait3A_606 = arith.constant 0 : i32
    %dma_wait3A_607 = tpu.memref_slice %arg16[%dma_wait3A_605, %dma_wait3A_606] : memref<16x512xf32, #tpu.memory_space<vmem>> -> memref<1x512xf32, #tpu.memory_space<vmem>>
    %dma_wait3A_608 = tpu.memref_squeeze %dma_wait3A_607 : memref<1x512xf32, #tpu.memory_space<vmem>> -> memref<512xf32, #tpu.memory_space<vmem>>
    %dma_wait3A_609 = arith.constant 0 : i32
    %dma_wait3A_610 = tpu.memref_slice %arg13[%dma_wait3A_609] : memref<8192xi32, #tpu.memory_space<vmem>> -> memref<512xi32, #tpu.memory_space<vmem>>
    %dma_wait3A_611 = arith.constant 0 : i32
    %dma_wait3A_612 = tpu.memref_slice %arg6[%dma_wait3A_611] : memref<16001024xf32, #tpu.memory_space<hbm>> -> memref<16001024xf32, #tpu.memory_space<hbm>>
    tpu.wait_indirect_dma semaphore(%arg19 : memref<!tpu.dma_semaphore, #tpu.memory_space<semaphore_mem>>) src(%dma_wait3A_612 : memref<16001024xf32, #tpu.memory_space<hbm>>) dst(%dma_wait3A_608 : memref<512xf32, #tpu.memory_space<vmem>>)
    %dma_wait3A_613 = arith.constant 0 : i32
    %dma_wait3A_614 = arith.constant 0 : i32
    %dma_wait3A_615 = tpu.memref_slice %arg17[%dma_wait3A_613, %dma_wait3A_614] : memref<16x512xf32, #tpu.memory_space<vmem>> -> memref<1x512xf32, #tpu.memory_space<vmem>>
    %dma_wait3A_616 = tpu.memref_squeeze %dma_wait3A_615 : memref<1x512xf32, #tpu.memory_space<vmem>> -> memref<512xf32, #tpu.memory_space<vmem>>
    %dma_wait3A_617 = arith.constant 0 : i32
    %dma_wait3A_618 = tpu.memref_slice %arg14[%dma_wait3A_617] : memref<8192xi32, #tpu.memory_space<vmem>> -> memref<512xi32, #tpu.memory_space<vmem>>
    %dma_wait3A_619 = arith.constant 0 : i32
    %dma_wait3A_620 = tpu.memref_slice %arg7[%dma_wait3A_619] : memref<1601536xf32, #tpu.memory_space<hbm>> -> memref<1601536xf32, #tpu.memory_space<hbm>>
    tpu.wait_indirect_dma semaphore(%arg20 : memref<!tpu.dma_semaphore, #tpu.memory_space<semaphore_mem>>) src(%dma_wait3A_620 : memref<1601536xf32, #tpu.memory_space<hbm>>) dst(%dma_wait3A_616 : memref<512xf32, #tpu.memory_space<vmem>>)
    %dma_wait3A_621 = arith.constant 0 : i32
    %dma_wait3A_622 = arith.constant 0 : i32
    %dma_wait3A_623 = tpu.memref_slice %arg15[%dma_wait3A_621, %dma_wait3A_622] : memref<16x512xf32, #tpu.memory_space<vmem>> -> memref<1x512xf32, #tpu.memory_space<vmem>>
    %dma_wait3A_624 = tpu.memref_squeeze %dma_wait3A_623 : memref<1x512xf32, #tpu.memory_space<vmem>> -> memref<512xf32, #tpu.memory_space<vmem>>
    %dma_wait3A_625 = arith.constant 0 : i32
    %dma_wait3A_626 = tpu.memref_slice %arg12[%dma_wait3A_625] : memref<8192xi32, #tpu.memory_space<vmem>> -> memref<512xi32, #tpu.memory_space<vmem>>
    %dma_wait3A_627 = arith.constant 0 : i32
    %dma_wait3A_628 = tpu.memref_slice %arg5[%dma_wait3A_627] : memref<16001024xf32, #tpu.memory_space<hbm>> -> memref<16001024xf32, #tpu.memory_space<hbm>>
    tpu.wait_indirect_dma semaphore(%arg18 : memref<!tpu.dma_semaphore, #tpu.memory_space<semaphore_mem>>) src(%dma_wait3A_628 : memref<16001024xf32, #tpu.memory_space<hbm>>) dst(%dma_wait3A_624 : memref<512xf32, #tpu.memory_space<vmem>>)
    %dma_wait3A_629 = arith.constant 0 : i32
    %dma_wait3A_630 = arith.constant 0 : i32
    %dma_wait3A_631 = tpu.memref_slice %arg16[%dma_wait3A_629, %dma_wait3A_630] : memref<16x512xf32, #tpu.memory_space<vmem>> -> memref<1x512xf32, #tpu.memory_space<vmem>>
    %dma_wait3A_632 = tpu.memref_squeeze %dma_wait3A_631 : memref<1x512xf32, #tpu.memory_space<vmem>> -> memref<512xf32, #tpu.memory_space<vmem>>
    %dma_wait3A_633 = arith.constant 0 : i32
    %dma_wait3A_634 = tpu.memref_slice %arg13[%dma_wait3A_633] : memref<8192xi32, #tpu.memory_space<vmem>> -> memref<512xi32, #tpu.memory_space<vmem>>
    %dma_wait3A_635 = arith.constant 0 : i32
    %dma_wait3A_636 = tpu.memref_slice %arg6[%dma_wait3A_635] : memref<16001024xf32, #tpu.memory_space<hbm>> -> memref<16001024xf32, #tpu.memory_space<hbm>>
    tpu.wait_indirect_dma semaphore(%arg19 : memref<!tpu.dma_semaphore, #tpu.memory_space<semaphore_mem>>) src(%dma_wait3A_636 : memref<16001024xf32, #tpu.memory_space<hbm>>) dst(%dma_wait3A_632 : memref<512xf32, #tpu.memory_space<vmem>>)
    %dma_wait3A_637 = arith.constant 0 : i32
    %dma_wait3A_638 = arith.constant 0 : i32
    %dma_wait3A_639 = tpu.memref_slice %arg17[%dma_wait3A_637, %dma_wait3A_638] : memref<16x512xf32, #tpu.memory_space<vmem>> -> memref<1x512xf32, #tpu.memory_space<vmem>>
    %dma_wait3A_640 = tpu.memref_squeeze %dma_wait3A_639 : memref<1x512xf32, #tpu.memory_space<vmem>> -> memref<512xf32, #tpu.memory_space<vmem>>
    %dma_wait3A_641 = arith.constant 0 : i32
    %dma_wait3A_642 = tpu.memref_slice %arg14[%dma_wait3A_641] : memref<8192xi32, #tpu.memory_space<vmem>> -> memref<512xi32, #tpu.memory_space<vmem>>
    %dma_wait3A_643 = arith.constant 0 : i32
    %dma_wait3A_644 = tpu.memref_slice %arg7[%dma_wait3A_643] : memref<1601536xf32, #tpu.memory_space<hbm>> -> memref<1601536xf32, #tpu.memory_space<hbm>>
    tpu.wait_indirect_dma semaphore(%arg20 : memref<!tpu.dma_semaphore, #tpu.memory_space<semaphore_mem>>) src(%dma_wait3A_644 : memref<1601536xf32, #tpu.memory_space<hbm>>) dst(%dma_wait3A_640 : memref<512xf32, #tpu.memory_space<vmem>>)
    %dma_wait3A_645 = arith.constant 0 : i32
    %dma_wait3A_646 = arith.constant 0 : i32
    %dma_wait3A_647 = tpu.memref_slice %arg15[%dma_wait3A_645, %dma_wait3A_646] : memref<16x512xf32, #tpu.memory_space<vmem>> -> memref<1x512xf32, #tpu.memory_space<vmem>>
    %dma_wait3A_648 = tpu.memref_squeeze %dma_wait3A_647 : memref<1x512xf32, #tpu.memory_space<vmem>> -> memref<512xf32, #tpu.memory_space<vmem>>
    %dma_wait3A_649 = arith.constant 0 : i32
    %dma_wait3A_650 = tpu.memref_slice %arg12[%dma_wait3A_649] : memref<8192xi32, #tpu.memory_space<vmem>> -> memref<512xi32, #tpu.memory_space<vmem>>
    %dma_wait3A_651 = arith.constant 0 : i32
    %dma_wait3A_652 = tpu.memref_slice %arg5[%dma_wait3A_651] : memref<16001024xf32, #tpu.memory_space<hbm>> -> memref<16001024xf32, #tpu.memory_space<hbm>>
    tpu.wait_indirect_dma semaphore(%arg18 : memref<!tpu.dma_semaphore, #tpu.memory_space<semaphore_mem>>) src(%dma_wait3A_652 : memref<16001024xf32, #tpu.memory_space<hbm>>) dst(%dma_wait3A_648 : memref<512xf32, #tpu.memory_space<vmem>>)
    %dma_wait3A_653 = arith.constant 0 : i32
    %dma_wait3A_654 = arith.constant 0 : i32
    %dma_wait3A_655 = tpu.memref_slice %arg16[%dma_wait3A_653, %dma_wait3A_654] : memref<16x512xf32, #tpu.memory_space<vmem>> -> memref<1x512xf32, #tpu.memory_space<vmem>>
    %dma_wait3A_656 = tpu.memref_squeeze %dma_wait3A_655 : memref<1x512xf32, #tpu.memory_space<vmem>> -> memref<512xf32, #tpu.memory_space<vmem>>
    %dma_wait3A_657 = arith.constant 0 : i32
    %dma_wait3A_658 = tpu.memref_slice %arg13[%dma_wait3A_657] : memref<8192xi32, #tpu.memory_space<vmem>> -> memref<512xi32, #tpu.memory_space<vmem>>
    %dma_wait3A_659 = arith.constant 0 : i32
    %dma_wait3A_660 = tpu.memref_slice %arg6[%dma_wait3A_659] : memref<16001024xf32, #tpu.memory_space<hbm>> -> memref<16001024xf32, #tpu.memory_space<hbm>>
    tpu.wait_indirect_dma semaphore(%arg19 : memref<!tpu.dma_semaphore, #tpu.memory_space<semaphore_mem>>) src(%dma_wait3A_660 : memref<16001024xf32, #tpu.memory_space<hbm>>) dst(%dma_wait3A_656 : memref<512xf32, #tpu.memory_space<vmem>>)
    %dma_wait3A_661 = arith.constant 0 : i32
    %dma_wait3A_662 = arith.constant 0 : i32
    %dma_wait3A_663 = tpu.memref_slice %arg17[%dma_wait3A_661, %dma_wait3A_662] : memref<16x512xf32, #tpu.memory_space<vmem>> -> memref<1x512xf32, #tpu.memory_space<vmem>>
    %dma_wait3A_664 = tpu.memref_squeeze %dma_wait3A_663 : memref<1x512xf32, #tpu.memory_space<vmem>> -> memref<512xf32, #tpu.memory_space<vmem>>
    %dma_wait3A_665 = arith.constant 0 : i32
    %dma_wait3A_666 = tpu.memref_slice %arg14[%dma_wait3A_665] : memref<8192xi32, #tpu.memory_space<vmem>> -> memref<512xi32, #tpu.memory_space<vmem>>
    %dma_wait3A_667 = arith.constant 0 : i32
    %dma_wait3A_668 = tpu.memref_slice %arg7[%dma_wait3A_667] : memref<1601536xf32, #tpu.memory_space<hbm>> -> memref<1601536xf32, #tpu.memory_space<hbm>>
    tpu.wait_indirect_dma semaphore(%arg20 : memref<!tpu.dma_semaphore, #tpu.memory_space<semaphore_mem>>) src(%dma_wait3A_668 : memref<1601536xf32, #tpu.memory_space<hbm>>) dst(%dma_wait3A_664 : memref<512xf32, #tpu.memory_space<vmem>>)
    %dma_wait3A_669 = arith.constant 0 : i32
    %dma_wait3A_670 = arith.constant 0 : i32
    %dma_wait3A_671 = tpu.memref_slice %arg15[%dma_wait3A_669, %dma_wait3A_670] : memref<16x512xf32, #tpu.memory_space<vmem>> -> memref<1x512xf32, #tpu.memory_space<vmem>>
    %dma_wait3A_672 = tpu.memref_squeeze %dma_wait3A_671 : memref<1x512xf32, #tpu.memory_space<vmem>> -> memref<512xf32, #tpu.memory_space<vmem>>
    %dma_wait3A_673 = arith.constant 0 : i32
    %dma_wait3A_674 = tpu.memref_slice %arg12[%dma_wait3A_673] : memref<8192xi32, #tpu.memory_space<vmem>> -> memref<512xi32, #tpu.memory_space<vmem>>
    %dma_wait3A_675 = arith.constant 0 : i32
    %dma_wait3A_676 = tpu.memref_slice %arg5[%dma_wait3A_675] : memref<16001024xf32, #tpu.memory_space<hbm>> -> memref<16001024xf32, #tpu.memory_space<hbm>>
    tpu.wait_indirect_dma semaphore(%arg18 : memref<!tpu.dma_semaphore, #tpu.memory_space<semaphore_mem>>) src(%dma_wait3A_676 : memref<16001024xf32, #tpu.memory_space<hbm>>) dst(%dma_wait3A_672 : memref<512xf32, #tpu.memory_space<vmem>>)
    %dma_wait3A_677 = arith.constant 0 : i32
    %dma_wait3A_678 = arith.constant 0 : i32
    %dma_wait3A_679 = tpu.memref_slice %arg16[%dma_wait3A_677, %dma_wait3A_678] : memref<16x512xf32, #tpu.memory_space<vmem>> -> memref<1x512xf32, #tpu.memory_space<vmem>>
    %dma_wait3A_680 = tpu.memref_squeeze %dma_wait3A_679 : memref<1x512xf32, #tpu.memory_space<vmem>> -> memref<512xf32, #tpu.memory_space<vmem>>
    %dma_wait3A_681 = arith.constant 0 : i32
    %dma_wait3A_682 = tpu.memref_slice %arg13[%dma_wait3A_681] : memref<8192xi32, #tpu.memory_space<vmem>> -> memref<512xi32, #tpu.memory_space<vmem>>
    %dma_wait3A_683 = arith.constant 0 : i32
    %dma_wait3A_684 = tpu.memref_slice %arg6[%dma_wait3A_683] : memref<16001024xf32, #tpu.memory_space<hbm>> -> memref<16001024xf32, #tpu.memory_space<hbm>>
    tpu.wait_indirect_dma semaphore(%arg19 : memref<!tpu.dma_semaphore, #tpu.memory_space<semaphore_mem>>) src(%dma_wait3A_684 : memref<16001024xf32, #tpu.memory_space<hbm>>) dst(%dma_wait3A_680 : memref<512xf32, #tpu.memory_space<vmem>>)
    %dma_wait3A_685 = arith.constant 0 : i32
    %dma_wait3A_686 = arith.constant 0 : i32
    %dma_wait3A_687 = tpu.memref_slice %arg17[%dma_wait3A_685, %dma_wait3A_686] : memref<16x512xf32, #tpu.memory_space<vmem>> -> memref<1x512xf32, #tpu.memory_space<vmem>>
    %dma_wait3A_688 = tpu.memref_squeeze %dma_wait3A_687 : memref<1x512xf32, #tpu.memory_space<vmem>> -> memref<512xf32, #tpu.memory_space<vmem>>
    %dma_wait3A_689 = arith.constant 0 : i32
    %dma_wait3A_690 = tpu.memref_slice %arg14[%dma_wait3A_689] : memref<8192xi32, #tpu.memory_space<vmem>> -> memref<512xi32, #tpu.memory_space<vmem>>
    %dma_wait3A_691 = arith.constant 0 : i32
    %dma_wait3A_692 = tpu.memref_slice %arg7[%dma_wait3A_691] : memref<1601536xf32, #tpu.memory_space<hbm>> -> memref<1601536xf32, #tpu.memory_space<hbm>>
    tpu.wait_indirect_dma semaphore(%arg20 : memref<!tpu.dma_semaphore, #tpu.memory_space<semaphore_mem>>) src(%dma_wait3A_692 : memref<1601536xf32, #tpu.memory_space<hbm>>) dst(%dma_wait3A_688 : memref<512xf32, #tpu.memory_space<vmem>>)
    %dma_wait3A_693 = arith.constant 0 : i32
    %dma_wait3A_694 = arith.constant 0 : i32
    %dma_wait3A_695 = tpu.memref_slice %arg15[%dma_wait3A_693, %dma_wait3A_694] : memref<16x512xf32, #tpu.memory_space<vmem>> -> memref<1x512xf32, #tpu.memory_space<vmem>>
    %dma_wait3A_696 = tpu.memref_squeeze %dma_wait3A_695 : memref<1x512xf32, #tpu.memory_space<vmem>> -> memref<512xf32, #tpu.memory_space<vmem>>
    %dma_wait3A_697 = arith.constant 0 : i32
    %dma_wait3A_698 = tpu.memref_slice %arg12[%dma_wait3A_697] : memref<8192xi32, #tpu.memory_space<vmem>> -> memref<512xi32, #tpu.memory_space<vmem>>
    %dma_wait3A_699 = arith.constant 0 : i32
    %dma_wait3A_700 = tpu.memref_slice %arg5[%dma_wait3A_699] : memref<16001024xf32, #tpu.memory_space<hbm>> -> memref<16001024xf32, #tpu.memory_space<hbm>>
    tpu.wait_indirect_dma semaphore(%arg18 : memref<!tpu.dma_semaphore, #tpu.memory_space<semaphore_mem>>) src(%dma_wait3A_700 : memref<16001024xf32, #tpu.memory_space<hbm>>) dst(%dma_wait3A_696 : memref<512xf32, #tpu.memory_space<vmem>>)
    %dma_wait3A_701 = arith.constant 0 : i32
    %dma_wait3A_702 = arith.constant 0 : i32
    %dma_wait3A_703 = tpu.memref_slice %arg16[%dma_wait3A_701, %dma_wait3A_702] : memref<16x512xf32, #tpu.memory_space<vmem>> -> memref<1x512xf32, #tpu.memory_space<vmem>>
    %dma_wait3A_704 = tpu.memref_squeeze %dma_wait3A_703 : memref<1x512xf32, #tpu.memory_space<vmem>> -> memref<512xf32, #tpu.memory_space<vmem>>
    %dma_wait3A_705 = arith.constant 0 : i32
    %dma_wait3A_706 = tpu.memref_slice %arg13[%dma_wait3A_705] : memref<8192xi32, #tpu.memory_space<vmem>> -> memref<512xi32, #tpu.memory_space<vmem>>
    %dma_wait3A_707 = arith.constant 0 : i32
    %dma_wait3A_708 = tpu.memref_slice %arg6[%dma_wait3A_707] : memref<16001024xf32, #tpu.memory_space<hbm>> -> memref<16001024xf32, #tpu.memory_space<hbm>>
    tpu.wait_indirect_dma semaphore(%arg19 : memref<!tpu.dma_semaphore, #tpu.memory_space<semaphore_mem>>) src(%dma_wait3A_708 : memref<16001024xf32, #tpu.memory_space<hbm>>) dst(%dma_wait3A_704 : memref<512xf32, #tpu.memory_space<vmem>>)
    %dma_wait3A_709 = arith.constant 0 : i32
    %dma_wait3A_710 = arith.constant 0 : i32
    %dma_wait3A_711 = tpu.memref_slice %arg17[%dma_wait3A_709, %dma_wait3A_710] : memref<16x512xf32, #tpu.memory_space<vmem>> -> memref<1x512xf32, #tpu.memory_space<vmem>>
    %dma_wait3A_712 = tpu.memref_squeeze %dma_wait3A_711 : memref<1x512xf32, #tpu.memory_space<vmem>> -> memref<512xf32, #tpu.memory_space<vmem>>
    %dma_wait3A_713 = arith.constant 0 : i32
    %dma_wait3A_714 = tpu.memref_slice %arg14[%dma_wait3A_713] : memref<8192xi32, #tpu.memory_space<vmem>> -> memref<512xi32, #tpu.memory_space<vmem>>
    %dma_wait3A_715 = arith.constant 0 : i32
    %dma_wait3A_716 = tpu.memref_slice %arg7[%dma_wait3A_715] : memref<1601536xf32, #tpu.memory_space<hbm>> -> memref<1601536xf32, #tpu.memory_space<hbm>>
    tpu.wait_indirect_dma semaphore(%arg20 : memref<!tpu.dma_semaphore, #tpu.memory_space<semaphore_mem>>) src(%dma_wait3A_716 : memref<1601536xf32, #tpu.memory_space<hbm>>) dst(%dma_wait3A_712 : memref<512xf32, #tpu.memory_space<vmem>>)
    %dma_wait3A_717 = arith.constant 0 : i32
    %dma_wait3A_718 = arith.constant 0 : i32
    %dma_wait3A_719 = tpu.memref_slice %arg15[%dma_wait3A_717, %dma_wait3A_718] : memref<16x512xf32, #tpu.memory_space<vmem>> -> memref<1x512xf32, #tpu.memory_space<vmem>>
    %dma_wait3A_720 = tpu.memref_squeeze %dma_wait3A_719 : memref<1x512xf32, #tpu.memory_space<vmem>> -> memref<512xf32, #tpu.memory_space<vmem>>
    %dma_wait3A_721 = arith.constant 0 : i32
    %dma_wait3A_722 = tpu.memref_slice %arg12[%dma_wait3A_721] : memref<8192xi32, #tpu.memory_space<vmem>> -> memref<512xi32, #tpu.memory_space<vmem>>
    %dma_wait3A_723 = arith.constant 0 : i32
    %dma_wait3A_724 = tpu.memref_slice %arg5[%dma_wait3A_723] : memref<16001024xf32, #tpu.memory_space<hbm>> -> memref<16001024xf32, #tpu.memory_space<hbm>>
    tpu.wait_indirect_dma semaphore(%arg18 : memref<!tpu.dma_semaphore, #tpu.memory_space<semaphore_mem>>) src(%dma_wait3A_724 : memref<16001024xf32, #tpu.memory_space<hbm>>) dst(%dma_wait3A_720 : memref<512xf32, #tpu.memory_space<vmem>>)
    %dma_wait3A_725 = arith.constant 0 : i32
    %dma_wait3A_726 = arith.constant 0 : i32
    %dma_wait3A_727 = tpu.memref_slice %arg16[%dma_wait3A_725, %dma_wait3A_726] : memref<16x512xf32, #tpu.memory_space<vmem>> -> memref<1x512xf32, #tpu.memory_space<vmem>>
    %dma_wait3A_728 = tpu.memref_squeeze %dma_wait3A_727 : memref<1x512xf32, #tpu.memory_space<vmem>> -> memref<512xf32, #tpu.memory_space<vmem>>
    %dma_wait3A_729 = arith.constant 0 : i32
    %dma_wait3A_730 = tpu.memref_slice %arg13[%dma_wait3A_729] : memref<8192xi32, #tpu.memory_space<vmem>> -> memref<512xi32, #tpu.memory_space<vmem>>
    %dma_wait3A_731 = arith.constant 0 : i32
    %dma_wait3A_732 = tpu.memref_slice %arg6[%dma_wait3A_731] : memref<16001024xf32, #tpu.memory_space<hbm>> -> memref<16001024xf32, #tpu.memory_space<hbm>>
    tpu.wait_indirect_dma semaphore(%arg19 : memref<!tpu.dma_semaphore, #tpu.memory_space<semaphore_mem>>) src(%dma_wait3A_732 : memref<16001024xf32, #tpu.memory_space<hbm>>) dst(%dma_wait3A_728 : memref<512xf32, #tpu.memory_space<vmem>>)
    %dma_wait3A_733 = arith.constant 0 : i32
    %dma_wait3A_734 = arith.constant 0 : i32
    %dma_wait3A_735 = tpu.memref_slice %arg17[%dma_wait3A_733, %dma_wait3A_734] : memref<16x512xf32, #tpu.memory_space<vmem>> -> memref<1x512xf32, #tpu.memory_space<vmem>>
    %dma_wait3A_736 = tpu.memref_squeeze %dma_wait3A_735 : memref<1x512xf32, #tpu.memory_space<vmem>> -> memref<512xf32, #tpu.memory_space<vmem>>
    %dma_wait3A_737 = arith.constant 0 : i32
    %dma_wait3A_738 = tpu.memref_slice %arg14[%dma_wait3A_737] : memref<8192xi32, #tpu.memory_space<vmem>> -> memref<512xi32, #tpu.memory_space<vmem>>
    %dma_wait3A_739 = arith.constant 0 : i32
    %dma_wait3A_740 = tpu.memref_slice %arg7[%dma_wait3A_739] : memref<1601536xf32, #tpu.memory_space<hbm>> -> memref<1601536xf32, #tpu.memory_space<hbm>>
    tpu.wait_indirect_dma semaphore(%arg20 : memref<!tpu.dma_semaphore, #tpu.memory_space<semaphore_mem>>) src(%dma_wait3A_740 : memref<1601536xf32, #tpu.memory_space<hbm>>) dst(%dma_wait3A_736 : memref<512xf32, #tpu.memory_space<vmem>>)
    %dma_wait3A_741 = arith.constant 0 : i32
    %dma_wait3A_742 = arith.constant 0 : i32
    %dma_wait3A_743 = tpu.memref_slice %arg15[%dma_wait3A_741, %dma_wait3A_742] : memref<16x512xf32, #tpu.memory_space<vmem>> -> memref<1x512xf32, #tpu.memory_space<vmem>>
    %dma_wait3A_744 = tpu.memref_squeeze %dma_wait3A_743 : memref<1x512xf32, #tpu.memory_space<vmem>> -> memref<512xf32, #tpu.memory_space<vmem>>
    %dma_wait3A_745 = arith.constant 0 : i32
    %dma_wait3A_746 = tpu.memref_slice %arg12[%dma_wait3A_745] : memref<8192xi32, #tpu.memory_space<vmem>> -> memref<512xi32, #tpu.memory_space<vmem>>
    %dma_wait3A_747 = arith.constant 0 : i32
    %dma_wait3A_748 = tpu.memref_slice %arg5[%dma_wait3A_747] : memref<16001024xf32, #tpu.memory_space<hbm>> -> memref<16001024xf32, #tpu.memory_space<hbm>>
    tpu.wait_indirect_dma semaphore(%arg18 : memref<!tpu.dma_semaphore, #tpu.memory_space<semaphore_mem>>) src(%dma_wait3A_748 : memref<16001024xf32, #tpu.memory_space<hbm>>) dst(%dma_wait3A_744 : memref<512xf32, #tpu.memory_space<vmem>>)
    %dma_wait3A_749 = arith.constant 0 : i32
    %dma_wait3A_750 = arith.constant 0 : i32
    %dma_wait3A_751 = tpu.memref_slice %arg16[%dma_wait3A_749, %dma_wait3A_750] : memref<16x512xf32, #tpu.memory_space<vmem>> -> memref<1x512xf32, #tpu.memory_space<vmem>>
    %dma_wait3A_752 = tpu.memref_squeeze %dma_wait3A_751 : memref<1x512xf32, #tpu.memory_space<vmem>> -> memref<512xf32, #tpu.memory_space<vmem>>
    %dma_wait3A_753 = arith.constant 0 : i32
    %dma_wait3A_754 = tpu.memref_slice %arg13[%dma_wait3A_753] : memref<8192xi32, #tpu.memory_space<vmem>> -> memref<512xi32, #tpu.memory_space<vmem>>
    %dma_wait3A_755 = arith.constant 0 : i32
    %dma_wait3A_756 = tpu.memref_slice %arg6[%dma_wait3A_755] : memref<16001024xf32, #tpu.memory_space<hbm>> -> memref<16001024xf32, #tpu.memory_space<hbm>>
    tpu.wait_indirect_dma semaphore(%arg19 : memref<!tpu.dma_semaphore, #tpu.memory_space<semaphore_mem>>) src(%dma_wait3A_756 : memref<16001024xf32, #tpu.memory_space<hbm>>) dst(%dma_wait3A_752 : memref<512xf32, #tpu.memory_space<vmem>>)
    %dma_wait3A_757 = arith.constant 0 : i32
    %dma_wait3A_758 = arith.constant 0 : i32
    %dma_wait3A_759 = tpu.memref_slice %arg17[%dma_wait3A_757, %dma_wait3A_758] : memref<16x512xf32, #tpu.memory_space<vmem>> -> memref<1x512xf32, #tpu.memory_space<vmem>>
    %dma_wait3A_760 = tpu.memref_squeeze %dma_wait3A_759 : memref<1x512xf32, #tpu.memory_space<vmem>> -> memref<512xf32, #tpu.memory_space<vmem>>
    %dma_wait3A_761 = arith.constant 0 : i32
    %dma_wait3A_762 = tpu.memref_slice %arg14[%dma_wait3A_761] : memref<8192xi32, #tpu.memory_space<vmem>> -> memref<512xi32, #tpu.memory_space<vmem>>
    %dma_wait3A_763 = arith.constant 0 : i32
    %dma_wait3A_764 = tpu.memref_slice %arg7[%dma_wait3A_763] : memref<1601536xf32, #tpu.memory_space<hbm>> -> memref<1601536xf32, #tpu.memory_space<hbm>>
    tpu.wait_indirect_dma semaphore(%arg20 : memref<!tpu.dma_semaphore, #tpu.memory_space<semaphore_mem>>) src(%dma_wait3A_764 : memref<1601536xf32, #tpu.memory_space<hbm>>) dst(%dma_wait3A_760 : memref<512xf32, #tpu.memory_space<vmem>>)
    %dma_wait3A_765 = arith.constant 0 : i32
    %dma_wait3A_766 = arith.constant 0 : i32
    %dma_wait3A_767 = tpu.memref_slice %arg15[%dma_wait3A_765, %dma_wait3A_766] : memref<16x512xf32, #tpu.memory_space<vmem>> -> memref<1x512xf32, #tpu.memory_space<vmem>>
    %dma_wait3A_768 = tpu.memref_squeeze %dma_wait3A_767 : memref<1x512xf32, #tpu.memory_space<vmem>> -> memref<512xf32, #tpu.memory_space<vmem>>
    %dma_wait3A_769 = arith.constant 0 : i32
    %dma_wait3A_770 = tpu.memref_slice %arg12[%dma_wait3A_769] : memref<8192xi32, #tpu.memory_space<vmem>> -> memref<512xi32, #tpu.memory_space<vmem>>
    %dma_wait3A_771 = arith.constant 0 : i32
    %dma_wait3A_772 = tpu.memref_slice %arg5[%dma_wait3A_771] : memref<16001024xf32, #tpu.memory_space<hbm>> -> memref<16001024xf32, #tpu.memory_space<hbm>>
    tpu.wait_indirect_dma semaphore(%arg18 : memref<!tpu.dma_semaphore, #tpu.memory_space<semaphore_mem>>) src(%dma_wait3A_772 : memref<16001024xf32, #tpu.memory_space<hbm>>) dst(%dma_wait3A_768 : memref<512xf32, #tpu.memory_space<vmem>>)
    %dma_wait3A_773 = arith.constant 0 : i32
    %dma_wait3A_774 = arith.constant 0 : i32
    %dma_wait3A_775 = tpu.memref_slice %arg16[%dma_wait3A_773, %dma_wait3A_774] : memref<16x512xf32, #tpu.memory_space<vmem>> -> memref<1x512xf32, #tpu.memory_space<vmem>>
    %dma_wait3A_776 = tpu.memref_squeeze %dma_wait3A_775 : memref<1x512xf32, #tpu.memory_space<vmem>> -> memref<512xf32, #tpu.memory_space<vmem>>
    %dma_wait3A_777 = arith.constant 0 : i32
    %dma_wait3A_778 = tpu.memref_slice %arg13[%dma_wait3A_777] : memref<8192xi32, #tpu.memory_space<vmem>> -> memref<512xi32, #tpu.memory_space<vmem>>
    %dma_wait3A_779 = arith.constant 0 : i32
    %dma_wait3A_780 = tpu.memref_slice %arg6[%dma_wait3A_779] : memref<16001024xf32, #tpu.memory_space<hbm>> -> memref<16001024xf32, #tpu.memory_space<hbm>>
    tpu.wait_indirect_dma semaphore(%arg19 : memref<!tpu.dma_semaphore, #tpu.memory_space<semaphore_mem>>) src(%dma_wait3A_780 : memref<16001024xf32, #tpu.memory_space<hbm>>) dst(%dma_wait3A_776 : memref<512xf32, #tpu.memory_space<vmem>>)
    %dma_wait3A_781 = arith.constant 0 : i32
    %dma_wait3A_782 = arith.constant 0 : i32
    %dma_wait3A_783 = tpu.memref_slice %arg17[%dma_wait3A_781, %dma_wait3A_782] : memref<16x512xf32, #tpu.memory_space<vmem>> -> memref<1x512xf32, #tpu.memory_space<vmem>>
    %dma_wait3A_784 = tpu.memref_squeeze %dma_wait3A_783 : memref<1x512xf32, #tpu.memory_space<vmem>> -> memref<512xf32, #tpu.memory_space<vmem>>
    %dma_wait3A_785 = arith.constant 0 : i32
    %dma_wait3A_786 = tpu.memref_slice %arg14[%dma_wait3A_785] : memref<8192xi32, #tpu.memory_space<vmem>> -> memref<512xi32, #tpu.memory_space<vmem>>
    %dma_wait3A_787 = arith.constant 0 : i32
    %dma_wait3A_788 = tpu.memref_slice %arg7[%dma_wait3A_787] : memref<1601536xf32, #tpu.memory_space<hbm>> -> memref<1601536xf32, #tpu.memory_space<hbm>>
    tpu.wait_indirect_dma semaphore(%arg20 : memref<!tpu.dma_semaphore, #tpu.memory_space<semaphore_mem>>) src(%dma_wait3A_788 : memref<1601536xf32, #tpu.memory_space<hbm>>) dst(%dma_wait3A_784 : memref<512xf32, #tpu.memory_space<vmem>>)
    %run_scoped3A = arith.constant 0 : i32
    "tpu.region"() ({
      %run_scoped3A_791 = tpu.sem_alloc : memref<!tpu.dma_semaphore, #tpu.memory_space<semaphore_mem>>
      %dma_start3A_792 = arith.constant 0 : i32
      %dma_start3A_793 = tpu.memref_slice %arg8[%run_scoped3A, %dma_start3A_792, %mul3A_2] : memref<3x16x16384xf32, #tpu.memory_space<hbm>> -> memref<1x16x512xf32, #tpu.memory_space<hbm>>
      %dma_start3A_794 = tpu.memref_squeeze %dma_start3A_793 : memref<1x16x512xf32, #tpu.memory_space<hbm>> -> memref<16x512xf32, #tpu.memory_space<hbm>>
      %dma_start3A_795 = arith.constant 0 : i32
      %dma_start3A_796 = tpu.memref_slice %arg8[%run_scoped3A, %dma_start3A_795, %mul3A_2] : memref<3x16x16384xf32, #tpu.memory_space<hbm>> -> memref<1x16x512xf32, #tpu.memory_space<hbm>>
      %dma_start3A_797 = tpu.memref_squeeze %dma_start3A_796 : memref<1x16x512xf32, #tpu.memory_space<hbm>> -> memref<16x512xf32, #tpu.memory_space<hbm>>
      tpu.enqueue_dma source(%arg15 : memref<16x512xf32, #tpu.memory_space<vmem>>) target(%dma_start3A_797 : memref<16x512xf32, #tpu.memory_space<hbm>>) target_semaphore(%run_scoped3A_791 : memref<!tpu.dma_semaphore, #tpu.memory_space<semaphore_mem>>)
      %dma_wait3A_798 = arith.constant 0 : i32
      %dma_wait3A_799 = tpu.memref_slice %arg8[%run_scoped3A, %dma_wait3A_798, %mul3A_2] : memref<3x16x16384xf32, #tpu.memory_space<hbm>> -> memref<1x16x512xf32, #tpu.memory_space<hbm>>
      %dma_wait3A_800 = tpu.memref_squeeze %dma_wait3A_799 : memref<1x16x512xf32, #tpu.memory_space<hbm>> -> memref<16x512xf32, #tpu.memory_space<hbm>>
      %dma_wait3A_801 = arith.constant 0 : i32
      %dma_wait3A_802 = tpu.memref_slice %arg8[%run_scoped3A, %dma_wait3A_801, %mul3A_2] : memref<3x16x16384xf32, #tpu.memory_space<hbm>> -> memref<1x16x512xf32, #tpu.memory_space<hbm>>
      %dma_wait3A_803 = tpu.memref_squeeze %dma_wait3A_802 : memref<1x16x512xf32, #tpu.memory_space<hbm>> -> memref<16x512xf32, #tpu.memory_space<hbm>>
      tpu.wait_dma2 semaphore(%run_scoped3A_791 : memref<!tpu.dma_semaphore, #tpu.memory_space<semaphore_mem>>) src(%arg15 : memref<16x512xf32, #tpu.memory_space<vmem>>) dst(%dma_wait3A_803 : memref<16x512xf32, #tpu.memory_space<hbm>>)
      tpu.yield
    }) : () -> ()
    %run_scoped3A_789 = arith.constant 1 : i32
    "tpu.region"() ({
      %run_scoped3A_791 = tpu.sem_alloc : memref<!tpu.dma_semaphore, #tpu.memory_space<semaphore_mem>>
      %dma_start3A_792 = arith.constant 0 : i32
      %dma_start3A_793 = tpu.memref_slice %arg8[%run_scoped3A_789, %dma_start3A_792, %mul3A_2] : memref<3x16x16384xf32, #tpu.memory_space<hbm>> -> memref<1x16x512xf32, #tpu.memory_space<hbm>>
      %dma_start3A_794 = tpu.memref_squeeze %dma_start3A_793 : memref<1x16x512xf32, #tpu.memory_space<hbm>> -> memref<16x512xf32, #tpu.memory_space<hbm>>
      %dma_start3A_795 = arith.constant 0 : i32
      %dma_start3A_796 = tpu.memref_slice %arg8[%run_scoped3A_789, %dma_start3A_795, %mul3A_2] : memref<3x16x16384xf32, #tpu.memory_space<hbm>> -> memref<1x16x512xf32, #tpu.memory_space<hbm>>
      %dma_start3A_797 = tpu.memref_squeeze %dma_start3A_796 : memref<1x16x512xf32, #tpu.memory_space<hbm>> -> memref<16x512xf32, #tpu.memory_space<hbm>>
      tpu.enqueue_dma source(%arg16 : memref<16x512xf32, #tpu.memory_space<vmem>>) target(%dma_start3A_797 : memref<16x512xf32, #tpu.memory_space<hbm>>) target_semaphore(%run_scoped3A_791 : memref<!tpu.dma_semaphore, #tpu.memory_space<semaphore_mem>>)
      %dma_wait3A_798 = arith.constant 0 : i32
      %dma_wait3A_799 = tpu.memref_slice %arg8[%run_scoped3A_789, %dma_wait3A_798, %mul3A_2] : memref<3x16x16384xf32, #tpu.memory_space<hbm>> -> memref<1x16x512xf32, #tpu.memory_space<hbm>>
      %dma_wait3A_800 = tpu.memref_squeeze %dma_wait3A_799 : memref<1x16x512xf32, #tpu.memory_space<hbm>> -> memref<16x512xf32, #tpu.memory_space<hbm>>
      %dma_wait3A_801 = arith.constant 0 : i32
      %dma_wait3A_802 = tpu.memref_slice %arg8[%run_scoped3A_789, %dma_wait3A_801, %mul3A_2] : memref<3x16x16384xf32, #tpu.memory_space<hbm>> -> memref<1x16x512xf32, #tpu.memory_space<hbm>>
      %dma_wait3A_803 = tpu.memref_squeeze %dma_wait3A_802 : memref<1x16x512xf32, #tpu.memory_space<hbm>> -> memref<16x512xf32, #tpu.memory_space<hbm>>
      tpu.wait_dma2 semaphore(%run_scoped3A_791 : memref<!tpu.dma_semaphore, #tpu.memory_space<semaphore_mem>>) src(%arg16 : memref<16x512xf32, #tpu.memory_space<vmem>>) dst(%dma_wait3A_803 : memref<16x512xf32, #tpu.memory_space<hbm>>)
      tpu.yield
    }) : () -> ()
    %run_scoped3A_790 = arith.constant 2 : i32
    "tpu.region"() ({
      %run_scoped3A_791 = tpu.sem_alloc : memref<!tpu.dma_semaphore, #tpu.memory_space<semaphore_mem>>
      %dma_start3A_792 = arith.constant 0 : i32
      %dma_start3A_793 = tpu.memref_slice %arg8[%run_scoped3A_790, %dma_start3A_792, %mul3A_2] : memref<3x16x16384xf32, #tpu.memory_space<hbm>> -> memref<1x16x512xf32, #tpu.memory_space<hbm>>
      %dma_start3A_794 = tpu.memref_squeeze %dma_start3A_793 : memref<1x16x512xf32, #tpu.memory_space<hbm>> -> memref<16x512xf32, #tpu.memory_space<hbm>>
      %dma_start3A_795 = arith.constant 0 : i32
      %dma_start3A_796 = tpu.memref_slice %arg8[%run_scoped3A_790, %dma_start3A_795, %mul3A_2] : memref<3x16x16384xf32, #tpu.memory_space<hbm>> -> memref<1x16x512xf32, #tpu.memory_space<hbm>>
      %dma_start3A_797 = tpu.memref_squeeze %dma_start3A_796 : memref<1x16x512xf32, #tpu.memory_space<hbm>> -> memref<16x512xf32, #tpu.memory_space<hbm>>
      tpu.enqueue_dma source(%arg17 : memref<16x512xf32, #tpu.memory_space<vmem>>) target(%dma_start3A_797 : memref<16x512xf32, #tpu.memory_space<hbm>>) target_semaphore(%run_scoped3A_791 : memref<!tpu.dma_semaphore, #tpu.memory_space<semaphore_mem>>)
      %dma_wait3A_798 = arith.constant 0 : i32
      %dma_wait3A_799 = tpu.memref_slice %arg8[%run_scoped3A_790, %dma_wait3A_798, %mul3A_2] : memref<3x16x16384xf32, #tpu.memory_space<hbm>> -> memref<1x16x512xf32, #tpu.memory_space<hbm>>
      %dma_wait3A_800 = tpu.memref_squeeze %dma_wait3A_799 : memref<1x16x512xf32, #tpu.memory_space<hbm>> -> memref<16x512xf32, #tpu.memory_space<hbm>>
      %dma_wait3A_801 = arith.constant 0 : i32
      %dma_wait3A_802 = tpu.memref_slice %arg8[%run_scoped3A_790, %dma_wait3A_801, %mul3A_2] : memref<3x16x16384xf32, #tpu.memory_space<hbm>> -> memref<1x16x512xf32, #tpu.memory_space<hbm>>
      %dma_wait3A_803 = tpu.memref_squeeze %dma_wait3A_802 : memref<1x16x512xf32, #tpu.memory_space<hbm>> -> memref<16x512xf32, #tpu.memory_space<hbm>>
      tpu.wait_dma2 semaphore(%run_scoped3A_791 : memref<!tpu.dma_semaphore, #tpu.memory_space<semaphore_mem>>) src(%arg17 : memref<16x512xf32, #tpu.memory_space<vmem>>) dst(%dma_wait3A_803 : memref<16x512xf32, #tpu.memory_space<hbm>>)
      tpu.yield
    }) : () -> ()
    return
  }
}

#map = affine_map<(d0, d1) -> (0)>
#map1 = affine_map<(d0, d1) -> (0, 0)>
module attributes {stable_mosaic.version = 14 : i64} {
  func.func @_detile_body(%arg0: i32, %arg1: i32, %arg2: memref<1638400xf32, #tpu.memory_space<hbm>>, %arg3: memref<102400x16xf32, #tpu.memory_space<hbm>>, %arg4: memref<51200xf32, #tpu.memory_space<vmem>>, %arg5: memref<3200x16xf32, #tpu.memory_space<vmem>>) attributes {dimension_semantics = [#tpu.dimension_semantics<core_parallel>, #tpu.dimension_semantics<subcore_parallel>], iteration_bounds = array<i64: 2, 16>, scalar_prefetch = 0 : i64, scratch_operands = 2 : i64, tpu.core_type = #tpu.core_type<sc_vector_subcore>, window_params = [{transform_indices = #map}, {transform_indices = #map1}]} {
    %mul3A = arith.constant 2 : i32
    %mul3A_0 = arith.muli %arg1, %mul3A : i32
    %add3A = arith.addi %mul3A_0, %arg0 : i32
    %mul3A_1 = arith.constant 25 : i32
    %mul3A_2 = arith.muli %add3A, %mul3A_1 : i32
    %mul3A_3 = arith.constant 1024 : i32
    %mul3A_4 = arith.muli %mul3A_2, %mul3A_3 : i32
    "tpu.region"() ({
      %run_scoped3A = tpu.sem_alloc : memref<!tpu.dma_semaphore, #tpu.memory_space<semaphore_mem>>
      %dma_start3A = arith.constant 0 : i32
      %dma_start3A_30 = tpu.memref_slice %arg4[%dma_start3A] : memref<51200xf32, #tpu.memory_space<vmem>> -> memref<25600xf32, #tpu.memory_space<vmem>>
      %dma_start3A_31 = tpu.memref_slice %arg2[%mul3A_4] : memref<1638400xf32, #tpu.memory_space<hbm>> -> memref<25600xf32, #tpu.memory_space<hbm>>
      %dma_start3A_32 = arith.constant 0 : i32
      %dma_start3A_33 = tpu.memref_slice %arg4[%dma_start3A_32] : memref<51200xf32, #tpu.memory_space<vmem>> -> memref<25600xf32, #tpu.memory_space<vmem>>
      %dma_start3A_34 = tpu.memref_slice %arg2[%mul3A_4] : memref<1638400xf32, #tpu.memory_space<hbm>> -> memref<25600xf32, #tpu.memory_space<hbm>>
      tpu.enqueue_dma source(%dma_start3A_34 : memref<25600xf32, #tpu.memory_space<hbm>>) target(%dma_start3A_33 : memref<25600xf32, #tpu.memory_space<vmem>>) target_semaphore(%run_scoped3A : memref<!tpu.dma_semaphore, #tpu.memory_space<semaphore_mem>>)
      %dma_wait3A = arith.constant 0 : i32
      %dma_wait3A_35 = tpu.memref_slice %arg4[%dma_wait3A] : memref<51200xf32, #tpu.memory_space<vmem>> -> memref<25600xf32, #tpu.memory_space<vmem>>
      %dma_wait3A_36 = tpu.memref_slice %arg2[%mul3A_4] : memref<1638400xf32, #tpu.memory_space<hbm>> -> memref<25600xf32, #tpu.memory_space<hbm>>
      %dma_wait3A_37 = arith.constant 0 : i32
      %dma_wait3A_38 = tpu.memref_slice %arg4[%dma_wait3A_37] : memref<51200xf32, #tpu.memory_space<vmem>> -> memref<25600xf32, #tpu.memory_space<vmem>>
      %dma_wait3A_39 = tpu.memref_slice %arg2[%mul3A_4] : memref<1638400xf32, #tpu.memory_space<hbm>> -> memref<25600xf32, #tpu.memory_space<hbm>>
      tpu.wait_dma2 semaphore(%run_scoped3A : memref<!tpu.dma_semaphore, #tpu.memory_space<semaphore_mem>>) src(%dma_wait3A_39 : memref<25600xf32, #tpu.memory_space<hbm>>) dst(%dma_wait3A_38 : memref<25600xf32, #tpu.memory_space<vmem>>)
      tpu.yield
    }) : () -> ()
    %add3A_5 = arith.constant 800 : i32
    %add3A_6 = arith.addi %add3A_5, %mul3A_2 : i32
    %mul3A_7 = arith.constant 1024 : i32
    %mul3A_8 = arith.muli %add3A_6, %mul3A_7 : i32
    "tpu.region"() ({
      %run_scoped3A = tpu.sem_alloc : memref<!tpu.dma_semaphore, #tpu.memory_space<semaphore_mem>>
      %dma_start3A = arith.constant 25600 : i32
      %dma_start3A_30 = tpu.memref_slice %arg4[%dma_start3A] : memref<51200xf32, #tpu.memory_space<vmem>> -> memref<25600xf32, #tpu.memory_space<vmem>>
      %dma_start3A_31 = tpu.memref_slice %arg2[%mul3A_8] : memref<1638400xf32, #tpu.memory_space<hbm>> -> memref<25600xf32, #tpu.memory_space<hbm>>
      %dma_start3A_32 = arith.constant 25600 : i32
      %dma_start3A_33 = tpu.memref_slice %arg4[%dma_start3A_32] : memref<51200xf32, #tpu.memory_space<vmem>> -> memref<25600xf32, #tpu.memory_space<vmem>>
      %dma_start3A_34 = tpu.memref_slice %arg2[%mul3A_8] : memref<1638400xf32, #tpu.memory_space<hbm>> -> memref<25600xf32, #tpu.memory_space<hbm>>
      tpu.enqueue_dma source(%dma_start3A_34 : memref<25600xf32, #tpu.memory_space<hbm>>) target(%dma_start3A_33 : memref<25600xf32, #tpu.memory_space<vmem>>) target_semaphore(%run_scoped3A : memref<!tpu.dma_semaphore, #tpu.memory_space<semaphore_mem>>)
      %dma_wait3A = arith.constant 25600 : i32
      %dma_wait3A_35 = tpu.memref_slice %arg4[%dma_wait3A] : memref<51200xf32, #tpu.memory_space<vmem>> -> memref<25600xf32, #tpu.memory_space<vmem>>
      %dma_wait3A_36 = tpu.memref_slice %arg2[%mul3A_8] : memref<1638400xf32, #tpu.memory_space<hbm>> -> memref<25600xf32, #tpu.memory_space<hbm>>
      %dma_wait3A_37 = arith.constant 25600 : i32
      %dma_wait3A_38 = tpu.memref_slice %arg4[%dma_wait3A_37] : memref<51200xf32, #tpu.memory_space<vmem>> -> memref<25600xf32, #tpu.memory_space<vmem>>
      %dma_wait3A_39 = tpu.memref_slice %arg2[%mul3A_8] : memref<1638400xf32, #tpu.memory_space<hbm>> -> memref<25600xf32, #tpu.memory_space<hbm>>
      tpu.wait_dma2 semaphore(%run_scoped3A : memref<!tpu.dma_semaphore, #tpu.memory_space<semaphore_mem>>) src(%dma_wait3A_39 : memref<25600xf32, #tpu.memory_space<hbm>>) dst(%dma_wait3A_38 : memref<25600xf32, #tpu.memory_space<vmem>>)
      tpu.yield
    }) : () -> ()
    %iota3A = tpu.iota {dimensions = array<i32: 0>} : vector<16xi32>
    %lt3A = arith.constant 8 : i32
    %lt3A_9 = vector.broadcast %lt3A : i32 to vector<16xi32>
    %lt3A_10 = arith.cmpi slt, %iota3A, %lt3A_9 : vector<16xi32>
    %mul3A_11 = arith.constant 128 : i32
    %mul3A_12 = vector.broadcast %mul3A_11 : i32 to vector<16xi32>
    %mul3A_13 = arith.muli %iota3A, %mul3A_12 : vector<16xi32>
    %sub3A = arith.constant 8 : i32
    %sub3A_14 = vector.broadcast %sub3A : i32 to vector<16xi32>
    %sub3A_15 = arith.subi %iota3A, %sub3A_14 : vector<16xi32>
    %mul3A_16 = arith.constant 128 : i32
    %mul3A_17 = vector.broadcast %mul3A_16 : i32 to vector<16xi32>
    %mul3A_18 = arith.muli %sub3A_15, %mul3A_17 : vector<16xi32>
    %add3A_19 = arith.constant 25600 : i32
    %add3A_20 = vector.broadcast %add3A_19 : i32 to vector<16xi32>
    %add3A_21 = arith.addi %add3A_20, %mul3A_18 : vector<16xi32>
    %select_n3A = arith.select %lt3A_10, %mul3A_13, %add3A_21 : vector<16xi1>, vector<16xi32>
    %scan3A = arith.constant 0 : i32
    %scan3A_22 = arith.constant 0 : i32
    %scan3A_23 = arith.constant 25 : i32
    %scan3A_24 = arith.addi %scan3A_22, %scan3A_23 : i32
    %scan3A_25 = arith.constant 1 : i32
    %scan3A_26 = scf.for %scan3A_30 = %scan3A_22 to %scan3A_24 step %scan3A_25 iter_args(%scan3A_31 = %scan3A) -> (i32)  : i32 {
      %scan3A_32 = arith.constant 0 : i32
      %scan3A_33 = arith.constant 0 : i32
      %scan3A_34 = arith.constant 16 : i32
      %scan3A_35 = arith.addi %scan3A_33, %scan3A_34 : i32
      %scan3A_36 = arith.constant 1 : i32
      %scan3A_37 = scf.for %scan3A_40 = %scan3A_33 to %scan3A_35 step %scan3A_36 iter_args(%scan3A_41 = %scan3A_32) -> (i32)  : i32 {
        %mul3A_42 = arith.constant 1024 : i32
        %mul3A_43 = arith.muli %scan3A_30, %mul3A_42 : i32
        %mul3A_44 = arith.constant 8 : i32
        %mul3A_45 = arith.muli %scan3A_40, %mul3A_44 : i32
        %add3A_46 = arith.addi %mul3A_43, %mul3A_45 : i32
        %add3A_47 = vector.broadcast %add3A_46 : i32 to vector<16xi32>
        %add3A_48 = arith.addi %select_n3A, %add3A_47 : vector<16xi32>
        %mul3A_49 = arith.constant 128 : i32
        %mul3A_50 = arith.muli %scan3A_30, %mul3A_49 : i32
        %mul3A_51 = arith.constant 8 : i32
        %mul3A_52 = arith.muli %scan3A_40, %mul3A_51 : i32
        %add3A_53 = arith.addi %mul3A_50, %mul3A_52 : i32
        %add3A_54 = arith.constant 0 : i32
        %add3A_55 = vector.broadcast %add3A_54 : i32 to vector<16xi32>
        %add3A_56 = arith.addi %add3A_48, %add3A_55 : vector<16xi32>
        %gather3A = tpu.vector_load_idx %arg4[%add3A_56] : memref<51200xf32, #tpu.memory_space<vmem>>[vector<16xi32>], vector<16xf32>,
        %add3A_57 = arith.constant 0 : i32
        %add3A_58 = arith.addi %add3A_53, %add3A_57 : i32
        %swap3A = arith.index_cast %add3A_58 : i32 to index
        %swap3A_59 = arith.constant 0 : index
        %swap3A_60 = tpu.vector_load %arg5[%swap3A, %swap3A_59] {strides = array<i32>} : memref<3200x16xf32, #tpu.memory_space<vmem>>, vector<16xf32>,
        tpu.vector_store %arg5[%swap3A, %swap3A_59], %gather3A {strides = array<i32>} : memref<3200x16xf32, #tpu.memory_space<vmem>>, vector<16xf32>,
        %add3A_61 = arith.constant 1 : i32
        %add3A_62 = vector.broadcast %add3A_61 : i32 to vector<16xi32>
        %add3A_63 = arith.addi %add3A_48, %add3A_62 : vector<16xi32>
        %gather3A_64 = tpu.vector_load_idx %arg4[%add3A_63] : memref<51200xf32, #tpu.memory_space<vmem>>[vector<16xi32>], vector<16xf32>,
        %add3A_65 = arith.constant 1 : i32
        %add3A_66 = arith.addi %add3A_53, %add3A_65 : i32
        %swap3A_67 = arith.index_cast %add3A_66 : i32 to index
        %swap3A_68 = arith.constant 0 : index
        %swap3A_69 = tpu.vector_load %arg5[%swap3A_67, %swap3A_68] {strides = array<i32>} : memref<3200x16xf32, #tpu.memory_space<vmem>>, vector<16xf32>,
        tpu.vector_store %arg5[%swap3A_67, %swap3A_68], %gather3A_64 {strides = array<i32>} : memref<3200x16xf32, #tpu.memory_space<vmem>>, vector<16xf32>,
        %add3A_70 = arith.constant 2 : i32
        %add3A_71 = vector.broadcast %add3A_70 : i32 to vector<16xi32>
        %add3A_72 = arith.addi %add3A_48, %add3A_71 : vector<16xi32>
        %gather3A_73 = tpu.vector_load_idx %arg4[%add3A_72] : memref<51200xf32, #tpu.memory_space<vmem>>[vector<16xi32>], vector<16xf32>,
        %add3A_74 = arith.constant 2 : i32
        %add3A_75 = arith.addi %add3A_53, %add3A_74 : i32
        %swap3A_76 = arith.index_cast %add3A_75 : i32 to index
        %swap3A_77 = arith.constant 0 : index
        %swap3A_78 = tpu.vector_load %arg5[%swap3A_76, %swap3A_77] {strides = array<i32>} : memref<3200x16xf32, #tpu.memory_space<vmem>>, vector<16xf32>,
        tpu.vector_store %arg5[%swap3A_76, %swap3A_77], %gather3A_73 {strides = array<i32>} : memref<3200x16xf32, #tpu.memory_space<vmem>>, vector<16xf32>,
        %add3A_79 = arith.constant 3 : i32
        %add3A_80 = vector.broadcast %add3A_79 : i32 to vector<16xi32>
        %add3A_81 = arith.addi %add3A_48, %add3A_80 : vector<16xi32>
        %gather3A_82 = tpu.vector_load_idx %arg4[%add3A_81] : memref<51200xf32, #tpu.memory_space<vmem>>[vector<16xi32>], vector<16xf32>,
        %add3A_83 = arith.constant 3 : i32
        %add3A_84 = arith.addi %add3A_53, %add3A_83 : i32
        %swap3A_85 = arith.index_cast %add3A_84 : i32 to index
        %swap3A_86 = arith.constant 0 : index
        %swap3A_87 = tpu.vector_load %arg5[%swap3A_85, %swap3A_86] {strides = array<i32>} : memref<3200x16xf32, #tpu.memory_space<vmem>>, vector<16xf32>,
        tpu.vector_store %arg5[%swap3A_85, %swap3A_86], %gather3A_82 {strides = array<i32>} : memref<3200x16xf32, #tpu.memory_space<vmem>>, vector<16xf32>,
        %add3A_88 = arith.constant 4 : i32
        %add3A_89 = vector.broadcast %add3A_88 : i32 to vector<16xi32>
        %add3A_90 = arith.addi %add3A_48, %add3A_89 : vector<16xi32>
        %gather3A_91 = tpu.vector_load_idx %arg4[%add3A_90] : memref<51200xf32, #tpu.memory_space<vmem>>[vector<16xi32>], vector<16xf32>,
        %add3A_92 = arith.constant 4 : i32
        %add3A_93 = arith.addi %add3A_53, %add3A_92 : i32
        %swap3A_94 = arith.index_cast %add3A_93 : i32 to index
        %swap3A_95 = arith.constant 0 : index
        %swap3A_96 = tpu.vector_load %arg5[%swap3A_94, %swap3A_95] {strides = array<i32>} : memref<3200x16xf32, #tpu.memory_space<vmem>>, vector<16xf32>,
        tpu.vector_store %arg5[%swap3A_94, %swap3A_95], %gather3A_91 {strides = array<i32>} : memref<3200x16xf32, #tpu.memory_space<vmem>>, vector<16xf32>,
        %add3A_97 = arith.constant 5 : i32
        %add3A_98 = vector.broadcast %add3A_97 : i32 to vector<16xi32>
        %add3A_99 = arith.addi %add3A_48, %add3A_98 : vector<16xi32>
        %gather3A_100 = tpu.vector_load_idx %arg4[%add3A_99] : memref<51200xf32, #tpu.memory_space<vmem>>[vector<16xi32>], vector<16xf32>,
        %add3A_101 = arith.constant 5 : i32
        %add3A_102 = arith.addi %add3A_53, %add3A_101 : i32
        %swap3A_103 = arith.index_cast %add3A_102 : i32 to index
        %swap3A_104 = arith.constant 0 : index
        %swap3A_105 = tpu.vector_load %arg5[%swap3A_103, %swap3A_104] {strides = array<i32>} : memref<3200x16xf32, #tpu.memory_space<vmem>>, vector<16xf32>,
        tpu.vector_store %arg5[%swap3A_103, %swap3A_104], %gather3A_100 {strides = array<i32>} : memref<3200x16xf32, #tpu.memory_space<vmem>>, vector<16xf32>,
        %add3A_106 = arith.constant 6 : i32
        %add3A_107 = vector.broadcast %add3A_106 : i32 to vector<16xi32>
        %add3A_108 = arith.addi %add3A_48, %add3A_107 : vector<16xi32>
        %gather3A_109 = tpu.vector_load_idx %arg4[%add3A_108] : memref<51200xf32, #tpu.memory_space<vmem>>[vector<16xi32>], vector<16xf32>,
        %add3A_110 = arith.constant 6 : i32
        %add3A_111 = arith.addi %add3A_53, %add3A_110 : i32
        %swap3A_112 = arith.index_cast %add3A_111 : i32 to index
        %swap3A_113 = arith.constant 0 : index
        %swap3A_114 = tpu.vector_load %arg5[%swap3A_112, %swap3A_113] {strides = array<i32>} : memref<3200x16xf32, #tpu.memory_space<vmem>>, vector<16xf32>,
        tpu.vector_store %arg5[%swap3A_112, %swap3A_113], %gather3A_109 {strides = array<i32>} : memref<3200x16xf32, #tpu.memory_space<vmem>>, vector<16xf32>,
        %add3A_115 = arith.constant 7 : i32
        %add3A_116 = vector.broadcast %add3A_115 : i32 to vector<16xi32>
        %add3A_117 = arith.addi %add3A_48, %add3A_116 : vector<16xi32>
        %gather3A_118 = tpu.vector_load_idx %arg4[%add3A_117] : memref<51200xf32, #tpu.memory_space<vmem>>[vector<16xi32>], vector<16xf32>,
        %add3A_119 = arith.constant 7 : i32
        %add3A_120 = arith.addi %add3A_53, %add3A_119 : i32
        %swap3A_121 = arith.index_cast %add3A_120 : i32 to index
        %swap3A_122 = arith.constant 0 : index
        %swap3A_123 = tpu.vector_load %arg5[%swap3A_121, %swap3A_122] {strides = array<i32>} : memref<3200x16xf32, #tpu.memory_space<vmem>>, vector<16xf32>,
        tpu.vector_store %arg5[%swap3A_121, %swap3A_122], %gather3A_118 {strides = array<i32>} : memref<3200x16xf32, #tpu.memory_space<vmem>>, vector<16xf32>,
        %scan3A_124 = arith.constant 0 : i32
        scf.yield %scan3A_124 : i32
      }
      %scan3A_38 = arith.constant 16 : i32
      %scan3A_39 = arith.constant 0 : i32
      scf.yield %scan3A_39 : i32
    }
    %scan3A_27 = arith.constant 25 : i32
    %mul3A_28 = arith.constant 128 : i32
    %mul3A_29 = arith.muli %mul3A_2, %mul3A_28 : i32
    "tpu.region"() ({
      %run_scoped3A = tpu.sem_alloc : memref<!tpu.dma_semaphore, #tpu.memory_space<semaphore_mem>>
      %dma_start3A = arith.constant 0 : i32
      %dma_start3A_30 = tpu.memref_slice %arg3[%mul3A_29, %dma_start3A] : memref<102400x16xf32, #tpu.memory_space<hbm>> -> memref<3200x16xf32, #tpu.memory_space<hbm>>
      %dma_start3A_31 = arith.constant 0 : i32
      %dma_start3A_32 = tpu.memref_slice %arg3[%mul3A_29, %dma_start3A_31] : memref<102400x16xf32, #tpu.memory_space<hbm>> -> memref<3200x16xf32, #tpu.memory_space<hbm>>
      tpu.enqueue_dma source(%arg5 : memref<3200x16xf32, #tpu.memory_space<vmem>>) target(%dma_start3A_32 : memref<3200x16xf32, #tpu.memory_space<hbm>>) target_semaphore(%run_scoped3A : memref<!tpu.dma_semaphore, #tpu.memory_space<semaphore_mem>>)
      %dma_wait3A = arith.constant 0 : i32
      %dma_wait3A_33 = tpu.memref_slice %arg3[%mul3A_29, %dma_wait3A] : memref<102400x16xf32, #tpu.memory_space<hbm>> -> memref<3200x16xf32, #tpu.memory_space<hbm>>
      %dma_wait3A_34 = arith.constant 0 : i32
      %dma_wait3A_35 = tpu.memref_slice %arg3[%mul3A_29, %dma_wait3A_34] : memref<102400x16xf32, #tpu.memory_space<hbm>> -> memref<3200x16xf32, #tpu.memory_space<hbm>>
      tpu.wait_dma2 semaphore(%run_scoped3A : memref<!tpu.dma_semaphore, #tpu.memory_space<semaphore_mem>>) src(%arg5 : memref<3200x16xf32, #tpu.memory_space<vmem>>) dst(%dma_wait3A_35 : memref<3200x16xf32, #tpu.memory_space<hbm>>)
      tpu.yield
    }) : () -> ()
    return
  }
}

#map = affine_map<(d0, d1) -> (0, 0)>
module attributes {stable_mosaic.version = 14 : i64} {
  func.func @_cat_body(%arg0: i32, %arg1: i32, %arg2: memref<50x16384xi32, #tpu.memory_space<hbm>>, %arg3: memref<102400x16xf32, #tpu.memory_space<hbm>>, %arg4: memref<16x16384xf32, #tpu.memory_space<hbm>>, %arg5: memref<50x512xi32, #tpu.memory_space<vmem>>, %arg6: memref<512x16xf32, #tpu.memory_space<vmem>>, %arg7: memref<512xf32, #tpu.memory_space<vmem>>, %arg8: memref<1x16xf32, #tpu.memory_space<vmem>>, %arg9: memref<16x512xf32, #tpu.memory_space<vmem>>, %arg10: memref<!tpu.dma_semaphore, #tpu.memory_space<semaphore_mem>>) attributes {dimension_semantics = [#tpu.dimension_semantics<core_parallel>, #tpu.dimension_semantics<subcore_parallel>], iteration_bounds = array<i64: 2, 16>, scalar_prefetch = 0 : i64, scratch_operands = 6 : i64, tpu.core_type = #tpu.core_type<sc_vector_subcore>, window_params = [{transform_indices = #map}, {transform_indices = #map}, {transform_indices = #map}]} {
    %mul3A = arith.constant 2 : i32
    %mul3A_0 = arith.muli %arg1, %mul3A : i32
    %add3A = arith.addi %mul3A_0, %arg0 : i32
    %mul3A_1 = arith.constant 512 : i32
    %mul3A_2 = arith.muli %add3A, %mul3A_1 : i32
    "tpu.region"() ({
      %run_scoped3A = tpu.sem_alloc : memref<!tpu.dma_semaphore, #tpu.memory_space<semaphore_mem>>
      %dma_start3A_49 = arith.constant 0 : i32
      %dma_start3A_50 = tpu.memref_slice %arg2[%dma_start3A_49, %mul3A_2] : memref<50x16384xi32, #tpu.memory_space<hbm>> -> memref<50x512xi32, #tpu.memory_space<hbm>>
      %dma_start3A_51 = arith.constant 0 : i32
      %dma_start3A_52 = tpu.memref_slice %arg2[%dma_start3A_51, %mul3A_2] : memref<50x16384xi32, #tpu.memory_space<hbm>> -> memref<50x512xi32, #tpu.memory_space<hbm>>
      tpu.enqueue_dma source(%dma_start3A_52 : memref<50x512xi32, #tpu.memory_space<hbm>>) target(%arg5 : memref<50x512xi32, #tpu.memory_space<vmem>>) target_semaphore(%run_scoped3A : memref<!tpu.dma_semaphore, #tpu.memory_space<semaphore_mem>>)
      %dma_wait3A_53 = arith.constant 0 : i32
      %dma_wait3A_54 = tpu.memref_slice %arg2[%dma_wait3A_53, %mul3A_2] : memref<50x16384xi32, #tpu.memory_space<hbm>> -> memref<50x512xi32, #tpu.memory_space<hbm>>
      %dma_wait3A_55 = arith.constant 0 : i32
      %dma_wait3A_56 = tpu.memref_slice %arg2[%dma_wait3A_55, %mul3A_2] : memref<50x16384xi32, #tpu.memory_space<hbm>> -> memref<50x512xi32, #tpu.memory_space<hbm>>
      tpu.wait_dma2 semaphore(%run_scoped3A : memref<!tpu.dma_semaphore, #tpu.memory_space<semaphore_mem>>) src(%dma_wait3A_56 : memref<50x512xi32, #tpu.memory_space<hbm>>) dst(%arg5 : memref<50x512xi32, #tpu.memory_space<vmem>>)
      tpu.yield
    }) : () -> ()
    %dma_start3A = arith.constant 0 : i32
    %dma_start3A_3 = arith.constant 0 : i32
    %dma_start3A_4 = tpu.memref_slice %arg5[%dma_start3A, %dma_start3A_3] : memref<50x512xi32, #tpu.memory_space<vmem>> -> memref<1x512xi32, #tpu.memory_space<vmem>>
    %dma_start3A_5 = tpu.memref_squeeze %dma_start3A_4 : memref<1x512xi32, #tpu.memory_space<vmem>> -> memref<512xi32, #tpu.memory_space<vmem>>
    %dma_start3A_6 = arith.constant 0 : i32
    %dma_start3A_7 = arith.constant 0 : i32
    %dma_start3A_8 = tpu.memref_slice %arg3[%dma_start3A_6, %dma_start3A_7] : memref<102400x16xf32, #tpu.memory_space<hbm>> -> memref<102400x16xf32, #tpu.memory_space<hbm>>
    tpu.enqueue_indirect_dma source(%dma_start3A_8 : memref<102400x16xf32, #tpu.memory_space<hbm>>) target(%arg6 : memref<512x16xf32, #tpu.memory_space<vmem>>) offsets(%dma_start3A_5 : memref<512xi32, #tpu.memory_space<vmem>>) semaphore(%arg10 : memref<!tpu.dma_semaphore, #tpu.memory_space<semaphore_mem>>)
    %dma_wait3A = arith.constant 0 : i32
    %dma_wait3A_9 = arith.constant 0 : i32
    %dma_wait3A_10 = tpu.memref_slice %arg5[%dma_wait3A, %dma_wait3A_9] : memref<50x512xi32, #tpu.memory_space<vmem>> -> memref<1x512xi32, #tpu.memory_space<vmem>>
    %dma_wait3A_11 = tpu.memref_squeeze %dma_wait3A_10 : memref<1x512xi32, #tpu.memory_space<vmem>> -> memref<512xi32, #tpu.memory_space<vmem>>
    %dma_wait3A_12 = arith.constant 0 : i32
    %dma_wait3A_13 = arith.constant 0 : i32
    %dma_wait3A_14 = tpu.memref_slice %arg3[%dma_wait3A_12, %dma_wait3A_13] : memref<102400x16xf32, #tpu.memory_space<hbm>> -> memref<102400x16xf32, #tpu.memory_space<hbm>>
    tpu.wait_indirect_dma semaphore(%arg10 : memref<!tpu.dma_semaphore, #tpu.memory_space<semaphore_mem>>) src(%dma_wait3A_14 : memref<102400x16xf32, #tpu.memory_space<hbm>>) dst(%arg6 : memref<512x16xf32, #tpu.memory_space<vmem>>)
    %scan3A = arith.constant 0 : i32
    %scan3A_15 = arith.constant 1 : i32
    %scan3A_16 = arith.constant 49 : i32
    %scan3A_17 = arith.addi %scan3A_15, %scan3A_16 : i32
    %scan3A_18 = arith.constant 1 : i32
    %scan3A_19 = scf.for %scan3A_49 = %scan3A_15 to %scan3A_17 step %scan3A_18 iter_args(%scan3A_50 = %scan3A) -> (i32)  : i32 {
      %dma_start3A_51 = arith.constant 0 : i32
      %dma_start3A_52 = tpu.memref_slice %arg5[%scan3A_49, %dma_start3A_51] : memref<50x512xi32, #tpu.memory_space<vmem>> -> memref<1x512xi32, #tpu.memory_space<vmem>>
      %dma_start3A_53 = tpu.memref_squeeze %dma_start3A_52 : memref<1x512xi32, #tpu.memory_space<vmem>> -> memref<512xi32, #tpu.memory_space<vmem>>
      %dma_start3A_54 = arith.constant 0 : i32
      %dma_start3A_55 = arith.constant 0 : i32
      %dma_start3A_56 = tpu.memref_slice %arg3[%dma_start3A_54, %dma_start3A_55] : memref<102400x16xf32, #tpu.memory_space<hbm>> -> memref<102400x16xf32, #tpu.memory_space<hbm>>
      tpu.enqueue_indirect_dma source(%dma_start3A_56 : memref<102400x16xf32, #tpu.memory_space<hbm>>) target(%arg6 : memref<512x16xf32, #tpu.memory_space<vmem>>) offsets(%dma_start3A_53 : memref<512xi32, #tpu.memory_space<vmem>>) semaphore(%arg10 : memref<!tpu.dma_semaphore, #tpu.memory_space<semaphore_mem>>) {add = true}
      %scan3A_57 = arith.constant 0 : i32
      scf.yield %scan3A_57 : i32
    }
    %scan3A_20 = arith.constant 49 : i32
    %scan3A_21 = arith.constant 0 : i32
    %scan3A_22 = arith.constant 0 : i32
    %scan3A_23 = arith.constant 32 : i32
    %scan3A_24 = arith.addi %scan3A_22, %scan3A_23 : i32
    %scan3A_25 = arith.constant 1 : i32
    %scan3A_26 = scf.for %scan3A_49 = %scan3A_22 to %scan3A_24 step %scan3A_25 iter_args(%scan3A_50 = %scan3A_21) -> (i32)  : i32 {
      %broadcast_in_dim3A = arith.constant 0 : i32
      %broadcast_in_dim3A_51 = vector.broadcast %broadcast_in_dim3A : i32 to vector<16xi32>
      %scan3A_52 = arith.constant 0 : i32
      %scan3A_53 = arith.constant 50 : i32
      %scan3A_54 = arith.addi %scan3A_52, %scan3A_53 : i32
      %scan3A_55 = arith.constant 1 : i32
      %scan3A_56 = scf.for %scan3A_62 = %scan3A_52 to %scan3A_54 step %scan3A_55 iter_args(%scan3A_63 = %broadcast_in_dim3A_51) -> (vector<16xi32>)  : i32 {
        %mul3A_64 = arith.constant 16 : i32
        %mul3A_65 = arith.muli %scan3A_49, %mul3A_64 : i32
        %get3A_66 = arith.index_cast %scan3A_62 : i32 to index
        %get3A_67 = arith.index_cast %mul3A_65 : i32 to index
        %get3A_68 = tpu.vector_load %arg5[%get3A_66, %get3A_67] {strides = array<i32>} : memref<50x512xi32, #tpu.memory_space<vmem>>, vector<16xi32>,
        %eq3A = arith.constant 0 : i32
        %eq3A_69 = vector.broadcast %eq3A : i32 to vector<16xi32>
        %eq3A_70 = arith.cmpi eq, %get3A_68, %eq3A_69 : vector<16xi32>
        %jit3A = arith.constant 1 : i32
        %jit3A_71 = arith.constant 0 : i32
        %broadcast_in_dim3A_72 = vector.broadcast %jit3A : i32 to vector<16xi32>
        %broadcast_in_dim3A_73 = vector.broadcast %jit3A_71 : i32 to vector<16xi32>
        %select_n3A = arith.select %eq3A_70, %broadcast_in_dim3A_72, %broadcast_in_dim3A_73 : vector<16xi1>, vector<16xi32>
        %add3A_74 = arith.addi %scan3A_63, %select_n3A : vector<16xi32>
        scf.yield %add3A_74 : vector<16xi32>
      }
      %scan3A_57 = arith.constant 50 : i32
      %convert_element_type3A = arith.sitofp %scan3A_56 : vector<16xi32> to vector<16xf32>
      %mul3A_58 = arith.constant 16 : i32
      %mul3A_59 = arith.muli %scan3A_49, %mul3A_58 : i32
      %swap3A = arith.index_cast %mul3A_59 : i32 to index
      %swap3A_60 = tpu.vector_load %arg7[%swap3A] {strides = array<i32>} : memref<512xf32, #tpu.memory_space<vmem>>, vector<16xf32>,
      tpu.vector_store %arg7[%swap3A], %convert_element_type3A {strides = array<i32>} : memref<512xf32, #tpu.memory_space<vmem>>, vector<16xf32>,
      %scan3A_61 = arith.constant 0 : i32
      scf.yield %scan3A_61 : i32
    }
    %scan3A_27 = arith.constant 32 : i32
    "tpu.region"() ({
      %run_scoped3A = tpu.sem_alloc : memref<!tpu.dma_semaphore, #tpu.memory_space<semaphore_mem>>
      %dma_start3A_49 = arith.constant 0 : i32
      %dma_start3A_50 = arith.constant 0 : i32
      %dma_start3A_51 = tpu.memref_slice %arg3[%dma_start3A_49, %dma_start3A_50] : memref<102400x16xf32, #tpu.memory_space<hbm>> -> memref<1x16xf32, #tpu.memory_space<hbm>>
      %dma_start3A_52 = arith.constant 0 : i32
      %dma_start3A_53 = arith.constant 0 : i32
      %dma_start3A_54 = tpu.memref_slice %arg3[%dma_start3A_52, %dma_start3A_53] : memref<102400x16xf32, #tpu.memory_space<hbm>> -> memref<1x16xf32, #tpu.memory_space<hbm>>
      tpu.enqueue_dma source(%dma_start3A_54 : memref<1x16xf32, #tpu.memory_space<hbm>>) target(%arg8 : memref<1x16xf32, #tpu.memory_space<vmem>>) target_semaphore(%run_scoped3A : memref<!tpu.dma_semaphore, #tpu.memory_space<semaphore_mem>>)
      %dma_wait3A_55 = arith.constant 0 : i32
      %dma_wait3A_56 = arith.constant 0 : i32
      %dma_wait3A_57 = tpu.memref_slice %arg3[%dma_wait3A_55, %dma_wait3A_56] : memref<102400x16xf32, #tpu.memory_space<hbm>> -> memref<1x16xf32, #tpu.memory_space<hbm>>
      %dma_wait3A_58 = arith.constant 0 : i32
      %dma_wait3A_59 = arith.constant 0 : i32
      %dma_wait3A_60 = tpu.memref_slice %arg3[%dma_wait3A_58, %dma_wait3A_59] : memref<102400x16xf32, #tpu.memory_space<hbm>> -> memref<1x16xf32, #tpu.memory_space<hbm>>
      tpu.wait_dma2 semaphore(%run_scoped3A : memref<!tpu.dma_semaphore, #tpu.memory_space<semaphore_mem>>) src(%dma_wait3A_60 : memref<1x16xf32, #tpu.memory_space<hbm>>) dst(%arg8 : memref<1x16xf32, #tpu.memory_space<vmem>>)
      tpu.yield
    }) : () -> ()
    %scan3A_28 = arith.constant 0 : i32
    %scan3A_29 = arith.constant 1 : i32
    %scan3A_30 = arith.constant 49 : i32
    %scan3A_31 = arith.addi %scan3A_29, %scan3A_30 : i32
    %scan3A_32 = arith.constant 1 : i32
    %scan3A_33 = scf.for %scan3A_49 = %scan3A_29 to %scan3A_31 step %scan3A_32 iter_args(%scan3A_50 = %scan3A_28) -> (i32)  : i32 {
      %dma_wait3A_51 = arith.constant 0 : i32
      %dma_wait3A_52 = arith.constant 0 : i32
      %dma_wait3A_53 = tpu.memref_slice %arg5[%dma_wait3A_51, %dma_wait3A_52] : memref<50x512xi32, #tpu.memory_space<vmem>> -> memref<1x512xi32, #tpu.memory_space<vmem>>
      %dma_wait3A_54 = tpu.memref_squeeze %dma_wait3A_53 : memref<1x512xi32, #tpu.memory_space<vmem>> -> memref<512xi32, #tpu.memory_space<vmem>>
      %dma_wait3A_55 = arith.constant 0 : i32
      %dma_wait3A_56 = arith.constant 0 : i32
      %dma_wait3A_57 = tpu.memref_slice %arg3[%dma_wait3A_55, %dma_wait3A_56] : memref<102400x16xf32, #tpu.memory_space<hbm>> -> memref<102400x16xf32, #tpu.memory_space<hbm>>
      tpu.wait_indirect_dma semaphore(%arg10 : memref<!tpu.dma_semaphore, #tpu.memory_space<semaphore_mem>>) src(%dma_wait3A_57 : memref<102400x16xf32, #tpu.memory_space<hbm>>) dst(%arg6 : memref<512x16xf32, #tpu.memory_space<vmem>>)
      %scan3A_58 = arith.constant 0 : i32
      scf.yield %scan3A_58 : i32
    }
    %scan3A_34 = arith.constant 49 : i32
    %get3A = arith.constant 0 : i32
    %get3A_35 = arith.index_cast %get3A : i32 to index
    %get3A_36 = arith.constant 0 : index
    %get3A_37 = tpu.vector_load %arg8[%get3A_35, %get3A_36] {strides = array<i32>} : memref<1x16xf32, #tpu.memory_space<vmem>>, vector<16xf32>,
    %mul3A_38 = arith.constant 2.000000e-02 : f32
    %mul3A_39 = vector.broadcast %mul3A_38 : f32 to vector<16xf32>
    %mul3A_40 = arith.mulf %get3A_37, %mul3A_39 : vector<16xf32>
    %iota3A = tpu.iota {dimensions = array<i32: 0>} : vector<16xi32>
    %scan3A_41 = arith.constant 2.000000e-02 : f32
    %scan3A_42 = arith.constant 0 : i32
    %scan3A_43 = arith.constant 0 : i32
    %scan3A_44 = arith.constant 512 : i32
    %scan3A_45 = arith.addi %scan3A_43, %scan3A_44 : i32
    %scan3A_46 = arith.constant 1 : i32
    %scan3A_47 = scf.for %scan3A_49 = %scan3A_43 to %scan3A_45 step %scan3A_46 iter_args(%scan3A_50 = %scan3A_42) -> (i32)  : i32 {
      %broadcast_in_dim3A = vector.broadcast %scan3A_49 : i32 to vector<16xi32>
      %gather3A = tpu.vector_load_idx %arg7[%broadcast_in_dim3A] : memref<512xf32, #tpu.memory_space<vmem>>[vector<16xi32>], vector<16xf32>,
      %get3A_51 = arith.index_cast %scan3A_49 : i32 to index
      %get3A_52 = arith.constant 0 : index
      %get3A_53 = tpu.vector_load %arg6[%get3A_51, %get3A_52] {strides = array<i32>} : memref<512x16xf32, #tpu.memory_space<vmem>>, vector<16xf32>,
      %mul3A_54 = vector.broadcast %scan3A_41 : f32 to vector<16xf32>
      %mul3A_55 = arith.mulf %get3A_53, %mul3A_54 : vector<16xf32>
      %mul3A_56 = arith.mulf %gather3A, %mul3A_40 : vector<16xf32>
      %sub3A = arith.subf %mul3A_55, %mul3A_56 : vector<16xf32>
      tpu.vector_store_idx %arg9[%iota3A, %broadcast_in_dim3A], %sub3A : memref<16x512xf32, #tpu.memory_space<vmem>>[vector<16xi32>, vector<16xi32>], vector<16xf32>,
      %scan3A_57 = arith.constant 0 : i32
      scf.yield %scan3A_57 : i32
    }
    %scan3A_48 = arith.constant 512 : i32
    "tpu.region"() ({
      %run_scoped3A = tpu.sem_alloc : memref<!tpu.dma_semaphore, #tpu.memory_space<semaphore_mem>>
      %dma_start3A_49 = arith.constant 0 : i32
      %dma_start3A_50 = tpu.memref_slice %arg4[%dma_start3A_49, %mul3A_2] : memref<16x16384xf32, #tpu.memory_space<hbm>> -> memref<16x512xf32, #tpu.memory_space<hbm>>
      %dma_start3A_51 = arith.constant 0 : i32
      %dma_start3A_52 = tpu.memref_slice %arg4[%dma_start3A_51, %mul3A_2] : memref<16x16384xf32, #tpu.memory_space<hbm>> -> memref<16x512xf32, #tpu.memory_space<hbm>>
      tpu.enqueue_dma source(%arg9 : memref<16x512xf32, #tpu.memory_space<vmem>>) target(%dma_start3A_52 : memref<16x512xf32, #tpu.memory_space<hbm>>) target_semaphore(%run_scoped3A : memref<!tpu.dma_semaphore, #tpu.memory_space<semaphore_mem>>)
      %dma_wait3A_53 = arith.constant 0 : i32
      %dma_wait3A_54 = tpu.memref_slice %arg4[%dma_wait3A_53, %mul3A_2] : memref<16x16384xf32, #tpu.memory_space<hbm>> -> memref<16x512xf32, #tpu.memory_space<hbm>>
      %dma_wait3A_55 = arith.constant 0 : i32
      %dma_wait3A_56 = tpu.memref_slice %arg4[%dma_wait3A_55, %mul3A_2] : memref<16x16384xf32, #tpu.memory_space<hbm>> -> memref<16x512xf32, #tpu.memory_space<hbm>>
      tpu.wait_dma2 semaphore(%run_scoped3A : memref<!tpu.dma_semaphore, #tpu.memory_space<semaphore_mem>>) src(%arg9 : memref<16x512xf32, #tpu.memory_space<vmem>>) dst(%dma_wait3A_56 : memref<16x512xf32, #tpu.memory_space<hbm>>)
      tpu.yield
    }) : () -> ()
    return
  }
}

</mosaic_0001>

<sc_bundles>
// kernel: _emb.11.cloned.1.call-start
scs
__scs_entry_jumppad:
0x0: {  	(pc) =	sbr.rel $0x88, $3  }
0x1: {  	(tag) =	ssettag $0x0;
	lr =	simm.s32 $0x1  }
0x2: {  	[smem:$0x3F99] =	sst lr;
	_ =	strace $0xD0000000  }
0x3: {  	_ = 	snop  }
0x4: {  	_ = 	snop  }
0x5: {  	_ = 	snop  }
0x6: {  	_ = 	snop  }
0x7: {  	_ = 	snop  }
__scs_overlays_trampoline_lowered:
0x8: {  	[smem:$0x3FA8] =	sst s0  }
0x9: {  	[smem:$0x3FA9] =	sst s1  }
0xa: {  	[smem:$0x3FAA] =	sst s2  }
0xb: {  	[smem:$0x3FAB] =	sst s3  }
0xc: {  	[smem:$0x3FAC] =	sst s4  }
0xd: {  	[smem:$0x3FAD] =	sst s5  }
0xe: {  	[smem:$0x3FAE] =	sst s6  }
0xf: {  	[smem:$0x3FAF] =	sst s7  }
0x10: {  	[smem:$0x3FB0] =	sst s8  }
0x11: {  	[smem:$0x3FB1] =	sst s9;
	s0 =	simm.s32 @!p0 $0x0  }
0x12: {  	s1 =	sld [smem:$0x3F97];
	s0 =	simm.s32 @p0 $0x1  }
0x13: {  	[smem:$0x3FB2] =	sst s0;
	s0 =	simm.s32 @!p1 $0x0  }
0x14: {  	s2 =	sld [smem:$0x3F96];
	s0 =	simm.s32 @p1 $0x1  }
0x15: {  	[smem:$0x3FB3] =	sst s0;
	s0 =	simm.s32 @!p2 $0x0  }
0x16: {  	s3 =	sld [smem:$0x3FDB];
	s0 =	simm.s32 @p2 $0x1  }
0x17: {  	s4 =	simm.s32 $0x1BF5;
	[smem:$0x3FB5] =	sst s0  }
0x18: {  	s0 =	sld [smem:$0x3F98];
	_ =	swait.ge [sflag:s4], $0x0  }
0x19: {  	s7 =	sld [smem:$0x3F99]  }
0x1a: {  	s8 =	sadd.s32 $0xFFFFE003, lr  }
0x1b: {  	s9 =	sadd.s32 $0xFFFFFEF7, lr;
	s5 =	simm.s32 $0xFFFFFFFF;
	p2 =	slt.u32 s8, $0xFFFFF086  }
0x1c: {  	p1 =	slt.u32 s9, $0xF7A;
	s5 =	simm.s32 @!p2 $0x0  }
0x1d: {  	s5 =	simm.s32 @p1 $0x1;
	p0 =	seq.s32 s7, s2  }
0x1e: {  	s7 =	smul.u32 @!p0 $0xF7A, s2;
	p2 =	seq.s32 @!p0 s5, $0x0  }
0x1f: {  	s9 =	smul.u32 $0xF7A, s1;
	s8 =	simm.s32 @!p0 $0x1BF5;
	p2 =	por !p2, p0  }
0x20: {  	[sflag:s8] =	ssyncset.s32 @!p0 $0xFFFFF086;
	s6 =	sadd.s32 @!p0 s3, s7;
	s7 =	simm.s32 @!p0 $0x108  }
0x21: {  	s3 =	sadd.s32 s3, s9;
	s6 =	sadd.s32 @!p0 $0x88, s6;
	s7 =	simm.s32 @p2 $0x1082  }
0x22: {  	[simem:s7], [sflag:s8] =	dma.local @!p0 [hbm:s6], $0xF7A  }
0x23: {  	s9 =	sor.u32 $0xD0000000, s2;
	s6 =	simm.s32 $0x108;
	_ =	swait.ge @!p0 [sflag:s8], $0x0  }
0x24: {  	s3 =	sadd.s32 $0x88, s3;
	s6 =	simm.s32 @!p1 $0x1082;
	[sflag:s4] =	ssyncset.s32 $0xFFFFF086  }
0x25: {  	[simem:s6], [sflag:s4] =	dma.local [hbm:s3], $0xF7A  }
0x26: {  	[smem:$0x3F99] =	sst s1;
	(tag) =	ssettag s2;
	_ =	strace s9  }
0x27: {  	s1 =	sld [smem:$0x3FA9]  }
0x28: {  	s2 =	sld [smem:$0x3FAA]  }
0x29: {  	s4 =	sld [smem:$0x3FAC]  }
0x2a: {  	p0 =	seq.s32 s5, $0x0;
	s5 =	sld [smem:$0x3FAD]  }
0x2b: {  	s6 =	sld [smem:$0x3FAE]  }
0x2c: {  	s7 =	sld [smem:$0x3FAF]  }
0x2d: {  	s3 =	simm.s32 $0x108;
	s8 =	sld [smem:$0x3FB0]  }
0x2e: {  	s3 =	simm.s32 @!p0 $0x1082;
	s9 =	sld [smem:$0x3FB1]  }
0x2f: {  	lr =	sadd.s32 s0, s3;
	s0 =	sld [smem:$0x3FA8]  }
0x30: {  	s3 =	sld [smem:$0x3FAB]  }
0x31: {  	[smem:$0x3FB4] =	sst s10  }
0x32: {  	s10 =	sld [smem:$0x3FB2];
	_ =	sdelay $0x3  }
0x33: {  	p0 =	seq.s32 s10, $0x1;
	s10 =	sld [smem:$0x3FB4];
	_ =	sdelay $0x3  }
0x34: {  	[smem:$0x3FB4] =	sst s10  }
0x35: {  	s10 =	sld [smem:$0x3FB3];
	_ =	sdelay $0x3  }
0x36: {  	p1 =	seq.s32 s10, $0x1;
	s10 =	sld [smem:$0x3FB4];
	_ =	sdelay $0x3  }
0x37: {  	[smem:$0x3FB4] =	sst s10  }
0x38: {  	s10 =	sld [smem:$0x3FB5]  }
0x39: {  	_ = 	snop;
	(pc) =	sbr.ind lr, $3  }
0x3a: {  	_ = 	snop  }
0x3b: {  	_ = 	snop  }
0x3c: {  	p2 =	seq.s32 s10, $0x1;
	s10 =	sld [smem:$0x3FB4]  }
0x3d: {  	_ =	shalt  }
0x3e: {  	_ =	shalt  }
0x3f: {  	_ =	shalt  }
0x40: {  	_ =	shalt  }
0x41: {  	_ =	shalt  }
0x42: {  	_ =	shalt  }
0x43: {  	_ =	shalt  }
0x44: {  	_ =	shalt  }
0x45: {  	_ =	shalt  }
0x46: {  	_ =	shalt  }
0x47: {  	_ =	shalt  }
0x48: {  	_ =	shalt  }
0x49: {  	_ =	shalt  }
0x4a: {  	_ =	shalt  }
0x4b: {  	_ =	shalt  }
0x4c: {  	_ =	shalt  }
0x4d: {  	_ =	shalt  }
0x4e: {  	_ =	shalt  }
0x4f: {  	_ =	shalt  }
0x50: {  	_ =	shalt  }
0x51: {  	_ =	shalt  }
0x52: {  	_ =	shalt  }
0x53: {  	_ =	shalt  }
0x54: {  	_ =	shalt  }
0x55: {  	_ =	shalt  }
0x56: {  	_ =	shalt  }
0x57: {  	_ =	shalt  }
0x58: {  	_ =	shalt  }
0x59: {  	_ =	shalt  }
0x5a: {  	_ =	shalt  }
0x5b: {  	_ =	shalt  }
0x5c: {  	_ =	shalt  }
0x5d: {  	_ =	shalt  }
0x5e: {  	_ =	shalt  }
0x5f: {  	_ =	shalt  }
0x60: {  	_ =	shalt  }
0x61: {  	_ =	shalt  }
0x62: {  	_ =	shalt  }
0x63: {  	_ =	shalt  }
0x64: {  	_ =	shalt  }
0x65: {  	_ =	shalt  }
0x66: {  	_ =	shalt  }
0x67: {  	_ =	shalt  }
0x68: {  	_ =	shalt  }
0x69: {  	_ =	shalt  }
0x6a: {  	_ =	shalt  }
0x6b: {  	_ =	shalt  }
0x6c: {  	_ =	shalt  }
0x6d: {  	_ =	shalt  }
0x6e: {  	_ =	shalt  }
0x6f: {  	_ =	shalt  }
0x70: {  	_ =	shalt  }
0x71: {  	_ =	shalt  }
0x72: {  	_ =	shalt  }
0x73: {  	_ =	shalt  }
0x74: {  	_ =	shalt  }
0x75: {  	_ =	shalt  }
0x76: {  	_ =	shalt  }
0x77: {  	_ =	shalt  }
0x78: {  	_ =	shalt  }
0x79: {  	_ =	shalt  }
0x7a: {  	_ =	shalt  }
0x7b: {  	_ =	shalt  }
0x7c: {  	_ =	shalt  }
0x7d: {  	_ =	shalt  }
0x7e: {  	_ =	shalt  }
0x7f: {  	_ =	shalt  }
0x80: {  	_ =	shalt  }
0x81: {  	_ =	shalt  }
0x82: {  	_ =	shalt  }
0x83: {  	_ =	shalt  }
0x84: {  	_ =	shalt  }
0x85: {  	_ =	shalt  }
0x86: {  	_ =	shalt  }
0x87: {  	_ =	shalt  }
.Lfunc_end0:
.L_simem_size_0:
called_computation.2_lowered:
.L_overlay_start_0:
0x88: {  	s2 =	sld [smem:$0x3FD9]  }
0x89: {  	s3 =	sld [smem:$0x3FFE];
	_ =	sdelay $0x1  }
0x8a: {  	s1 =	srdreg.scid  }
0x8b: {  	s0 =	sand.u32 $0x1, s1  }
0x8c: {  	s17 =	sshll.u32 s0, $0xA;
	s2 =	sadd.s32 s3, s2  }
0x8d: {  	s2 =	sadd.s32 s2, s17  }
0x8e: {  	[smem:$0x3FC0] =	sst s2  }
0x8f: {  	_ = 	snop  }
0x90: {  	s18 =	sld [smem:$0x3FC9]  }
0x91: {  	s4 =	sld [smem:$0x3FC8]  }
0x92: {  	s5 =	sld [smem:$0x3FC6];
	(tm) =	ssettm $0x1  }
0x93: {  	s19 =	sld [smem:$0x3FFB];
	_ =	sdelay $0x3  }
0x94: {  	_ =	strace s19  }
0x95: {  	s2 =	sld [smem:$0x3FFC];
	_ =	sdelay $0x3  }
0x96: {  	_ =	strace s2  }
0x97: {  	s2 =	sld [smem:$0x3FFD];
	_ =	sdelay $0x3  }
0x98: {  	_ =	strace s2  }
0x99: {  	_ =	strace $0x8FFFFFFF  }
0x9a: {  	s20 =	sld [smem:$0x3FDB];
	_ =	sdelay $0x1  }
0x9b: {  	s6 =	simm.s32 $_scs_section_size  }
0x9c: {  	s7 =	simm.s32 $_size__tile_overlayer_lowered;
	s8 =	simm.s32 $_tile_overlayer_lowered  }
0x9d: {  	s9 =	simm.s32 $0x1BFF;
	s21 =	sshll.u32 s8, $0x1;
	s6 =	sadd.s32 s6, s20  }
0x9e: {  	s22 =	simm.s32 $0x0;
	s7 =	sshll.u32 s7, $0x1;
	s8 =	sadd.s32 s21, s6  }
0x9f: {  	[timem:s22], [sflag:s9] =	dma.local [hbm:s8], s7  }
0xa0: {  	_ =	swait.ge [sflag:s9], s7  }
0xa1: {  	s7 =	ssub.s32 $0x0, s7;
	[sflag:s9] =	ssyncset.done $0x0  }
0xa2: {  	[sflag:s9] =	ssyncadd.s32 s7;
	_ =	sdelay $0x1  }
0xa3: {  	s23 =	simm.s32 $0x1B8B  }
0xa4: {  	_ =	swait.ge [sflag:s23], $0x1  }
0xa5: {  	[sflag:s23] =	ssyncset.done $0x0  }
0xa6: {  	[sflag:s23] =	ssyncadd.s32 $0xFFFFFFFF  }
0xa7: {  	s7 =	sld [smem:$0x0]  }
0xa8: {  	s8 =	sand.u32 $0xFFFFFFFE, s1  }
0xa9: {  	p0 =	sne.s32 s1, s8  }
0xaa: {  	s8 =	sshll.u32 @p0 s8, $0xE  }
0xab: {  	s8 =	sadd.s32 @p0 $0x11B8D, s8;
	s9 =	sshll.u32 @p0 s7, $0x11  }
0xac: {  	s8 =	sor.u32 @p0 s9, s8  }
0xad: {  	[sflag:s8] =	ssyncadd.remote.s32 @p0 $0x1;
	_ =	sdelay $0x1  }
0xae: {  	s8 =	simm.s32 @p0 $0x1B8D  }
0xaf: {  	_ =	swait.eq @p0 [sflag:s8], $0x1  }
0xb0: {  	[sflag:s8] =	ssyncadd.s32 @p0 $0xFFFFFFFF  }
0xb1: {  	s9 =	sshll.u32 @!p0 s1, $0xE  }
0xb2: {  	s9 =	sor.u32 @!p0 $0x4000, s9;
	s8 =	simm.s32 @!p0 $0x1B8D  }
0xb3: {  	s7 =	sshll.u32 @!p0 s7, $0x11;
	s9 =	sadd.s32 @!p0 $0x11B8D, s9;
	_ =	swait.eq @!p0 [sflag:s8], $0x1  }
0xb4: {  	s7 =	sor.u32 @!p0 s7, s9;
	[sflag:s8] =	ssyncadd.s32 @!p0 $0xFFFFFFFF  }
0xb5: {  	s25 =	simm.s32 $0x1B8E;
	s24 =	sld [smem:$0x3FFE];
	[sflag:s7] =	ssyncadd.remote.s32 @!p0 $0x1  }
0xb6: {  	s26 =	simm.s32 $execute0_lowered;
	[smem:$0x3FD2] =	sst s25  }
0xb7: {  	s8 =	sshll.u32 s26, $0x1;
	_ =	strace $0x80000049;
	[dreg:$0x1] =	wrdreg $0xFFFFFFFF  }
0xb8: {  	s28 =	simm.s32 $_size_execute0_lowered;
	s6 =	sadd.s32 s6, s8;
	[dreg:$0x0] =	wrdreg $0x0  }
0xb9: {  	s8 =	sshll.u32 s28, $0x1;
	[dreg:$0x2] =	wrdreg s6  }
0xba: {  	[dreg:$0x3] =	wrdreg s8  }
0xbb: {  	[dreg:$0x4] =	wrdreg $0xC0  }
0xbc: {  	_ =	task [dreg:s22], $0x5FFFF  }
0xbd: {  	[dreg:$0x1] =	wrdreg $0xFFFFFFFF  }
0xbe: {  	[dreg:$0x0] =	wrdreg $0x60  }
0xbf: {  	[dreg:$0x2] =	wrdreg s18  }
0xc0: {  	[dreg:$0x3] =	wrdreg s4  }
0xc1: {  	[dreg:$0x4] =	wrdreg s5  }
0xc2: {  	[dreg:$0x5] =	wrdreg s24  }
0xc3: {  	[dreg:$0x6] =	wrdreg $0x9  }
0xc4: {  	_ =	task.clear_ibuf [dreg:s22], $0x7FFFF;
	_ =	strace $0x90000049  }
0xc5: {  	s29 =	simm.s32 $0x9;
	_ =	strace $0x8000004B  }
0xc6: {  	_ =	swait.ge [sflag:s29], $0x1  }
0xc7: {  	[sflag:s29] =	ssyncadd.s32 $0xFFFFFFFF  }
0xc8: {  	_ =	strace $0x9000004B  }
0xc9: {  	_ =	sfence  }
0xca: {  	s30 =	sld [smem:$0x0];
	_ =	sdelay $0x2  }
0xcb: {  	s31 =	sshll.u32 s1, $0xD;
	s1 =	sshrl.u32 s1, $0x2  }
0xcc: {  	s4 =	sand.u32 $0x4000, s31;
	s1 =	sadd.s32 s1, s30  }
0xcd: {  	s0 =	sor.u32 s4, s0;
	s1 =	sshll.u32 s1, $0x11  }
0xce: {  	s0 =	sor.u32 s1, s0  }
0xcf: {  	s0 =	sadd.s32 $0x8F2B, s0  }
0xd0: {  	[sflag:s0] =	ssyncadd.remote.s32 $0x1  }
0xd1: {  	_ =	sfence.sel $0xFFFF  }
0xd2: {  	[dreg:$0x0] =	wrdreg $0xFFFFFFFF;
	(pc) =	sbr.abs _section_cstart, $3  }
0xd3: {  	[dreg:$0x1] =	wrdreg $0xFFFFFFFF  }
0xd4: {  	_ =	task.clear_ibuf [dreg:s22], $0x2FFFF;
	_ =	strace $0x9FFFFFFF  }
0xd5: {  	(tm) =	ssettm $0x7FFFFFFF  }
tec
execute0_lowered:
.L_overlay_start_1:
0x0: {  	(tag) =	ssettag $0x1  }
0x1: {  	s0 =	rddreg [dreg:$0x0]  }
0x2: {  	s1 =	rddreg [dreg:$0x1]  }
0x3: {  	s8 =	rddreg [dreg:$0x2]  }
0x4: {  	s6 =	rddreg [dreg:$0x3]  }
0x5: {  	s2 =	simm.s32 $0x0;
	s3 =	srdreg.scid;
	s4 =	stileid.u32  }
0x6: {  	s13 =	simm.s32 $0x4;
	s14 =	simm.s32 $0x200;
	s17 =	simm.s32 $0x6600  }
0x7: {  	s19 =	simm.s32 $0x8600;
	s21 =	simm.s32 $0xA600;
	s20 =	simm.s32 $0x4000  }
0x8: {  	s15 =	simm.s32 $0x4400;
	s16 =	simm.s32 $0xA400;
	s18 =	simm.s32 $0x6400  }
0x9: {  	s22 =	simm.s32 $0xC400;
	s23 =	simm.s32 $0x1;
	s24 =	simm.s32 $0x2  }
0xa: {  	s25 =	simm.s32 $0x3;
	s26 =	simm.s32 $0x0;
	[smem:$0x7FF] =	sst s2  }
0xb: {  	s5 =	sand.u32 $0x1, s3;
	s3 =	sadd.s32 $0x24DC00, s6;
	s7 =	sshll.u32 s4, $0x7  }
0xc: {  	s4 =	sadd.s32 $0x65600, s6;
	s9 =	sshll.u32 s5, $0x6;
	s30 =	ssub.s32 $0x2, s5  }
0xd: {  	_ =	strace $0x8000004A;
	s9 =	sor.u32 s9, s7;
	s31 =	sshrl.u32 s30, $0x1  }
0xe: {  	s5 =	sadd.s32 $0x436200, s6;
	s11 =	sadd.s32 s9, s6;
	s12 =	ssub.s32 s30, s31  }
0xf: {  	s6 =	sadd.s32 s0, s9;
	s7 =	sadd.s32 s1, s9;
	s8 =	sadd.s32 s8, s9  }
0x10: {  	s0 =	simm.s32 $0x2400;
	s1 =	simm.s32 $0x8400;
	s9 =	sadd.s32 $0x467000, s11  }
0x11: {  	s10 =	sadd.s32 $0x46F000, s11;
	s11 =	sadd.s32 $0x477000, s11;
	s12 =	smax.u32 s12, $0x1  }
.LBB2_1:
0x12: {  	[tilespmem:s2], [sflag:$0x4] =	stream.linear.gather [hbm4b:s6+s2], $0x200, $0x38;
	[tilespmem:$0xC600] =	vst v63  }
0x13: {  	_ =	swait.ge [sflag:s13], $0x200  }
0x14: {  	[sflag:s13] =	ssyncset.done $0x0  }
0x15: {  	[sflag:s13] =	ssyncadd.s32 $0xFFFFFE00  }
0x16: {  	[tilespmem:s14], [sflag:$0x4] =	stream.linear.gather [hbm4b:s7+s2], $0x200, $0x38;
	[tilespmem:$0xC600] =	vst v63  }
0x17: {  	_ =	swait.ge [sflag:s13], $0x200  }
0x18: {  	[sflag:s13] =	ssyncset.done $0x0  }
0x19: {  	s28 =	simm.s32 $0x400;
	[sflag:s13] =	ssyncadd.s32 $0xFFFFFE00  }
0x1a: {  	[tilespmem:s28], [sflag:$0x4] =	stream.linear.gather [hbm4b:s8+s2], $0x200, $0x38;
	[tilespmem:$0xC600] =	vst v63  }
0x1b: {  	_ =	swait.ge [sflag:s13], $0x200  }
0x1c: {  	[sflag:s13] =	ssyncset.done $0x0  }
0x1d: {  	s28 =	simm.s32 $0x0;
	[sflag:s13] =	ssyncadd.s32 $0xFFFFFE00  }
0x1e: {  	v0 =	vld [tilespmem:s28+$0x0];
	_ =	sdelay $0x4  }
0x1f: {  	v1 =	vshll.u32 v0, $0x3  }
0x20: {  	v0 =	vand.u32 $0x7F, v0;
	v1 =	vand.u32 $0xFFFFFC00, v1  }
0x21: {  	v8 =	vor.u32 v0, v1  }
0x22: {  	[tilespmem:s28+$0x600] =	vst v8;
	v0 =	vadd.s32 $0x7A1780, v8  }
0x23: {  	v1 =	vadd.s32 $0x7A1700, v8;
	[tilespmem:s28+$0x2400] =	vst v0  }
0x24: {  	v2 =	vadd.s32 $0x7A1680, v8;
	[tilespmem:s28+$0x2200] =	vst v1  }
0x25: {  	v3 =	vadd.s32 $0x7A1600, v8;
	v6 =	vor.u32 $0x280, v8;
	v4 =	vadd.s32 $0x7A1580, v8;
	[tilespmem:s28+$0x2000] =	vst v2  }
0x26: {  	v5 =	vor.u32 $0x300, v8;
	v9 =	vadd.s32 $0x7A1500, v8;
	v7 =	vor.u32 $0x380, v8;
	[tilespmem:s28+$0x1E00] =	vst v3  }
0x27: {  	v1 =	vor.u32 $0x80, v8;
	v0 =	vadd.s32 $0x7A1400, v8;
	v2 =	vor.u32 $0x100, v8;
	[tilespmem:s28+$0x1C00] =	vst v4  }
0x28: {  	s29 =	simm.s32 $0x40;
	v3 =	vor.u32 $0x180, v8;
	v4 =	vor.u32 $0x200, v8;
	v8 =	vadd.s32 $0x7A1480, v8;
	[tilespmem:s28+$0x1A00] =	vst v9  }
.LBB2_2:
0x29: {  	s30 =	sshra.s32 s29, $0x2;
	p0 =	sne.s32 s29, $0x7C0;
	s29 =	sadd.s32 $0x40, s29;
	[tilespmem:s28+$0x1800] =	vst v8  }
0x2a: {  	v8 =	vld [tilespmem:s30+$0x0];
	[tilespmem:s28+$0x1000] =	vst v6  }
0x2b: {  	[tilespmem:s28+$0x1400] =	vst v7  }
0x2c: {  	[tilespmem:s28+$0x800] =	vst v1  }
0x2d: {  	[tilespmem:s28+$0xA00] =	vst v2  }
0x2e: {  	[tilespmem:s28+$0x1200] =	vst v5  }
0x2f: {  	v1 =	vshll.u32 v8, $0x3;
	v2 =	vand.u32 $0x7F, v8;
	[tilespmem:s28+$0xC00] =	vst v3  }
0x30: {  	v1 =	vand.u32 $0xFFFFFC00, v1;
	[tilespmem:s28+$0x1600] =	vst v0  }
0x31: {  	v9 =	vor.u32 v2, v1;
	[tilespmem:s28+$0xE00] =	vst v4;
	s28 =	smov.u32 s30  }
0x32: {  	[tilespmem:s28+$0x600] =	vst v9;
	v1 =	vor.u32 $0x80, v9;
	v0 =	vadd.s32 $0x7A1400, v9;
	v3 =	vadd.s32 $0x7A1780, v9  }
0x33: {  	v2 =	vor.u32 $0x100, v9;
	v6 =	vor.u32 $0x280, v9;
	v4 =	vadd.s32 $0x7A1700, v9;
	[tilespmem:s28+$0x2400] =	vst v3  }
.Ltmp0:
0x34: {  	v5 =	vor.u32 $0x300, v9;
	v8 =	vadd.s32 $0x7A1680, v9;
	v3 =	vor.u32 $0x180, v9;
	[tilespmem:s28+$0x2200] =	vst v4;
	(pc) =	sbr.rel @p0 .LBB2_2-.Ltmp0, $4  }
0x35: {  	v7 =	vor.u32 $0x380, v9;
	v10 =	vadd.s32 $0x7A1600, v9;
	v4 =	vor.u32 $0x200, v9;
	[tilespmem:s28+$0x2000] =	vst v8  }
0x36: {  	v11 =	vadd.s32 $0x7A1580, v9;
	v8 =	vadd.s32 $0x7A1480, v9;
	[tilespmem:s28+$0x1E00] =	vst v10  }
0x37: {  	v9 =	vadd.s32 $0x7A1500, v9;
	[tilespmem:s28+$0x1C00] =	vst v11  }
0x38: {  	[tilespmem:s28+$0x1A00] =	vst v9  }
0x39: {  	[tilespmem:s28+$0x1800] =	vst v8  }
0x3a: {  	[tilespmem:s28+$0x1000] =	vst v6  }
0x3b: {  	[tilespmem:s28+$0x1400] =	vst v7  }
0x3c: {  	[tilespmem:s28+$0x800] =	vst v1  }
0x3d: {  	[tilespmem:s28+$0xA00] =	vst v2  }
0x3e: {  	[tilespmem:s28+$0x1200] =	vst v5  }
0x3f: {  	[tilespmem:s28+$0xC00] =	vst v3  }
0x40: {  	[tilespmem:s28+$0x1600] =	vst v0  }
0x41: {  	[tilespmem:s28+$0xE00] =	vst v4;
	s28 =	simm.s32 $0x0  }
0x42: {  	v0 =	vld [tilespmem:s28+$0x200];
	_ =	sdelay $0x4  }
0x43: {  	v1 =	vshll.u32 v0, $0x3  }
0x44: {  	v0 =	vand.u32 $0x7F, v0;
	v1 =	vand.u32 $0xFFFFFC00, v1  }
0x45: {  	v8 =	vor.u32 v0, v1  }
0x46: {  	[tilespmem:s28+$0x2600] =	vst v8;
	v0 =	vadd.s32 $0x7A1780, v8  }
0x47: {  	v1 =	vadd.s32 $0x7A1700, v8;
	[tilespmem:s28+$0x4400] =	vst v0  }
0x48: {  	v2 =	vadd.s32 $0x7A1680, v8;
	[tilespmem:s28+$0x4200] =	vst v1  }
0x49: {  	v3 =	vadd.s32 $0x7A1600, v8;
	v6 =	vor.u32 $0x280, v8;
	v4 =	vadd.s32 $0x7A1580, v8;
	[tilespmem:s28+$0x4000] =	vst v2  }
0x4a: {  	v5 =	vor.u32 $0x300, v8;
	v9 =	vadd.s32 $0x7A1500, v8;
	v7 =	vor.u32 $0x380, v8;
	[tilespmem:s28+$0x3E00] =	vst v3  }
0x4b: {  	v1 =	vor.u32 $0x80, v8;
	v0 =	vadd.s32 $0x7A1400, v8;
	v2 =	vor.u32 $0x100, v8;
	[tilespmem:s28+$0x3C00] =	vst v4  }
0x4c: {  	s30 =	simm.s32 $0x40;
	s29 =	simm.s32 $0x0;
	v3 =	vor.u32 $0x180, v8;
	v4 =	vor.u32 $0x200, v8;
	v8 =	vadd.s32 $0x7A1480, v8;
	[tilespmem:s28+$0x3A00] =	vst v9  }
.LBB2_4:
0x4d: {  	s31 =	sshra.s32 s30, $0x2;
	p0 =	sne.s32 s30, $0x7C0;
	s30 =	sadd.s32 $0x40, s30;
	[tilespmem:s29+$0x3800] =	vst v8  }
0x4e: {  	v8 =	vld [tilespmem:s31+$0x200];
	[tilespmem:s29+$0x3000] =	vst v6  }
0x4f: {  	[tilespmem:s29+$0x3400] =	vst v7  }
0x50: {  	[tilespmem:s29+$0x2800] =	vst v1  }
0x51: {  	[tilespmem:s29+$0x2A00] =	vst v2  }
0x52: {  	[tilespmem:s29+$0x3200] =	vst v5  }
0x53: {  	v1 =	vshll.u32 v8, $0x3;
	v2 =	vand.u32 $0x7F, v8;
	[tilespmem:s29+$0x2C00] =	vst v3  }
0x54: {  	v1 =	vand.u32 $0xFFFFFC00, v1;
	[tilespmem:s29+$0x3600] =	vst v0  }
0x55: {  	v9 =	vor.u32 v2, v1;
	[tilespmem:s29+$0x2E00] =	vst v4;
	s29 =	smov.u32 s31  }
0x56: {  	[tilespmem:s29+$0x2600] =	vst v9;
	v1 =	vor.u32 $0x80, v9;
	v0 =	vadd.s32 $0x7A1400, v9;
	v3 =	vadd.s32 $0x7A1780, v9  }
0x57: {  	v2 =	vor.u32 $0x100, v9;
	v6 =	vor.u32 $0x280, v9;
	v4 =	vadd.s32 $0x7A1700, v9;
	[tilespmem:s29+$0x4400] =	vst v3  }
.Ltmp1:
0x58: {  	v5 =	vor.u32 $0x300, v9;
	v8 =	vadd.s32 $0x7A1680, v9;
	v3 =	vor.u32 $0x180, v9;
	[tilespmem:s29+$0x4200] =	vst v4;
	(pc) =	sbr.rel @p0 .LBB2_4-.Ltmp1, $4  }
0x59: {  	v7 =	vor.u32 $0x380, v9;
	v10 =	vadd.s32 $0x7A1600, v9;
	v4 =	vor.u32 $0x200, v9;
	[tilespmem:s29+$0x4000] =	vst v8  }
0x5a: {  	v11 =	vadd.s32 $0x7A1580, v9;
	v8 =	vadd.s32 $0x7A1480, v9;
	[tilespmem:s29+$0x3E00] =	vst v10  }
0x5b: {  	v9 =	vadd.s32 $0x7A1500, v9;
	[tilespmem:s29+$0x3C00] =	vst v11  }
0x5c: {  	[tilespmem:s29+$0x3A00] =	vst v9  }
0x5d: {  	[tilespmem:s29+$0x3800] =	vst v8  }
0x5e: {  	[tilespmem:s29+$0x3000] =	vst v6  }
0x5f: {  	[tilespmem:s29+$0x3400] =	vst v7  }
0x60: {  	[tilespmem:s29+$0x2800] =	vst v1  }
0x61: {  	[tilespmem:s29+$0x2A00] =	vst v2  }
0x62: {  	[tilespmem:s29+$0x3200] =	vst v5  }
0x63: {  	[tilespmem:s29+$0x2C00] =	vst v3  }
0x64: {  	[tilespmem:s29+$0x3600] =	vst v0  }
0x65: {  	[tilespmem:s29+$0x2E00] =	vst v4  }
0x66: {  	v0 =	vld [tilespmem:s28+$0x400];
	_ =	sdelay $0x4  }
0x67: {  	v1 =	vshll.u32 v0, $0x3  }
0x68: {  	v0 =	vand.u32 $0x7F, v0;
	v1 =	vand.u32 $0xFFFFFC00, v1  }
0x69: {  	v0 =	vor.u32 v0, v1  }
0x6a: {  	[tilespmem:s28+$0x4600] =	vst v0;
	v1 =	vadd.s32 $0xC3B80, v0  }
0x6b: {  	v2 =	vor.u32 $0x80, v0;
	[tilespmem:s28+$0x6400] =	vst v1  }
0x6c: {  	v4 =	vor.u32 $0x280, v0;
	[tilespmem:s28+$0x4800] =	vst v2  }
0x6d: {  	v8 =	vor.u32 $0x300, v0;
	[tilespmem:s28+$0x5000] =	vst v4  }
0x6e: {  	v5 =	vor.u32 $0x380, v0;
	v1 =	vor.u32 $0x100, v0;
	[tilespmem:s28+$0x5200] =	vst v8  }
0x6f: {  	v7 =	vadd.s32 $0xC3880, v0;
	v6 =	vadd.s32 $0xC3900, v0;
	v2 =	vor.u32 $0x180, v0;
	[tilespmem:s28+$0x4A00] =	vst v1  }
0x70: {  	v3 =	vadd.s32 $0xC3980, v0;
	v4 =	vadd.s32 $0xC3A00, v0;
	v1 =	vor.u32 $0x200, v0;
	[tilespmem:s28+$0x4C00] =	vst v2  }
0x71: {  	s29 =	simm.s32 $0x10;
	s30 =	simm.s32 $0x80;
	v2 =	vadd.s32 $0xC3800, v0;
	[tilespmem:s28+$0x4E00] =	vst v1;
	v1 =	vadd.s32 $0xC3A80, v0;
	v0 =	vadd.s32 $0xC3B00, v0  }
.LBB2_6:
0x72: {  	p0 =	sne.s32 s30, $0x7C0;
	v8 =	vld [tilespmem:s29+$0x400];
	[tilespmem:s28+$0x5400] =	vst v5  }
0x73: {  	[tilespmem:s28+$0x5600] =	vst v2  }
0x74: {  	[tilespmem:s28+$0x5800] =	vst v7  }
0x75: {  	[tilespmem:s28+$0x5A00] =	vst v6  }
0x76: {  	[tilespmem:s28+$0x5C00] =	vst v3  }
0x77: {  	v2 =	vshll.u32 v8, $0x3;
	[tilespmem:s28+$0x5E00] =	vst v4  }
0x78: {  	v3 =	vand.u32 $0x7F, v8;
	v2 =	vand.u32 $0xFFFFFC00, v2;
	[tilespmem:s28+$0x6000] =	vst v1  }
0x79: {  	v8 =	vor.u32 v3, v2;
	[tilespmem:s28+$0x6200] =	vst v0;
	s28 =	smov.u32 s29  }
0x7a: {  	[tilespmem:s28+$0x4600] =	vst v8;
	v0 =	vor.u32 $0x80, v8;
	v1 =	vor.u32 $0x100, v8;
	v2 =	vadd.s32 $0xC3B80, v8  }
0x7b: {  	v4 =	vor.u32 $0x180, v8;
	v9 =	vor.u32 $0x200, v8;
	v10 =	vor.u32 $0x280, v8;
	[tilespmem:s28+$0x6400] =	vst v2  }
0x7c: {  	v11 =	vor.u32 $0x300, v8;
	v5 =	vor.u32 $0x380, v8;
	v2 =	vadd.s32 $0xC3800, v8;
	[tilespmem:s28+$0x4800] =	vst v0  }
.Ltmp2:
0x7d: {  	v7 =	vadd.s32 $0xC3880, v8;
	v6 =	vadd.s32 $0xC3900, v8;
	v3 =	vadd.s32 $0xC3980, v8;
	[tilespmem:s28+$0x4A00] =	vst v1;
	(pc) =	sbr.rel @p0 .LBB2_6-.Ltmp2, $4  }
0x7e: {  	v0 =	vadd.s32 $0xC3B00, v8;
	v1 =	vadd.s32 $0xC3A80, v8;
	[tilespmem:s28+$0x4C00] =	vst v4;
	v4 =	vadd.s32 $0xC3A00, v8  }
0x7f: {  	[tilespmem:s28+$0x4E00] =	vst v9  }
0x80: {  	[tilespmem:s28+$0x5000] =	vst v10  }
0x81: {  	s29 =	sshra.s32 s30, $0x2;
	s30 =	sadd.s32 $0x40, s30;
	[tilespmem:s28+$0x5200] =	vst v11  }
0x82: {  	v8 =	vld [tilespmem:s29+$0x400];
	[tilespmem:s28+$0x5400] =	vst v5  }
0x83: {  	[tilespmem:s28+$0x5600] =	vst v2  }
0x84: {  	[tilespmem:s28+$0x5800] =	vst v7  }
0x85: {  	[tilespmem:s28+$0x5A00] =	vst v6  }
0x86: {  	[tilespmem:s28+$0x5C00] =	vst v3  }
0x87: {  	[tilespmem:s28+$0x5E00] =	vst v4;
	v48 =	vshll.u32 v8, $0x3  }
0x88: {  	[tilespmem:s28+$0x6000] =	vst v1;
	v49 =	vand.u32 $0x7F, v8;
	v2 =	vand.u32 $0xFFFFFC00, v48  }
0x89: {  	[tilespmem:s28+$0x6200] =	vst v0;
	v50 =	vor.u32 v49, v2  }
0x8a: {  	[tilespmem:s29+$0x4600] =	vst v50;
	v51 =	vadd.s32 $0xC3B80, v50  }
0x8b: {  	v2 =	vor.u32 $0x80, v50;
	[tilespmem:s29+$0x6400] =	vst v51  }
0x8c: {  	v52 =	vor.u32 $0x100, v50;
	[tilespmem:s29+$0x4800] =	vst v2  }
0x8d: {  	v53 =	vor.u32 $0x180, v50;
	[tilespmem:s29+$0x4A00] =	vst v52  }
0x8e: {  	v54 =	vor.u32 $0x200, v50;
	[tilespmem:s29+$0x4C00] =	vst v53  }
0x8f: {  	v55 =	vor.u32 $0x280, v50;
	[tilespmem:s29+$0x4E00] =	vst v54  }
0x90: {  	v56 =	vor.u32 $0x300, v50;
	[tilespmem:s29+$0x5000] =	vst v55  }
0x91: {  	v57 =	vor.u32 $0x380, v50;
	[tilespmem:s29+$0x5200] =	vst v56  }
0x92: {  	v58 =	vadd.s32 $0xC3800, v50;
	[tilespmem:s29+$0x5400] =	vst v57  }
0x93: {  	v59 =	vadd.s32 $0xC3880, v50;
	[tilespmem:s29+$0x5600] =	vst v58  }
0x94: {  	v60 =	vadd.s32 $0xC3900, v50;
	[tilespmem:s29+$0x5800] =	vst v59  }
0x95: {  	v61 =	vadd.s32 $0xC3980, v50;
	[tilespmem:s29+$0x5A00] =	vst v60  }
0x96: {  	v62 =	vadd.s32 $0xC3A00, v50;
	[tilespmem:s29+$0x5C00] =	vst v61  }
0x97: {  	v63 =	vadd.s32 $0xC3A80, v50;
	[tilespmem:s29+$0x5E00] =	vst v62  }
0x98: {  	v0 =	vadd.s32 $0xC3B00, v50;
	[tilespmem:s29+$0x6000] =	vst v63  }
0x99: {  	s30 =	simm.s32 $0x600;
	[tilespmem:s29+$0x6200] =	vst v0  }
0x9a: {  	[tilespmem:s17], [sflag:$0x1] =	stream.indirect.gather [hbm4b:s3+s14], $0x1, s30, s14, $0xb8;
	[tilespmem:$0xC600] =	vst v63  }
0x9b: {  	s31 =	simm.s32 $0x2600  }
0x9c: {  	[tilespmem:s19], [sflag:$0x2] =	stream.indirect.gather [hbm4b:s4+s14], $0x1, s31, s14, $0xb8;
	[tilespmem:$0xC600] =	vst v63  }
0x9d: {  	s29 =	simm.s32 $0x4600  }
0x9e: {  	[tilespmem:s21], [sflag:$0x3] =	stream.indirect.gather [hbm4b:s5+s14], $0x1, s29, s14, $0xb8;
	[tilespmem:$0xC600] =	vst v63  }
0x9f: {  	s30 =	simm.s32 $0x800;
	s31 =	simm.s32 $0x6800  }
0xa0: {  	[tilespmem:s31], [sflag:$0x1] =	stream.indirect.gather [hbm4b:s3+s14], $0x1, s30, s14, $0xb8;
	[tilespmem:$0xC600] =	vst v63  }
0xa1: {  	s30 =	simm.s32 $0x2800;
	s31 =	simm.s32 $0x8800  }
0xa2: {  	[tilespmem:s31], [sflag:$0x2] =	stream.indirect.gather [hbm4b:s4+s14], $0x1, s30, s14, $0xb8;
	[tilespmem:$0xC600] =	vst v63  }
0xa3: {  	s30 =	simm.s32 $0x4800;
	s31 =	simm.s32 $0xA800  }
0xa4: {  	[tilespmem:s31], [sflag:$0x3] =	stream.indirect.gather [hbm4b:s5+s14], $0x1, s30, s14, $0xb8;
	[tilespmem:$0xC600] =	vst v63  }
0xa5: {  	s30 =	simm.s32 $0xA00;
	s31 =	simm.s32 $0x6A00  }
0xa6: {  	[tilespmem:s31], [sflag:$0x1] =	stream.indirect.gather [hbm4b:s3+s14], $0x1, s30, s14, $0xb8;
	[tilespmem:$0xC600] =	vst v63  }
0xa7: {  	s30 =	simm.s32 $0x2A00;
	s31 =	simm.s32 $0x8A00  }
0xa8: {  	[tilespmem:s31], [sflag:$0x2] =	stream.indirect.gather [hbm4b:s4+s14], $0x1, s30, s14, $0xb8;
	[tilespmem:$0xC600] =	vst v63  }
0xa9: {  	s30 =	simm.s32 $0x4A00;
	s31 =	simm.s32 $0xAA00  }
0xaa: {  	[tilespmem:s31], [sflag:$0x3] =	stream.indirect.gather [hbm4b:s5+s14], $0x1, s30, s14, $0xb8;
	[tilespmem:$0xC600] =	vst v63  }
0xab: {  	s30 =	simm.s32 $0xC00;
	s31 =	simm.s32 $0x6C00  }
0xac: {  	[tilespmem:s31], [sflag:$0x1] =	stream.indirect.gather [hbm4b:s3+s14], $0x1, s30, s14, $0xb8;
	[tilespmem:$0xC600] =	vst v63  }
0xad: {  	s30 =	simm.s32 $0x2C00;
	s31 =	simm.s32 $0x8C00  }
0xae: {  	[tilespmem:s31], [sflag:$0x2] =	stream.indirect.gather [hbm4b:s4+s14], $0x1, s30, s14, $0xb8;
	[tilespmem:$0xC600] =	vst v63  }
0xaf: {  	s30 =	simm.s32 $0x4C00;
	s31 =	simm.s32 $0xAC00  }
0xb0: {  	[tilespmem:s31], [sflag:$0x3] =	stream.indirect.gather [hbm4b:s5+s14], $0x1, s30, s14, $0xb8;
	[tilespmem:$0xC600] =	vst v63  }
0xb1: {  	s30 =	simm.s32 $0xE00;
	s31 =	simm.s32 $0x6E00  }
0xb2: {  	[tilespmem:s31], [sflag:$0x1] =	stream.indirect.gather [hbm4b:s3+s14], $0x1, s30, s14, $0xb8;
	[tilespmem:$0xC600] =	vst v63  }
0xb3: {  	s30 =	simm.s32 $0x2E00;
	s31 =	simm.s32 $0x8E00  }
0xb4: {  	[tilespmem:s31], [sflag:$0x2] =	stream.indirect.gather [hbm4b:s4+s14], $0x1, s30, s14, $0xb8;
	[tilespmem:$0xC600] =	vst v63  }
0xb5: {  	s30 =	simm.s32 $0x4E00;
	s31 =	simm.s32 $0xAE00  }
0xb6: {  	[tilespmem:s31], [sflag:$0x3] =	stream.indirect.gather [hbm4b:s5+s14], $0x1, s30, s14, $0xb8;
	[tilespmem:$0xC600] =	vst v63  }
0xb7: {  	s30 =	simm.s32 $0x1000;
	s31 =	simm.s32 $0x7000  }
0xb8: {  	[tilespmem:s31], [sflag:$0x1] =	stream.indirect.gather [hbm4b:s3+s14], $0x1, s30, s14, $0xb8;
	[tilespmem:$0xC600] =	vst v63  }
0xb9: {  	s30 =	simm.s32 $0x3000;
	s31 =	simm.s32 $0x9000  }
0xba: {  	[tilespmem:s31], [sflag:$0x2] =	stream.indirect.gather [hbm4b:s4+s14], $0x1, s30, s14, $0xb8;
	[tilespmem:$0xC600] =	vst v63  }
0xbb: {  	s30 =	simm.s32 $0x5000;
	s31 =	simm.s32 $0xB000  }
0xbc: {  	[tilespmem:s31], [sflag:$0x3] =	stream.indirect.gather [hbm4b:s5+s14], $0x1, s30, s14, $0xb8;
	[tilespmem:$0xC600] =	vst v63  }
0xbd: {  	s30 =	simm.s32 $0x1200;
	s31 =	simm.s32 $0x7200  }
0xbe: {  	[tilespmem:s31], [sflag:$0x1] =	stream.indirect.gather [hbm4b:s3+s14], $0x1, s30, s14, $0xb8;
	[tilespmem:$0xC600] =	vst v63  }
0xbf: {  	s30 =	simm.s32 $0x3200;
	s31 =	simm.s32 $0x9200  }
0xc0: {  	[tilespmem:s31], [sflag:$0x2] =	stream.indirect.gather [hbm4b:s4+s14], $0x1, s30, s14, $0xb8;
	[tilespmem:$0xC600] =	vst v63  }
0xc1: {  	s30 =	simm.s32 $0x5200;
	s31 =	simm.s32 $0xB200  }
0xc2: {  	[tilespmem:s31], [sflag:$0x3] =	stream.indirect.gather [hbm4b:s5+s14], $0x1, s30, s14, $0xb8;
	[tilespmem:$0xC600] =	vst v63  }
0xc3: {  	s30 =	simm.s32 $0x1400;
	s31 =	simm.s32 $0x7400  }
0xc4: {  	[tilespmem:s31], [sflag:$0x1] =	stream.indirect.gather [hbm4b:s3+s14], $0x1, s30, s14, $0xb8;
	[tilespmem:$0xC600] =	vst v63  }
0xc5: {  	s30 =	simm.s32 $0x3400;
	s31 =	simm.s32 $0x9400  }
0xc6: {  	[tilespmem:s31], [sflag:$0x2] =	stream.indirect.gather [hbm4b:s4+s14], $0x1, s30, s14, $0xb8;
	[tilespmem:$0xC600] =	vst v63  }
0xc7: {  	s30 =	simm.s32 $0x5400;
	s31 =	simm.s32 $0xB400  }
0xc8: {  	[tilespmem:s31], [sflag:$0x3] =	stream.indirect.gather [hbm4b:s5+s14], $0x1, s30, s14, $0xb8;
	[tilespmem:$0xC600] =	vst v63  }
0xc9: {  	s30 =	simm.s32 $0x1600;
	s31 =	simm.s32 $0x7600  }
0xca: {  	[tilespmem:s31], [sflag:$0x1] =	stream.indirect.gather [hbm4b:s3+s14], $0x1, s30, s14, $0xb8;
	[tilespmem:$0xC600] =	vst v63  }
0xcb: {  	s30 =	simm.s32 $0x3600;
	s31 =	simm.s32 $0x9600  }
0xcc: {  	[tilespmem:s31], [sflag:$0x2] =	stream.indirect.gather [hbm4b:s4+s14], $0x1, s30, s14, $0xb8;
	[tilespmem:$0xC600] =	vst v63  }
0xcd: {  	s30 =	simm.s32 $0x5600;
	s31 =	simm.s32 $0xB600  }
0xce: {  	[tilespmem:s31], [sflag:$0x3] =	stream.indirect.gather [hbm4b:s5+s14], $0x1, s30, s14, $0xb8;
	[tilespmem:$0xC600] =	vst v63  }
0xcf: {  	s30 =	simm.s32 $0x1800;
	s31 =	simm.s32 $0x7800  }
0xd0: {  	[tilespmem:s31], [sflag:$0x1] =	stream.indirect.gather [hbm4b:s3+s14], $0x1, s30, s14, $0xb8;
	[tilespmem:$0xC600] =	vst v63  }
0xd1: {  	s30 =	simm.s32 $0x3800;
	s31 =	simm.s32 $0x9800  }
0xd2: {  	[tilespmem:s31], [sflag:$0x2] =	stream.indirect.gather [hbm4b:s4+s14], $0x1, s30, s14, $0xb8;
	[tilespmem:$0xC600] =	vst v63  }
0xd3: {  	s30 =	simm.s32 $0x5800;
	s31 =	simm.s32 $0xB800  }
0xd4: {  	[tilespmem:s31], [sflag:$0x3] =	stream.indirect.gather [hbm4b:s5+s14], $0x1, s30, s14, $0xb8;
	[tilespmem:$0xC600] =	vst v63  }
0xd5: {  	s30 =	simm.s32 $0x1A00;
	s31 =	simm.s32 $0x7A00  }
0xd6: {  	[tilespmem:s31], [sflag:$0x1] =	stream.indirect.gather [hbm4b:s3+s14], $0x1, s30, s14, $0xb8;
	[tilespmem:$0xC600] =	vst v63  }
0xd7: {  	s30 =	simm.s32 $0x3A00;
	s31 =	simm.s32 $0x9A00  }
0xd8: {  	[tilespmem:s31], [sflag:$0x2] =	stream.indirect.gather [hbm4b:s4+s14], $0x1, s30, s14, $0xb8;
	[tilespmem:$0xC600] =	vst v63  }
0xd9: {  	s30 =	simm.s32 $0x5A00;
	s31 =	simm.s32 $0xBA00  }
0xda: {  	[tilespmem:s31], [sflag:$0x3] =	stream.indirect.gather [hbm4b:s5+s14], $0x1, s30, s14, $0xb8;
	[tilespmem:$0xC600] =	vst v63  }
0xdb: {  	s30 =	simm.s32 $0x1C00;
	s31 =	simm.s32 $0x7C00  }
0xdc: {  	[tilespmem:s31], [sflag:$0x1] =	stream.indirect.gather [hbm4b:s3+s14], $0x1, s30, s14, $0xb8;
	[tilespmem:$0xC600] =	vst v63  }
0xdd: {  	s30 =	simm.s32 $0x3C00;
	s31 =	simm.s32 $0x9C00  }
0xde: {  	[tilespmem:s31], [sflag:$0x2] =	stream.indirect.gather [hbm4b:s4+s14], $0x1, s30, s14, $0xb8;
	[tilespmem:$0xC600] =	vst v63  }
0xdf: {  	s30 =	simm.s32 $0x5C00;
	s31 =	simm.s32 $0xBC00  }
0xe0: {  	[tilespmem:s31], [sflag:$0x3] =	stream.indirect.gather [hbm4b:s5+s14], $0x1, s30, s14, $0xb8;
	[tilespmem:$0xC600] =	vst v63  }
0xe1: {  	s30 =	simm.s32 $0x1E00;
	s31 =	simm.s32 $0x7E00  }
0xe2: {  	[tilespmem:s31], [sflag:$0x1] =	stream.indirect.gather [hbm4b:s3+s14], $0x1, s30, s14, $0xb8;
	[tilespmem:$0xC600] =	vst v63  }
0xe3: {  	s30 =	simm.s32 $0x3E00;
	s31 =	simm.s32 $0x9E00  }
0xe4: {  	[tilespmem:s31], [sflag:$0x2] =	stream.indirect.gather [hbm4b:s4+s14], $0x1, s30, s14, $0xb8;
	[tilespmem:$0xC600] =	vst v63  }
0xe5: {  	s30 =	simm.s32 $0x5E00;
	s31 =	simm.s32 $0xBE00  }
0xe6: {  	[tilespmem:s31], [sflag:$0x3] =	stream.indirect.gather [hbm4b:s5+s14], $0x1, s30, s14, $0xb8;
	[tilespmem:$0xC600] =	vst v63  }
0xe7: {  	s30 =	simm.s32 $0x2000;
	s31 =	simm.s32 $0x8000  }
0xe8: {  	[tilespmem:s31], [sflag:$0x1] =	stream.indirect.gather [hbm4b:s3+s14], $0x1, s30, s14, $0xb8;
	[tilespmem:$0xC600] =	vst v63  }
0xe9: {  	s29 =	simm.s32 $0xA000  }
0xea: {  	[tilespmem:s29], [sflag:$0x2] =	stream.indirect.gather [hbm4b:s4+s14], $0x1, s20, s14, $0xb8;
	[tilespmem:$0xC600] =	vst v63  }
0xeb: {  	s30 =	simm.s32 $0x6000;
	s31 =	simm.s32 $0xC000  }
0xec: {  	[tilespmem:s31], [sflag:$0x3] =	stream.indirect.gather [hbm4b:s5+s14], $0x1, s30, s14, $0xb8;
	[tilespmem:$0xC600] =	vst v63  }
0xed: {  	s30 =	simm.s32 $0x2200;
	s31 =	simm.s32 $0x8200  }
0xee: {  	[tilespmem:s31], [sflag:$0x1] =	stream.indirect.gather [hbm4b:s3+s14], $0x1, s30, s14, $0xb8;
	[tilespmem:$0xC600] =	vst v63  }
0xef: {  	s30 =	simm.s32 $0x4200;
	s31 =	simm.s32 $0xA200  }
0xf0: {  	[tilespmem:s31], [sflag:$0x2] =	stream.indirect.gather [hbm4b:s4+s14], $0x1, s30, s14, $0xb8;
	[tilespmem:$0xC600] =	vst v63  }
0xf1: {  	s30 =	simm.s32 $0x6200;
	s31 =	simm.s32 $0xC200  }
0xf2: {  	[tilespmem:s31], [sflag:$0x3] =	stream.indirect.gather [hbm4b:s5+s14], $0x1, s30, s14, $0xb8;
	[tilespmem:$0xC600] =	vst v63  }
0xf3: {  	_ = 	snop  }
0xf4: {  	[tilespmem:s1], [sflag:$0x1] =	stream.indirect.gather [hbm4b:s3+s14], $0x1, s0, s14, $0xb8;
	[tilespmem:$0xC600] =	vst v63  }
0xf5: {  	_ = 	snop  }
0xf6: {  	[tilespmem:s16], [sflag:$0x2] =	stream.indirect.gather [hbm4b:s4+s14], $0x1, s15, s14, $0xb8;
	[tilespmem:$0xC600] =	vst v63  }
0xf7: {  	_ = 	snop  }
0xf8: {  	[tilespmem:s22], [sflag:$0x3] =	stream.indirect.gather [hbm4b:s5+s14], $0x1, s18, s14, $0xb8;
	[tilespmem:$0xC600] =	vst v63  }
0xf9: {  	_ =	swait.ge [sflag:s23], $0x200  }
0xfa: {  	[sflag:s23] =	ssyncset.done $0x0  }
0xfb: {  	[sflag:s23] =	ssyncadd.s32 $0xFFFFFE00  }
0xfc: {  	_ =	swait.ge [sflag:s24], $0x200  }
0xfd: {  	[sflag:s24] =	ssyncset.done $0x0  }
0xfe: {  	[sflag:s24] =	ssyncadd.s32 $0xFFFFFE00  }
0xff: {  	_ =	swait.ge [sflag:s25], $0x200  }
0x100: {  	[sflag:s25] =	ssyncset.done $0x0  }
0x101: {  	[sflag:s25] =	ssyncadd.s32 $0xFFFFFE00  }
0x102: {  	_ =	swait.ge [sflag:s23], $0x200  }
0x103: {  	[sflag:s23] =	ssyncset.done $0x0  }
0x104: {  	[sflag:s23] =	ssyncadd.s32 $0xFFFFFE00  }
0x105: {  	_ =	swait.ge [sflag:s24], $0x200  }
0x106: {  	[sflag:s24] =	ssyncset.done $0x0  }
0x107: {  	[sflag:s24] =	ssyncadd.s32 $0xFFFFFE00  }
0x108: {  	_ =	swait.ge [sflag:s25], $0x200  }
0x109: {  	[sflag:s25] =	ssyncset.done $0x0  }
0x10a: {  	[sflag:s25] =	ssyncadd.s32 $0xFFFFFE00  }
0x10b: {  	_ =	swait.ge [sflag:s23], $0x200  }
0x10c: {  	[sflag:s23] =	ssyncset.done $0x0  }
0x10d: {  	[sflag:s23] =	ssyncadd.s32 $0xFFFFFE00  }
0x10e: {  	_ =	swait.ge [sflag:s24], $0x200  }
0x10f: {  	[sflag:s24] =	ssyncset.done $0x0  }
0x110: {  	[sflag:s24] =	ssyncadd.s32 $0xFFFFFE00  }
0x111: {  	_ =	swait.ge [sflag:s25], $0x200  }
0x112: {  	[sflag:s25] =	ssyncset.done $0x0  }
0x113: {  	[sflag:s25] =	ssyncadd.s32 $0xFFFFFE00  }
0x114: {  	_ =	swait.ge [sflag:s23], $0x200  }
0x115: {  	[sflag:s23] =	ssyncset.done $0x0  }
0x116: {  	[sflag:s23] =	ssyncadd.s32 $0xFFFFFE00  }
0x117: {  	_ =	swait.ge [sflag:s24], $0x200  }
0x118: {  	[sflag:s24] =	ssyncset.done $0x0  }
0x119: {  	[sflag:s24] =	ssyncadd.s32 $0xFFFFFE00  }
0x11a: {  	_ =	swait.ge [sflag:s25], $0x200  }
0x11b: {  	[sflag:s25] =	ssyncset.done $0x0  }
0x11c: {  	[sflag:s25] =	ssyncadd.s32 $0xFFFFFE00  }
0x11d: {  	_ =	swait.ge [sflag:s23], $0x200  }
0x11e: {  	[sflag:s23] =	ssyncset.done $0x0  }
0x11f: {  	[sflag:s23] =	ssyncadd.s32 $0xFFFFFE00  }
0x120: {  	_ =	swait.ge [sflag:s24], $0x200  }
0x121: {  	[sflag:s24] =	ssyncset.done $0x0  }
0x122: {  	[sflag:s24] =	ssyncadd.s32 $0xFFFFFE00  }
0x123: {  	_ =	swait.ge [sflag:s25], $0x200  }
0x124: {  	[sflag:s25] =	ssyncset.done $0x0  }
0x125: {  	[sflag:s25] =	ssyncadd.s32 $0xFFFFFE00  }
0x126: {  	_ =	swait.ge [sflag:s23], $0x200  }
0x127: {  	[sflag:s23] =	ssyncset.done $0x0  }
0x128: {  	[sflag:s23] =	ssyncadd.s32 $0xFFFFFE00  }
0x129: {  	_ =	swait.ge [sflag:s24], $0x200  }
0x12a: {  	[sflag:s24] =	ssyncset.done $0x0  }
0x12b: {  	[sflag:s24] =	ssyncadd.s32 $0xFFFFFE00  }
0x12c: {  	_ =	swait.ge [sflag:s25], $0x200  }
0x12d: {  	[sflag:s25] =	ssyncset.done $0x0  }
0x12e: {  	[sflag:s25] =	ssyncadd.s32 $0xFFFFFE00  }
0x12f: {  	_ =	swait.ge [sflag:s23], $0x200  }
0x130: {  	[sflag:s23] =	ssyncset.done $0x0  }
0x131: {  	[sflag:s23] =	ssyncadd.s32 $0xFFFFFE00  }
0x132: {  	_ =	swait.ge [sflag:s24], $0x200  }
0x133: {  	[sflag:s24] =	ssyncset.done $0x0  }
0x134: {  	[sflag:s24] =	ssyncadd.s32 $0xFFFFFE00  }
0x135: {  	_ =	swait.ge [sflag:s25], $0x200  }
0x136: {  	[sflag:s25] =	ssyncset.done $0x0  }
0x137: {  	[sflag:s25] =	ssyncadd.s32 $0xFFFFFE00  }
0x138: {  	_ =	swait.ge [sflag:s23], $0x200  }
0x139: {  	[sflag:s23] =	ssyncset.done $0x0  }
0x13a: {  	[sflag:s23] =	ssyncadd.s32 $0xFFFFFE00  }
0x13b: {  	_ =	swait.ge [sflag:s24], $0x200  }
0x13c: {  	[sflag:s24] =	ssyncset.done $0x0  }
0x13d: {  	[sflag:s24] =	ssyncadd.s32 $0xFFFFFE00  }
0x13e: {  	_ =	swait.ge [sflag:s25], $0x200  }
0x13f: {  	[sflag:s25] =	ssyncset.done $0x0  }
0x140: {  	[sflag:s25] =	ssyncadd.s32 $0xFFFFFE00  }
0x141: {  	_ =	swait.ge [sflag:s23], $0x200  }
0x142: {  	[sflag:s23] =	ssyncset.done $0x0  }
0x143: {  	[sflag:s23] =	ssyncadd.s32 $0xFFFFFE00  }
0x144: {  	_ =	swait.ge [sflag:s24], $0x200  }
0x145: {  	[sflag:s24] =	ssyncset.done $0x0  }
0x146: {  	[sflag:s24] =	ssyncadd.s32 $0xFFFFFE00  }
0x147: {  	_ =	swait.ge [sflag:s25], $0x200  }
0x148: {  	[sflag:s25] =	ssyncset.done $0x0  }
0x149: {  	[sflag:s25] =	ssyncadd.s32 $0xFFFFFE00  }
0x14a: {  	_ =	swait.ge [sflag:s23], $0x200  }
0x14b: {  	[sflag:s23] =	ssyncset.done $0x0  }
0x14c: {  	[sflag:s23] =	ssyncadd.s32 $0xFFFFFE00  }
0x14d: {  	_ =	swait.ge [sflag:s24], $0x200  }
0x14e: {  	[sflag:s24] =	ssyncset.done $0x0  }
0x14f: {  	[sflag:s24] =	ssyncadd.s32 $0xFFFFFE00  }
0x150: {  	_ =	swait.ge [sflag:s25], $0x200  }
0x151: {  	[sflag:s25] =	ssyncset.done $0x0  }
0x152: {  	[sflag:s25] =	ssyncadd.s32 $0xFFFFFE00  }
0x153: {  	_ =	swait.ge [sflag:s23], $0x200  }
0x154: {  	[sflag:s23] =	ssyncset.done $0x0  }
0x155: {  	[sflag:s23] =	ssyncadd.s32 $0xFFFFFE00  }
0x156: {  	_ =	swait.ge [sflag:s24], $0x200  }
0x157: {  	[sflag:s24] =	ssyncset.done $0x0  }
0x158: {  	[sflag:s24] =	ssyncadd.s32 $0xFFFFFE00  }
0x159: {  	_ =	swait.ge [sflag:s25], $0x200  }
0x15a: {  	[sflag:s25] =	ssyncset.done $0x0  }
0x15b: {  	[sflag:s25] =	ssyncadd.s32 $0xFFFFFE00  }
0x15c: {  	_ =	swait.ge [sflag:s23], $0x200  }
0x15d: {  	[sflag:s23] =	ssyncset.done $0x0  }
0x15e: {  	[sflag:s23] =	ssyncadd.s32 $0xFFFFFE00  }
0x15f: {  	_ =	swait.ge [sflag:s24], $0x200  }
0x160: {  	[sflag:s24] =	ssyncset.done $0x0  }
0x161: {  	[sflag:s24] =	ssyncadd.s32 $0xFFFFFE00  }
0x162: {  	_ =	swait.ge [sflag:s25], $0x200  }
0x163: {  	[sflag:s25] =	ssyncset.done $0x0  }
0x164: {  	[sflag:s25] =	ssyncadd.s32 $0xFFFFFE00  }
0x165: {  	_ =	swait.ge [sflag:s23], $0x200  }
0x166: {  	[sflag:s23] =	ssyncset.done $0x0  }
0x167: {  	[sflag:s23] =	ssyncadd.s32 $0xFFFFFE00  }
0x168: {  	_ =	swait.ge [sflag:s24], $0x200  }
0x169: {  	[sflag:s24] =	ssyncset.done $0x0  }
0x16a: {  	[sflag:s24] =	ssyncadd.s32 $0xFFFFFE00  }
0x16b: {  	_ =	swait.ge [sflag:s25], $0x200  }
0x16c: {  	[sflag:s25] =	ssyncset.done $0x0  }
0x16d: {  	[sflag:s25] =	ssyncadd.s32 $0xFFFFFE00  }
0x16e: {  	_ =	swait.ge [sflag:s23], $0x200  }
0x16f: {  	[sflag:s23] =	ssyncset.done $0x0  }
0x170: {  	[sflag:s23] =	ssyncadd.s32 $0xFFFFFE00  }
0x171: {  	_ =	swait.ge [sflag:s24], $0x200  }
0x172: {  	[sflag:s24] =	ssyncset.done $0x0  }
0x173: {  	[sflag:s24] =	ssyncadd.s32 $0xFFFFFE00  }
0x174: {  	_ =	swait.ge [sflag:s25], $0x200  }
0x175: {  	[sflag:s25] =	ssyncset.done $0x0  }
0x176: {  	[sflag:s25] =	ssyncadd.s32 $0xFFFFFE00  }
0x177: {  	_ =	swait.ge [sflag:s23], $0x200  }
0x178: {  	[sflag:s23] =	ssyncset.done $0x0  }
0x179: {  	[sflag:s23] =	ssyncadd.s32 $0xFFFFFE00  }
0x17a: {  	_ =	swait.ge [sflag:s24], $0x200  }
0x17b: {  	[sflag:s24] =	ssyncset.done $0x0  }
0x17c: {  	[sflag:s24] =	ssyncadd.s32 $0xFFFFFE00  }
0x17d: {  	_ =	swait.ge [sflag:s25], $0x200  }
0x17e: {  	[sflag:s25] =	ssyncset.done $0x0  }
0x17f: {  	[sflag:s25] =	ssyncadd.s32 $0xFFFFFE00  }
0x180: {  	_ =	swait.ge [sflag:s23], $0x200  }
0x181: {  	[sflag:s23] =	ssyncset.done $0x0  }
0x182: {  	[sflag:s23] =	ssyncadd.s32 $0xFFFFFE00  }
0x183: {  	_ =	swait.ge [sflag:s24], $0x200  }
0x184: {  	[sflag:s24] =	ssyncset.done $0x0  }
0x185: {  	[sflag:s24] =	ssyncadd.s32 $0xFFFFFE00  }
0x186: {  	_ =	swait.ge [sflag:s25], $0x200  }
0x187: {  	[sflag:s25] =	ssyncset.done $0x0  }
0x188: {  	[sflag:s25] =	ssyncadd.s32 $0xFFFFFE00  }
0x189: {  	[hbm4b:s9+s14] =	stream.strided.scatter [tilespmem:s17], [sflag:$0x4], $0x2000, s20, s14, $0x38;
	[tilespmem:$0xC600] =	vst v63  }
0x18a: {  	_ =	swait.ge [sflag:s13], $0x2000  }
0x18b: {  	[sflag:s13] =	ssyncset.done $0x0  }
0x18c: {  	[sflag:s13] =	ssyncadd.s32 $0xFFFFE000  }
0x18d: {  	[hbm4b:s10+s14] =	stream.strided.scatter [tilespmem:s19], [sflag:$0x4], $0x2000, s20, s14, $0x38;
	[tilespmem:$0xC600] =	vst v63  }
0x18e: {  	s26 =	sadd.s32 $0x1, s26;
	_ =	swait.ge [sflag:s13], $0x2000  }
0x18f: {  	p0 =	sne.s32 s26, s12;
	[sflag:s13] =	ssyncset.done $0x0  }
.Ltmp3:
0x190: {  	[sflag:s13] =	ssyncadd.s32 $0xFFFFE000;
	(pc) =	sbr.rel @p0 .LBB2_1-.Ltmp3, $4  }
0x191: {  	[hbm4b:s11+s14] =	stream.strided.scatter [tilespmem:s21], [sflag:$0x4], $0x2000, s20, s14, $0x38;
	[tilespmem:$0xC600] =	vst v63  }
0x192: {  	_ =	swait.ge [sflag:s13], $0x2000  }
0x193: {  	[sflag:s13] =	ssyncset.done $0x0  }
0x194: {  	[sflag:s13] =	ssyncadd.s32 $0xFFFFE000  }
0x195: {  	_ =	sfence.sel $0x180000  }
0x196: {  	[bflag:$0x0] =	sbarrier.arrive $0xFFFF  }
0x197: {  	_ =	strace $0x9000004A  }
0x198: {  	s0 =	stileid.u32;
	[bflag:$0x2] =	sbarrier.arrive $0xFFFF  }
0x199: {  	p0 =	sne.s32 s0, $0x0;
	s0 =	rddreg [dreg:$0x4]  }
0x19a: {  	s0 =	sadd.s32 @!p0 $0x100000, s0  }
0x19b: {  	[sflag:s0] =	ssyncadd.tile.s32 @!p0 $0x1;
	_ =	shalt  }
.Lfunc_end2:
_tile_overlayer_lowered:
.L_overlay_start_2:
0x19c: {  	(tag) =	ssettag $0x2  }
0x19d: {  	s0 =	rddreg [dreg:$0x0];
	s2 =	stileid.u32  }
0x19e: {  	s1 =	rddreg [dreg:$0x1];
	p0 =	sne.s32 s2, $0x0  }
0x19f: {  	s3 =	rddreg [dreg:$0x2];
	[bflag:$0x3] =	sbarrier.arrive $0xFFFF;
	s2 =	simm.s32 @!p0 $0x1C04  }
0x1a0: {  	[timem:s3], [sflag:s2] =	dma.local @!p0 [hbm:s0], s1  }
0x1a1: {  	s0 =	simm.s32 @!p0 $0x4  }
0x1a2: {  	_ =	swait.ge @!p0 [sflag:s0], s1  }
0x1a3: {  	s1 =	ssub.s32 @!p0 $0x0, s1;
	[sflag:s0] =	ssyncset.done @!p0 $0x0  }
0x1a4: {  	[sflag:s0] =	ssyncadd.s32 @!p0 s1  }
0x1a5: {  	[bflag:$0x3] =	sbarrier.arrive $0xFFFF  }
0x1a6: {  	_ =	shalt  }

// kernel: _emb.5.cloned.1.call-start
scs
__scs_entry_jumppad:
0x0: {  	(pc) =	sbr.rel $0x88, $3  }
0x1: {  	(tag) =	ssettag $0x0;
	lr =	simm.s32 $0x1  }
0x2: {  	[smem:$0x3F99] =	sst lr;
	_ =	strace $0xD0000000  }
0x3: {  	_ = 	snop  }
0x4: {  	_ = 	snop  }
0x5: {  	_ = 	snop  }
0x6: {  	_ = 	snop  }
0x7: {  	_ = 	snop  }
__scs_overlays_trampoline_lowered:
0x8: {  	[smem:$0x3FA8] =	sst s0  }
0x9: {  	[smem:$0x3FA9] =	sst s1  }
0xa: {  	[smem:$0x3FAA] =	sst s2  }
0xb: {  	[smem:$0x3FAB] =	sst s3  }
0xc: {  	[smem:$0x3FAC] =	sst s4  }
0xd: {  	[smem:$0x3FAD] =	sst s5  }
0xe: {  	[smem:$0x3FAE] =	sst s6  }
0xf: {  	[smem:$0x3FAF] =	sst s7  }
0x10: {  	[smem:$0x3FB0] =	sst s8  }
0x11: {  	[smem:$0x3FB1] =	sst s9;
	s0 =	simm.s32 @!p0 $0x0  }
0x12: {  	s1 =	sld [smem:$0x3F97];
	s0 =	simm.s32 @p0 $0x1  }
0x13: {  	[smem:$0x3FB2] =	sst s0;
	s0 =	simm.s32 @!p1 $0x0  }
0x14: {  	s2 =	sld [smem:$0x3F96];
	s0 =	simm.s32 @p1 $0x1  }
0x15: {  	[smem:$0x3FB3] =	sst s0;
	s0 =	simm.s32 @!p2 $0x0  }
0x16: {  	s3 =	sld [smem:$0x3FDB];
	s0 =	simm.s32 @p2 $0x1  }
0x17: {  	s4 =	simm.s32 $0x1BF5;
	[smem:$0x3FB5] =	sst s0  }
0x18: {  	s0 =	sld [smem:$0x3F98];
	_ =	swait.ge [sflag:s4], $0x0  }
0x19: {  	s7 =	sld [smem:$0x3F99]  }
0x1a: {  	s8 =	sadd.s32 $0xFFFFE003, lr  }
0x1b: {  	s9 =	sadd.s32 $0xFFFFFEF7, lr;
	s5 =	simm.s32 $0xFFFFFFFF;
	p2 =	slt.u32 s8, $0xFFFFF086  }
0x1c: {  	p1 =	slt.u32 s9, $0xF7A;
	s5 =	simm.s32 @!p2 $0x0  }
0x1d: {  	s5 =	simm.s32 @p1 $0x1;
	p0 =	seq.s32 s7, s2  }
0x1e: {  	s7 =	smul.u32 @!p0 $0xF7A, s2;
	p2 =	seq.s32 @!p0 s5, $0x0  }
0x1f: {  	s9 =	smul.u32 $0xF7A, s1;
	s8 =	simm.s32 @!p0 $0x1BF5;
	p2 =	por !p2, p0  }
0x20: {  	[sflag:s8] =	ssyncset.s32 @!p0 $0xFFFFF086;
	s6 =	sadd.s32 @!p0 s3, s7;
	s7 =	simm.s32 @!p0 $0x108  }
0x21: {  	s3 =	sadd.s32 s3, s9;
	s6 =	sadd.s32 @!p0 $0x88, s6;
	s7 =	simm.s32 @p2 $0x1082  }
0x22: {  	[simem:s7], [sflag:s8] =	dma.local @!p0 [hbm:s6], $0xF7A  }
0x23: {  	s9 =	sor.u32 $0xD0000000, s2;
	s6 =	simm.s32 $0x108;
	_ =	swait.ge @!p0 [sflag:s8], $0x0  }
0x24: {  	s3 =	sadd.s32 $0x88, s3;
	s6 =	simm.s32 @!p1 $0x1082;
	[sflag:s4] =	ssyncset.s32 $0xFFFFF086  }
0x25: {  	[simem:s6], [sflag:s4] =	dma.local [hbm:s3], $0xF7A  }
0x26: {  	[smem:$0x3F99] =	sst s1;
	(tag) =	ssettag s2;
	_ =	strace s9  }
0x27: {  	s1 =	sld [smem:$0x3FA9]  }
0x28: {  	s2 =	sld [smem:$0x3FAA]  }
0x29: {  	s4 =	sld [smem:$0x3FAC]  }
0x2a: {  	p0 =	seq.s32 s5, $0x0;
	s5 =	sld [smem:$0x3FAD]  }
0x2b: {  	s6 =	sld [smem:$0x3FAE]  }
0x2c: {  	s7 =	sld [smem:$0x3FAF]  }
0x2d: {  	s3 =	simm.s32 $0x108;
	s8 =	sld [smem:$0x3FB0]  }
0x2e: {  	s3 =	simm.s32 @!p0 $0x1082;
	s9 =	sld [smem:$0x3FB1]  }
0x2f: {  	lr =	sadd.s32 s0, s3;
	s0 =	sld [smem:$0x3FA8]  }
0x30: {  	s3 =	sld [smem:$0x3FAB]  }
0x31: {  	[smem:$0x3FB4] =	sst s10  }
0x32: {  	s10 =	sld [smem:$0x3FB2];
	_ =	sdelay $0x3  }
0x33: {  	p0 =	seq.s32 s10, $0x1;
	s10 =	sld [smem:$0x3FB4];
	_ =	sdelay $0x3  }
0x34: {  	[smem:$0x3FB4] =	sst s10  }
0x35: {  	s10 =	sld [smem:$0x3FB3];
	_ =	sdelay $0x3  }
0x36: {  	p1 =	seq.s32 s10, $0x1;
	s10 =	sld [smem:$0x3FB4];
	_ =	sdelay $0x3  }
0x37: {  	[smem:$0x3FB4] =	sst s10  }
0x38: {  	s10 =	sld [smem:$0x3FB5]  }
0x39: {  	_ = 	snop;
	(pc) =	sbr.ind lr, $3  }
0x3a: {  	_ = 	snop  }
0x3b: {  	_ = 	snop  }
0x3c: {  	p2 =	seq.s32 s10, $0x1;
	s10 =	sld [smem:$0x3FB4]  }
0x3d: {  	_ =	shalt  }
0x3e: {  	_ =	shalt  }
0x3f: {  	_ =	shalt  }
0x40: {  	_ =	shalt  }
0x41: {  	_ =	shalt  }
0x42: {  	_ =	shalt  }
0x43: {  	_ =	shalt  }
0x44: {  	_ =	shalt  }
0x45: {  	_ =	shalt  }
0x46: {  	_ =	shalt  }
0x47: {  	_ =	shalt  }
0x48: {  	_ =	shalt  }
0x49: {  	_ =	shalt  }
0x4a: {  	_ =	shalt  }
0x4b: {  	_ =	shalt  }
0x4c: {  	_ =	shalt  }
0x4d: {  	_ =	shalt  }
0x4e: {  	_ =	shalt  }
0x4f: {  	_ =	shalt  }
0x50: {  	_ =	shalt  }
0x51: {  	_ =	shalt  }
0x52: {  	_ =	shalt  }
0x53: {  	_ =	shalt  }
0x54: {  	_ =	shalt  }
0x55: {  	_ =	shalt  }
0x56: {  	_ =	shalt  }
0x57: {  	_ =	shalt  }
0x58: {  	_ =	shalt  }
0x59: {  	_ =	shalt  }
0x5a: {  	_ =	shalt  }
0x5b: {  	_ =	shalt  }
0x5c: {  	_ =	shalt  }
0x5d: {  	_ =	shalt  }
0x5e: {  	_ =	shalt  }
0x5f: {  	_ =	shalt  }
0x60: {  	_ =	shalt  }
0x61: {  	_ =	shalt  }
0x62: {  	_ =	shalt  }
0x63: {  	_ =	shalt  }
0x64: {  	_ =	shalt  }
0x65: {  	_ =	shalt  }
0x66: {  	_ =	shalt  }
0x67: {  	_ =	shalt  }
0x68: {  	_ =	shalt  }
0x69: {  	_ =	shalt  }
0x6a: {  	_ =	shalt  }
0x6b: {  	_ =	shalt  }
0x6c: {  	_ =	shalt  }
0x6d: {  	_ =	shalt  }
0x6e: {  	_ =	shalt  }
0x6f: {  	_ =	shalt  }
0x70: {  	_ =	shalt  }
0x71: {  	_ =	shalt  }
0x72: {  	_ =	shalt  }
0x73: {  	_ =	shalt  }
0x74: {  	_ =	shalt  }
0x75: {  	_ =	shalt  }
0x76: {  	_ =	shalt  }
0x77: {  	_ =	shalt  }
0x78: {  	_ =	shalt  }
0x79: {  	_ =	shalt  }
0x7a: {  	_ =	shalt  }
0x7b: {  	_ =	shalt  }
0x7c: {  	_ =	shalt  }
0x7d: {  	_ =	shalt  }
0x7e: {  	_ =	shalt  }
0x7f: {  	_ =	shalt  }
0x80: {  	_ =	shalt  }
0x81: {  	_ =	shalt  }
0x82: {  	_ =	shalt  }
0x83: {  	_ =	shalt  }
0x84: {  	_ =	shalt  }
0x85: {  	_ =	shalt  }
0x86: {  	_ =	shalt  }
0x87: {  	_ =	shalt  }
.Lfunc_end0:
.L_simem_size_0:
called_computation_lowered:
.L_overlay_start_0:
0x88: {  	s2 =	sld [smem:$0x3FD9]  }
0x89: {  	s3 =	sld [smem:$0x3FFE];
	_ =	sdelay $0x1  }
0x8a: {  	s1 =	srdreg.scid  }
0x8b: {  	s0 =	sand.u32 $0x1, s1  }
0x8c: {  	s16 =	sshll.u32 s0, $0xA;
	s2 =	sadd.s32 s3, s2  }
0x8d: {  	s2 =	sadd.s32 s2, s16  }
0x8e: {  	[smem:$0x3FC0] =	sst s2  }
0x8f: {  	_ = 	snop  }
0x90: {  	(tm) =	ssettm $0x1  }
0x91: {  	s17 =	sld [smem:$0x3FFB];
	_ =	sdelay $0x3  }
0x92: {  	_ =	strace s17  }
0x93: {  	s2 =	sld [smem:$0x3FFC];
	_ =	sdelay $0x3  }
0x94: {  	_ =	strace s2  }
0x95: {  	s2 =	sld [smem:$0x3FFD];
	_ =	sdelay $0x3  }
0x96: {  	_ =	strace s2  }
0x97: {  	_ =	strace $0x8FFFFFFF  }
0x98: {  	s18 =	sld [smem:$0x3FDB];
	_ =	sdelay $0x1  }
0x99: {  	s19 =	simm.s32 $_scs_section_size  }
0x9a: {  	s4 =	simm.s32 $_size__tile_overlayer_lowered;
	s5 =	simm.s32 $_tile_overlayer_lowered  }
0x9b: {  	s22 =	simm.s32 $0x1BFF;
	s21 =	sshll.u32 s5, $0x1;
	s2 =	sadd.s32 s19, s18  }
0x9c: {  	s6 =	simm.s32 $0x0;
	s20 =	sshll.u32 s4, $0x1;
	s4 =	sadd.s32 s21, s2  }
0x9d: {  	[timem:s6], [sflag:s22] =	dma.local [hbm:s4], s20  }
0x9e: {  	_ =	swait.ge [sflag:s22], s20  }
0x9f: {  	s3 =	ssub.s32 $0x0, s20;
	[sflag:s22] =	ssyncset.done $0x0  }
0xa0: {  	[sflag:s22] =	ssyncadd.s32 s3;
	_ =	sdelay $0x1  }
0xa1: {  	s23 =	simm.s32 $0x1B8B  }
0xa2: {  	_ =	swait.ge [sflag:s23], $0x1  }
0xa3: {  	[sflag:s23] =	ssyncset.done $0x0  }
0xa4: {  	s25 =	simm.s32 $0x1B8E;
	s24 =	sld [smem:$0x3FFE];
	[sflag:s23] =	ssyncadd.s32 $0xFFFFFFFF  }
0xa5: {  	s26 =	simm.s32 $execute0_lowered;
	[smem:$0x3FD2] =	sst s25  }
0xa6: {  	s4 =	sshll.u32 s26, $0x1;
	_ =	strace $0x80000046;
	[dreg:$0x1] =	wrdreg $0xFFFFFFFF  }
0xa7: {  	s28 =	simm.s32 $_size_execute0_lowered;
	s2 =	sadd.s32 s2, s4;
	[dreg:$0x0] =	wrdreg $0x0  }
0xa8: {  	s4 =	sshll.u32 s28, $0x1;
	[dreg:$0x2] =	wrdreg s2  }
0xa9: {  	[dreg:$0x3] =	wrdreg s4  }
0xaa: {  	[dreg:$0x4] =	wrdreg $0xC0  }
0xab: {  	_ =	task [dreg:s6], $0x5FFFF  }
0xac: {  	[dreg:$0x1] =	wrdreg $0xFFFFFFFF  }
0xad: {  	[dreg:$0x0] =	wrdreg $0x60  }
0xae: {  	[dreg:$0x2] =	wrdreg s24  }
0xaf: {  	[dreg:$0x3] =	wrdreg $0xA  }
0xb0: {  	_ =	task.clear_ibuf [dreg:s6], $0x4FFFF;
	_ =	strace $0x90000046  }
0xb1: {  	s29 =	simm.s32 $0xA;
	_ =	strace $0x80000048  }
0xb2: {  	_ =	swait.ge [sflag:s29], $0x1  }
0xb3: {  	[sflag:s29] =	ssyncadd.s32 $0xFFFFFFFF  }
0xb4: {  	_ =	strace $0x90000048  }
0xb5: {  	_ =	sfence  }
0xb6: {  	s30 =	sld [smem:$0x0];
	_ =	sdelay $0x2  }
0xb7: {  	s31 =	sshll.u32 s1, $0xD;
	s1 =	sshrl.u32 s1, $0x2  }
0xb8: {  	s3 =	sand.u32 $0x4000, s31;
	s1 =	sadd.s32 s1, s30  }
0xb9: {  	s0 =	sor.u32 s3, s0;
	s1 =	sshll.u32 s1, $0x11  }
0xba: {  	s0 =	sor.u32 s1, s0  }
0xbb: {  	s0 =	sadd.s32 $0x8F2B, s0  }
0xbc: {  	[sflag:s0] =	ssyncadd.remote.s32 $0x1  }
0xbd: {  	_ =	sfence.sel $0xFFFF  }
0xbe: {  	[dreg:$0x0] =	wrdreg $0xFFFFFFFF;
	(pc) =	sbr.abs _section_cstart, $3  }
0xbf: {  	[dreg:$0x1] =	wrdreg $0xFFFFFFFF  }
0xc0: {  	_ =	task.clear_ibuf [dreg:s6], $0x2FFFF;
	_ =	strace $0x9FFFFFFF  }
0xc1: {  	(tm) =	ssettm $0x7FFFFFFF  }
tec
execute0_lowered:
.L_overlay_start_1:
0x0: {  	(tag) =	ssettag $0x1  }
0x1: {  	v0 =	vimm.s32 $0x6780;
	vm12 =	vcmask $0x300  }
0x2: {  	v1 =	vimm.s32 $0x6781;
	vm13 =	vcmask $0x704;
	vm14 =	vcmask $0xB08  }
0x3: {  	vm11 =	vcmask $0xF0C;
	vm10 =	vcmask $0x1310;
	vm9 =	vcmask $0x1714  }
0x4: {  	vm8 =	vcmask $0x1B18;
	vm7 =	vcmask $0x1F1C;
	vm6 =	vcmask $0x2320  }
0x5: {  	vm5 =	vcmask $0x2724;
	vm4 =	vcmask $0x2B28;
	vm3 =	vcmask $0x2F2C  }
0x6: {  	vm2 =	vcmask $0x3330;
	vm1 =	vcmask $0x3734;
	vm0 =	vcmask $0x3B38  }
0x7: {  	v2 =	vimm.s32 $0x6782;
	v3 =	vimm.s32 $0x6783;
	v4 =	vimm.s32 $0x6784  }
0x8: {  	v5 =	vimm.s32 $0x6785;
	v6 =	vimm.s32 $0x6786;
	v7 =	vimm.s32 $0x6787  }
0x9: {  	v0 =	vsel vm12, $0x0, v0;
	v1 =	vsel vm12, $0x1, v1;
	v2 =	vsel vm12, $0x2, v2  }
0xa: {  	v3 =	vsel vm12, $0x3, v3;
	v4 =	vsel vm12, $0x4, v4;
	v5 =	vsel vm12, $0x5, v5  }
0xb: {  	v6 =	vsel vm12, $0x6, v6;
	v7 =	vsel vm12, $0x7, v7;
	v0 =	vsel vm13, $0x80, v0  }
0xc: {  	v1 =	vsel vm13, $0x81, v1;
	v2 =	vsel vm13, $0x82, v2;
	v3 =	vsel vm13, $0x83, v3  }
0xd: {  	v4 =	vsel vm13, $0x84, v4;
	v5 =	vsel vm13, $0x85, v5;
	v6 =	vsel vm13, $0x86, v6  }
0xe: {  	v7 =	vsel vm13, $0x87, v7;
	v0 =	vsel vm14, $0x100, v0;
	v1 =	vsel vm14, $0x101, v1  }
0xf: {  	v2 =	vsel vm14, $0x102, v2;
	v3 =	vsel vm14, $0x103, v3;
	v4 =	vsel vm14, $0x104, v4  }
0x10: {  	v5 =	vsel vm14, $0x105, v5;
	v6 =	vsel vm14, $0x106, v6;
	v7 =	vsel vm14, $0x107, v7  }
0x11: {  	v0 =	vsel vm11, $0x180, v0;
	v1 =	vsel vm11, $0x181, v1;
	v2 =	vsel vm11, $0x182, v2  }
0x12: {  	v3 =	vsel vm11, $0x183, v3;
	v4 =	vsel vm11, $0x184, v4;
	v5 =	vsel vm11, $0x185, v5  }
0x13: {  	v6 =	vsel vm11, $0x186, v6;
	v7 =	vsel vm11, $0x187, v7;
	v0 =	vsel vm10, $0x200, v0  }
0x14: {  	v1 =	vsel vm10, $0x201, v1;
	v2 =	vsel vm10, $0x202, v2;
	v3 =	vsel vm10, $0x203, v3  }
0x15: {  	v4 =	vsel vm10, $0x204, v4;
	v5 =	vsel vm10, $0x205, v5;
	v6 =	vsel vm10, $0x206, v6  }
0x16: {  	v7 =	vsel vm10, $0x207, v7;
	v0 =	vsel vm9, $0x280, v0;
	v1 =	vsel vm9, $0x281, v1  }
0x17: {  	v2 =	vsel vm9, $0x282, v2;
	v3 =	vsel vm9, $0x283, v3;
	v4 =	vsel vm9, $0x284, v4  }
0x18: {  	v5 =	vsel vm9, $0x285, v5;
	v6 =	vsel vm9, $0x286, v6;
	v7 =	vsel vm9, $0x287, v7  }
0x19: {  	v0 =	vsel vm8, $0x300, v0;
	v1 =	vsel vm8, $0x301, v1;
	v2 =	vsel vm8, $0x302, v2  }
0x1a: {  	v3 =	vsel vm8, $0x303, v3;
	v4 =	vsel vm8, $0x304, v4;
	v5 =	vsel vm8, $0x305, v5  }
0x1b: {  	v6 =	vsel vm8, $0x306, v6;
	v7 =	vsel vm8, $0x307, v7;
	v0 =	vsel vm7, $0x380, v0  }
0x1c: {  	v1 =	vsel vm7, $0x381, v1;
	v2 =	vsel vm7, $0x382, v2;
	v3 =	vsel vm7, $0x383, v3  }
0x1d: {  	v4 =	vsel vm7, $0x384, v4;
	v5 =	vsel vm7, $0x385, v5;
	v6 =	vsel vm7, $0x386, v6  }
0x1e: {  	v7 =	vsel vm7, $0x387, v7;
	v0 =	vsel vm6, $0x6400, v0;
	v1 =	vsel vm6, $0x6401, v1  }
0x1f: {  	v2 =	vsel vm6, $0x6402, v2;
	v3 =	vsel vm6, $0x6403, v3;
	v4 =	vsel vm6, $0x6404, v4  }
0x20: {  	v5 =	vsel vm6, $0x6405, v5;
	v6 =	vsel vm6, $0x6406, v6;
	v7 =	vsel vm6, $0x6407, v7  }
0x21: {  	v0 =	vsel vm5, $0x6480, v0;
	v1 =	vsel vm5, $0x6481, v1;
	v2 =	vsel vm5, $0x6482, v2  }
0x22: {  	v3 =	vsel vm5, $0x6483, v3;
	v4 =	vsel vm5, $0x6484, v4;
	v5 =	vsel vm5, $0x6485, v5  }
0x23: {  	v6 =	vsel vm5, $0x6486, v6;
	v7 =	vsel vm5, $0x6487, v7;
	v0 =	vsel vm4, $0x6500, v0  }
0x24: {  	v1 =	vsel vm4, $0x6501, v1;
	v2 =	vsel vm4, $0x6502, v2;
	v3 =	vsel vm4, $0x6503, v3  }
0x25: {  	v4 =	vsel vm4, $0x6504, v4;
	v5 =	vsel vm4, $0x6505, v5;
	v6 =	vsel vm4, $0x6506, v6  }
0x26: {  	v7 =	vsel vm4, $0x6507, v7;
	v0 =	vsel vm3, $0x6580, v0;
	v1 =	vsel vm3, $0x6581, v1  }
0x27: {  	s4 =	srdreg.scid;
	s1 =	stileid.u32;
	v2 =	vsel vm3, $0x6582, v2;
	v3 =	vsel vm3, $0x6583, v3;
	v4 =	vsel vm3, $0x6584, v4  }
0x28: {  	s3 =	rddreg [dreg:$0x0];
	s4 =	sand.u32 $0x1, s4;
	s5 =	sshll.u32 s1, $0x1;
	v5 =	vsel vm3, $0x6585, v5;
	v6 =	vsel vm3, $0x6586, v6;
	v7 =	vsel vm3, $0x6587, v7  }
0x29: {  	s0 =	rddreg [dreg:$0x1];
	s5 =	sor.u32 s4, s5;
	v0 =	vsel vm2, $0x6600, v0;
	v1 =	vsel vm2, $0x6601, v1;
	v2 =	vsel vm2, $0x6602, v2  }
0x2a: {  	s2 =	simm.s32 $0x0;
	s10 =	simm.s32 $0x0;
	s6 =	smul.u32 $0x6400, s5;
	v3 =	vsel vm2, $0x6603, v3;
	v4 =	vsel vm2, $0x6604, v4;
	v5 =	vsel vm2, $0x6605, v5  }
0x2b: {  	[smem:$0x7FF] =	sst s2;
	s4 =	ssub.s32 $0x2, s4;
	s8 =	smul.u32 $0x1900, s5;
	v6 =	vsel vm2, $0x6606, v6;
	v7 =	vsel vm2, $0x6607, v7;
	v0 =	vsel vm1, $0x6680, v0  }
0x2c: {  	s7 =	sadd.s32 $0x1600, s3;
	s5 =	smul.u32 $0xC80, s5;
	s31 =	sshrl.u32 s4, $0x1;
	v1 =	vsel vm1, $0x6681, v1;
	v2 =	vsel vm1, $0x6682, v2;
	v3 =	vsel vm1, $0x6683, v3  }
0x2d: {  	_ =	strace $0x80000047;
	s9 =	ssub.s32 s4, s31;
	s6 =	sshrl.u32 s6, $0x3;
	v4 =	vsel vm1, $0x6684, v4;
	v5 =	vsel vm1, $0x6685, v5;
	v6 =	vsel vm1, $0x6686, v6  }
0x2e: {  	s8 =	sadd.s32 s8, s3;
	s3 =	sadd.s32 s7, s5;
	s6 =	sadd.s32 s7, s6;
	v7 =	vsel vm1, $0x6687, v7;
	v0 =	vsel vm0, $0x6700, v0;
	v1 =	vsel vm0, $0x6701, v1  }
0x2f: {  	s5 =	sadd.s32 $0x33600, s8;
	s7 =	simm.s32 $0x1;
	s8 =	simm.s32 $0x6400;
	v2 =	vsel vm0, $0x6702, v2;
	v3 =	vsel vm0, $0x6703, v3;
	v4 =	vsel vm0, $0x6704, v4  }
0x30: {  	s4 =	sadd.s32 $0x19000, s6;
	s6 =	smax.u32 s9, $0x1;
	s9 =	simm.s32 $0xC800;
	v5 =	vsel vm0, $0x6705, v5;
	v6 =	vsel vm0, $0x6706, v6;
	v7 =	vsel vm0, $0x6707, v7  }
.LBB2_1:
0x31: {  	[tilespmem:s2], [sflag:$0x1] =	stream.linear.gather [hbm4b:s3+s2], $0x6400, $0x38;
	[tilespmem:$0x19000] =	vst v63  }
0x32: {  	_ =	swait.ge [sflag:s7], $0x6400  }
0x33: {  	[sflag:s7] =	ssyncset.done $0x0  }
0x34: {  	[sflag:s7] =	ssyncadd.s32 $0xFFFF9C00  }
0x35: {  	[tilespmem:s8], [sflag:$0x1] =	stream.linear.gather [hbm4b:s4+s2], $0x6400, $0x38;
	[tilespmem:$0x19000] =	vst v63  }
0x36: {  	_ =	swait.ge [sflag:s7], $0x6400  }
0x37: {  	s11 =	simm.s32 $0xC840;
	[sflag:s7] =	ssyncset.done $0x0  }
0x38: {  	s12 =	simm.s32 $0x0;
	s13 =	simm.s32 $0x0;
	[sflag:s7] =	ssyncadd.s32 $0xFFFF9C00  }
.LBB2_2:
0x39: {  	s14 =	sadd.s32 $0x0, s12  }
0x3a: {  	v8 =	vadd.s32 s14, v0;
	_ =	sdelay $0x4  }
0x3b: {  	v8 =	vld.idx.msk [tilespmem:v8+s2+$0x0], $0xffff  }
0x3c: {  	v9 =	vadd.s32 s14, v1;
	_ =	sdelay $0x3  }
0x3d: {  	[tilespmem:s11+$0xFFFFFFC0] =	vst v8  }
0x3e: {  	v8 =	vld.idx.msk [tilespmem:v9+s2+$0x0], $0xffff  }
0x3f: {  	v9 =	vadd.s32 s14, v2;
	_ =	sdelay $0x3  }
0x40: {  	[tilespmem:s11+$0xFFFFFFD0] =	vst v8  }
0x41: {  	v8 =	vld.idx.msk [tilespmem:v9+s2+$0x0], $0xffff  }
0x42: {  	v9 =	vadd.s32 s14, v3;
	_ =	sdelay $0x3  }
0x43: {  	[tilespmem:s11+$0xFFFFFFE0] =	vst v8  }
0x44: {  	v8 =	vld.idx.msk [tilespmem:v9+s2+$0x0], $0xffff  }
0x45: {  	v9 =	vadd.s32 s14, v4;
	_ =	sdelay $0x3  }
0x46: {  	[tilespmem:s11+$0xFFFFFFF0] =	vst v8  }
0x47: {  	v8 =	vld.idx.msk [tilespmem:v9+s2+$0x0], $0xffff  }
0x48: {  	v9 =	vadd.s32 s14, v5;
	_ =	sdelay $0x3  }
0x49: {  	[tilespmem:s11+$0x0] =	vst v8  }
0x4a: {  	v8 =	vld.idx.msk [tilespmem:v9+s2+$0x0], $0xffff  }
0x4b: {  	v9 =	vadd.s32 s14, v6;
	_ =	sdelay $0x3  }
0x4c: {  	[tilespmem:s11+$0x10] =	vst v8  }
0x4d: {  	v8 =	vld.idx.msk [tilespmem:v9+s2+$0x0], $0xffff  }
0x4e: {  	v9 =	vadd.s32 s14, v7;
	_ =	sdelay $0x3  }
0x4f: {  	[tilespmem:s11+$0x20] =	vst v8  }
0x50: {  	s16 =	simm.s32 $0x10;
	s15 =	smov.u32 s11;
	s14 =	sadd.s32 $0x8, s12;
	v8 =	vld.idx.msk [tilespmem:v9+s2+$0x0], $0xffff  }
.LBB2_3:
0x51: {  	p0 =	sne.s32 s16, $0x78;
	v9 =	vadd.s32 s14, v0;
	_ =	sdelay $0x3  }
0x52: {  	[tilespmem:s15+$0x30] =	vst v8  }
0x53: {  	v8 =	vld.idx.msk [tilespmem:v9+s2+$0x0], $0xffff;
	_ =	sdelay $0x1  }
0x54: {  	v9 =	vadd.s32 s14, v1;
	_ =	sdelay $0x2  }
0x55: {  	s15 =	sadd.s32 $0x80, s15  }
0x56: {  	[tilespmem:s15+$0xFFFFFFC0] =	vst v8  }
0x57: {  	v8 =	vld.idx.msk [tilespmem:v9+s2+$0x0], $0xffff;
	_ =	sdelay $0x1  }
0x58: {  	v9 =	vadd.s32 s14, v2;
	_ =	sdelay $0x3  }
0x59: {  	[tilespmem:s15+$0xFFFFFFD0] =	vst v8  }
0x5a: {  	v8 =	vld.idx.msk [tilespmem:v9+s2+$0x0], $0xffff;
	_ =	sdelay $0x1  }
0x5b: {  	v9 =	vadd.s32 s14, v3;
	_ =	sdelay $0x3  }
0x5c: {  	[tilespmem:s15+$0xFFFFFFE0] =	vst v8  }
0x5d: {  	v8 =	vld.idx.msk [tilespmem:v9+s2+$0x0], $0xffff;
	_ =	sdelay $0x1  }
0x5e: {  	v9 =	vadd.s32 s14, v4;
	_ =	sdelay $0x3  }
0x5f: {  	[tilespmem:s15+$0xFFFFFFF0] =	vst v8  }
0x60: {  	v8 =	vld.idx.msk [tilespmem:v9+s2+$0x0], $0xffff;
	_ =	sdelay $0x1  }
0x61: {  	v9 =	vadd.s32 s14, v5;
	_ =	sdelay $0x3  }
0x62: {  	[tilespmem:s15+$0x0] =	vst v8  }
0x63: {  	v8 =	vld.idx.msk [tilespmem:v9+s2+$0x0], $0xffff;
	_ =	sdelay $0x1  }
0x64: {  	v9 =	vadd.s32 s14, v6;
	_ =	sdelay $0x3  }
0x65: {  	[tilespmem:s15+$0x10] =	vst v8  }
0x66: {  	v8 =	vld.idx.msk [tilespmem:v9+s2+$0x0], $0xffff;
	_ =	sdelay $0x1  }
0x67: {  	v9 =	vadd.s32 s14, v7;
	_ =	sdelay $0x1  }
.Ltmp0:
0x68: {  	(pc) =	sbr.rel @p0 .LBB2_3-.Ltmp0, $4  }
0x69: {  	_ = 	snop  }
0x6a: {  	[tilespmem:s15+$0x20] =	vst v8  }
0x6b: {  	v8 =	vld.idx.msk [tilespmem:v9+s2+$0x0], $0xffff  }
0x6c: {  	s14 =	sadd.s32 s16, s12;
	s16 =	sadd.s32 $0x8, s16  }
0x6d: {  	v9 =	vadd.s32 s14, v0;
	_ =	sdelay $0x3  }
0x6e: {  	[tilespmem:s15+$0x30] =	vst v8  }
0x6f: {  	v8 =	vld.idx.msk [tilespmem:v9+s2+$0x0], $0xffff  }
0x70: {  	v57 =	vadd.s32 s14, v1;
	_ =	sdelay $0x2  }
0x71: {  	s31 =	sadd.s32 $0x80, s15  }
0x72: {  	[tilespmem:s31+$0xFFFFFFC0] =	vst v8  }
0x73: {  	v8 =	vld.idx.msk [tilespmem:v57+s2+$0x0], $0xffff  }
0x74: {  	v58 =	vadd.s32 s14, v2;
	_ =	sdelay $0x3  }
0x75: {  	[tilespmem:s31+$0xFFFFFFD0] =	vst v8  }
0x76: {  	v8 =	vld.idx.msk [tilespmem:v58+s2+$0x0], $0xffff  }
0x77: {  	v59 =	vadd.s32 s14, v3;
	_ =	sdelay $0x3  }
0x78: {  	[tilespmem:s31+$0xFFFFFFE0] =	vst v8  }
0x79: {  	v8 =	vld.idx.msk [tilespmem:v59+s2+$0x0], $0xffff  }
0x7a: {  	v60 =	vadd.s32 s14, v4;
	_ =	sdelay $0x3  }
0x7b: {  	[tilespmem:s31+$0xFFFFFFF0] =	vst v8  }
0x7c: {  	v8 =	vld.idx.msk [tilespmem:v60+s2+$0x0], $0xffff  }
0x7d: {  	v61 =	vadd.s32 s14, v5;
	_ =	sdelay $0x3  }
0x7e: {  	[tilespmem:s31+$0x0] =	vst v8  }
0x7f: {  	v8 =	vld.idx.msk [tilespmem:v61+s2+$0x0], $0xffff  }
0x80: {  	v62 =	vadd.s32 s14, v6;
	_ =	sdelay $0x3  }
0x81: {  	[tilespmem:s31+$0x10] =	vst v8  }
0x82: {  	v8 =	vld.idx.msk [tilespmem:v62+s2+$0x0], $0xffff  }
0x83: {  	v63 =	vadd.s32 s14, v7;
	_ =	sdelay $0x3  }
0x84: {  	s13 =	sadd.s32 $0x1, s13;
	[tilespmem:s31+$0x20] =	vst v8  }
0x85: {  	p0 =	sne.s32 s13, $0x19;
	v8 =	vld.idx.msk [tilespmem:v63+s2+$0x0], $0xffff  }
.Ltmp1:
0x86: {  	_ = 	snop;
	(pc) =	sbr.rel @p0 .LBB2_2-.Ltmp1, $2  }
0x87: {  	_ =	sdelay $0x2  }
0x88: {  	s12 =	sadd.s32 $0x400, s12;
	s11 =	sadd.s32 $0x800, s11;
	[tilespmem:s31+$0x30] =	vst v8  }
0x89: {  	s10 =	sadd.s32 $0x1, s10  }
0x8a: {  	p0 =	sne.s32 s10, s6  }
.Ltmp2:
0x8b: {  	_ = 	snop;
	(pc) =	sbr.rel @p0 .LBB2_1-.Ltmp2, $4  }
0x8c: {  	[hbm4b:s5+s2] =	stream.linear.scatter [tilespmem:s9], [sflag:$0x1], $0xC800, $0x38;
	[tilespmem:$0x19000] =	vst v63  }
0x8d: {  	_ =	swait.ge [sflag:s7], $0xC800  }
0x8e: {  	[sflag:s7] =	ssyncset.done $0x0  }
0x8f: {  	[sflag:s7] =	ssyncadd.s32 $0xFFFF3800  }
0x90: {  	_ =	sfence.sel $0x180000  }
0x91: {  	[bflag:$0x0] =	sbarrier.arrive $0xFFFF  }
0x92: {  	p0 =	sne.s32 s1, $0x0;
	_ =	strace $0x90000047  }
0x93: {  	s0 =	sadd.s32 @!p0 $0x100000, s0;
	[bflag:$0x2] =	sbarrier.arrive $0xFFFF  }
0x94: {  	[sflag:s0] =	ssyncadd.tile.s32 @!p0 $0x1;
	_ =	shalt  }
.Lfunc_end2:
_tile_overlayer_lowered:
.L_overlay_start_2:
0x95: {  	(tag) =	ssettag $0x2  }
0x96: {  	s0 =	rddreg [dreg:$0x0];
	s2 =	stileid.u32  }
0x97: {  	s1 =	rddreg [dreg:$0x1];
	p0 =	sne.s32 s2, $0x0  }
0x98: {  	s3 =	rddreg [dreg:$0x2];
	[bflag:$0x3] =	sbarrier.arrive $0xFFFF;
	s2 =	simm.s32 @!p0 $0x1C01  }
0x99: {  	[timem:s3], [sflag:s2] =	dma.local @!p0 [hbm:s0], s1  }
0x9a: {  	s0 =	simm.s32 @!p0 $0x1  }
0x9b: {  	_ =	swait.ge @!p0 [sflag:s0], s1  }
0x9c: {  	s1 =	ssub.s32 @!p0 $0x0, s1;
	[sflag:s0] =	ssyncset.done @!p0 $0x0  }
0x9d: {  	[sflag:s0] =	ssyncadd.s32 @!p0 s1  }
0x9e: {  	[bflag:$0x3] =	sbarrier.arrive $0xFFFF  }
0x9f: {  	_ =	shalt  }

// kernel: _emb.8.cloned.1.call-start
scs
__scs_entry_jumppad:
0x0: {  	(pc) =	sbr.rel $0x88, $3  }
0x1: {  	(tag) =	ssettag $0x0;
	lr =	simm.s32 $0x1  }
0x2: {  	[smem:$0x3F99] =	sst lr;
	_ =	strace $0xD0000000  }
0x3: {  	_ = 	snop  }
0x4: {  	_ = 	snop  }
0x5: {  	_ = 	snop  }
0x6: {  	_ = 	snop  }
0x7: {  	_ = 	snop  }
__scs_overlays_trampoline_lowered:
0x8: {  	[smem:$0x3FA8] =	sst s0  }
0x9: {  	[smem:$0x3FA9] =	sst s1  }
0xa: {  	[smem:$0x3FAA] =	sst s2  }
0xb: {  	[smem:$0x3FAB] =	sst s3  }
0xc: {  	[smem:$0x3FAC] =	sst s4  }
0xd: {  	[smem:$0x3FAD] =	sst s5  }
0xe: {  	[smem:$0x3FAE] =	sst s6  }
0xf: {  	[smem:$0x3FAF] =	sst s7  }
0x10: {  	[smem:$0x3FB0] =	sst s8  }
0x11: {  	[smem:$0x3FB1] =	sst s9;
	s0 =	simm.s32 @!p0 $0x0  }
0x12: {  	s1 =	sld [smem:$0x3F97];
	s0 =	simm.s32 @p0 $0x1  }
0x13: {  	[smem:$0x3FB2] =	sst s0;
	s0 =	simm.s32 @!p1 $0x0  }
0x14: {  	s2 =	sld [smem:$0x3F96];
	s0 =	simm.s32 @p1 $0x1  }
0x15: {  	[smem:$0x3FB3] =	sst s0;
	s0 =	simm.s32 @!p2 $0x0  }
0x16: {  	s3 =	sld [smem:$0x3FDB];
	s0 =	simm.s32 @p2 $0x1  }
0x17: {  	s4 =	simm.s32 $0x1BF5;
	[smem:$0x3FB5] =	sst s0  }
0x18: {  	s0 =	sld [smem:$0x3F98];
	_ =	swait.ge [sflag:s4], $0x0  }
0x19: {  	s7 =	sld [smem:$0x3F99]  }
0x1a: {  	s8 =	sadd.s32 $0xFFFFE003, lr  }
0x1b: {  	s9 =	sadd.s32 $0xFFFFFEF7, lr;
	s5 =	simm.s32 $0xFFFFFFFF;
	p2 =	slt.u32 s8, $0xFFFFF086  }
0x1c: {  	p1 =	slt.u32 s9, $0xF7A;
	s5 =	simm.s32 @!p2 $0x0  }
0x1d: {  	s5 =	simm.s32 @p1 $0x1;
	p0 =	seq.s32 s7, s2  }
0x1e: {  	s7 =	smul.u32 @!p0 $0xF7A, s2;
	p2 =	seq.s32 @!p0 s5, $0x0  }
0x1f: {  	s9 =	smul.u32 $0xF7A, s1;
	s8 =	simm.s32 @!p0 $0x1BF5;
	p2 =	por !p2, p0  }
0x20: {  	[sflag:s8] =	ssyncset.s32 @!p0 $0xFFFFF086;
	s6 =	sadd.s32 @!p0 s3, s7;
	s7 =	simm.s32 @!p0 $0x108  }
0x21: {  	s3 =	sadd.s32 s3, s9;
	s6 =	sadd.s32 @!p0 $0x88, s6;
	s7 =	simm.s32 @p2 $0x1082  }
0x22: {  	[simem:s7], [sflag:s8] =	dma.local @!p0 [hbm:s6], $0xF7A  }
0x23: {  	s9 =	sor.u32 $0xD0000000, s2;
	s6 =	simm.s32 $0x108;
	_ =	swait.ge @!p0 [sflag:s8], $0x0  }
0x24: {  	s3 =	sadd.s32 $0x88, s3;
	s6 =	simm.s32 @!p1 $0x1082;
	[sflag:s4] =	ssyncset.s32 $0xFFFFF086  }
0x25: {  	[simem:s6], [sflag:s4] =	dma.local [hbm:s3], $0xF7A  }
0x26: {  	[smem:$0x3F99] =	sst s1;
	(tag) =	ssettag s2;
	_ =	strace s9  }
0x27: {  	s1 =	sld [smem:$0x3FA9]  }
0x28: {  	s2 =	sld [smem:$0x3FAA]  }
0x29: {  	s4 =	sld [smem:$0x3FAC]  }
0x2a: {  	p0 =	seq.s32 s5, $0x0;
	s5 =	sld [smem:$0x3FAD]  }
0x2b: {  	s6 =	sld [smem:$0x3FAE]  }
0x2c: {  	s7 =	sld [smem:$0x3FAF]  }
0x2d: {  	s3 =	simm.s32 $0x108;
	s8 =	sld [smem:$0x3FB0]  }
0x2e: {  	s3 =	simm.s32 @!p0 $0x1082;
	s9 =	sld [smem:$0x3FB1]  }
0x2f: {  	lr =	sadd.s32 s0, s3;
	s0 =	sld [smem:$0x3FA8]  }
0x30: {  	s3 =	sld [smem:$0x3FAB]  }
0x31: {  	[smem:$0x3FB4] =	sst s10  }
0x32: {  	s10 =	sld [smem:$0x3FB2];
	_ =	sdelay $0x3  }
0x33: {  	p0 =	seq.s32 s10, $0x1;
	s10 =	sld [smem:$0x3FB4];
	_ =	sdelay $0x3  }
0x34: {  	[smem:$0x3FB4] =	sst s10  }
0x35: {  	s10 =	sld [smem:$0x3FB3];
	_ =	sdelay $0x3  }
0x36: {  	p1 =	seq.s32 s10, $0x1;
	s10 =	sld [smem:$0x3FB4];
	_ =	sdelay $0x3  }
0x37: {  	[smem:$0x3FB4] =	sst s10  }
0x38: {  	s10 =	sld [smem:$0x3FB5]  }
0x39: {  	_ = 	snop;
	(pc) =	sbr.ind lr, $3  }
0x3a: {  	_ = 	snop  }
0x3b: {  	_ = 	snop  }
0x3c: {  	p2 =	seq.s32 s10, $0x1;
	s10 =	sld [smem:$0x3FB4]  }
0x3d: {  	_ =	shalt  }
0x3e: {  	_ =	shalt  }
0x3f: {  	_ =	shalt  }
0x40: {  	_ =	shalt  }
0x41: {  	_ =	shalt  }
0x42: {  	_ =	shalt  }
0x43: {  	_ =	shalt  }
0x44: {  	_ =	shalt  }
0x45: {  	_ =	shalt  }
0x46: {  	_ =	shalt  }
0x47: {  	_ =	shalt  }
0x48: {  	_ =	shalt  }
0x49: {  	_ =	shalt  }
0x4a: {  	_ =	shalt  }
0x4b: {  	_ =	shalt  }
0x4c: {  	_ =	shalt  }
0x4d: {  	_ =	shalt  }
0x4e: {  	_ =	shalt  }
0x4f: {  	_ =	shalt  }
0x50: {  	_ =	shalt  }
0x51: {  	_ =	shalt  }
0x52: {  	_ =	shalt  }
0x53: {  	_ =	shalt  }
0x54: {  	_ =	shalt  }
0x55: {  	_ =	shalt  }
0x56: {  	_ =	shalt  }
0x57: {  	_ =	shalt  }
0x58: {  	_ =	shalt  }
0x59: {  	_ =	shalt  }
0x5a: {  	_ =	shalt  }
0x5b: {  	_ =	shalt  }
0x5c: {  	_ =	shalt  }
0x5d: {  	_ =	shalt  }
0x5e: {  	_ =	shalt  }
0x5f: {  	_ =	shalt  }
0x60: {  	_ =	shalt  }
0x61: {  	_ =	shalt  }
0x62: {  	_ =	shalt  }
0x63: {  	_ =	shalt  }
0x64: {  	_ =	shalt  }
0x65: {  	_ =	shalt  }
0x66: {  	_ =	shalt  }
0x67: {  	_ =	shalt  }
0x68: {  	_ =	shalt  }
0x69: {  	_ =	shalt  }
0x6a: {  	_ =	shalt  }
0x6b: {  	_ =	shalt  }
0x6c: {  	_ =	shalt  }
0x6d: {  	_ =	shalt  }
0x6e: {  	_ =	shalt  }
0x6f: {  	_ =	shalt  }
0x70: {  	_ =	shalt  }
0x71: {  	_ =	shalt  }
0x72: {  	_ =	shalt  }
0x73: {  	_ =	shalt  }
0x74: {  	_ =	shalt  }
0x75: {  	_ =	shalt  }
0x76: {  	_ =	shalt  }
0x77: {  	_ =	shalt  }
0x78: {  	_ =	shalt  }
0x79: {  	_ =	shalt  }
0x7a: {  	_ =	shalt  }
0x7b: {  	_ =	shalt  }
0x7c: {  	_ =	shalt  }
0x7d: {  	_ =	shalt  }
0x7e: {  	_ =	shalt  }
0x7f: {  	_ =	shalt  }
0x80: {  	_ =	shalt  }
0x81: {  	_ =	shalt  }
0x82: {  	_ =	shalt  }
0x83: {  	_ =	shalt  }
0x84: {  	_ =	shalt  }
0x85: {  	_ =	shalt  }
0x86: {  	_ =	shalt  }
0x87: {  	_ =	shalt  }
.Lfunc_end0:
.L_simem_size_0:
called_computation.1_lowered:
.L_overlay_start_0:
0x88: {  	s2 =	sld [smem:$0x3FD9]  }
0x89: {  	s3 =	sld [smem:$0x3FFE];
	_ =	sdelay $0x1  }
0x8a: {  	s1 =	srdreg.scid  }
0x8b: {  	s0 =	sand.u32 $0x1, s1  }
0x8c: {  	s17 =	sshll.u32 s0, $0xA;
	s2 =	sadd.s32 s3, s2  }
0x8d: {  	s2 =	sadd.s32 s2, s17  }
0x8e: {  	[smem:$0x3FC0] =	sst s2  }
0x8f: {  	_ = 	snop  }
0x90: {  	s18 =	sld [smem:$0x3FD0];
	(tm) =	ssettm $0x1  }
0x91: {  	s19 =	sld [smem:$0x3FFB];
	_ =	sdelay $0x3  }
0x92: {  	_ =	strace s19  }
0x93: {  	s2 =	sld [smem:$0x3FFC];
	_ =	sdelay $0x3  }
0x94: {  	_ =	strace s2  }
0x95: {  	s2 =	sld [smem:$0x3FFD];
	_ =	sdelay $0x3  }
0x96: {  	_ =	strace s2  }
0x97: {  	_ =	strace $0x8FFFFFFF  }
0x98: {  	s20 =	sld [smem:$0x3FDB];
	_ =	sdelay $0x1  }
0x99: {  	s4 =	simm.s32 $_scs_section_size  }
0x9a: {  	s5 =	simm.s32 $_size__tile_overlayer_lowered;
	s6 =	simm.s32 $_tile_overlayer_lowered  }
0x9b: {  	s7 =	simm.s32 $0x1BFF;
	s21 =	sshll.u32 s6, $0x1;
	s4 =	sadd.s32 s4, s20  }
0x9c: {  	s22 =	simm.s32 $0x0;
	s5 =	sshll.u32 s5, $0x1;
	s6 =	sadd.s32 s21, s4  }
0x9d: {  	[timem:s22], [sflag:s7] =	dma.local [hbm:s6], s5  }
0x9e: {  	_ =	swait.ge [sflag:s7], s5  }
0x9f: {  	s5 =	ssub.s32 $0x0, s5;
	[sflag:s7] =	ssyncset.done $0x0  }
0xa0: {  	[sflag:s7] =	ssyncadd.s32 s5;
	_ =	sdelay $0x1  }
0xa1: {  	s23 =	simm.s32 $0x1B8B  }
0xa2: {  	_ =	swait.ge [sflag:s23], $0x1  }
0xa3: {  	[sflag:s23] =	ssyncset.done $0x0  }
0xa4: {  	[sflag:s23] =	ssyncadd.s32 $0xFFFFFFFF  }
0xa5: {  	s5 =	sld [smem:$0x0]  }
0xa6: {  	s6 =	sand.u32 $0xFFFFFFFE, s1  }
0xa7: {  	p0 =	sne.s32 s1, s6  }
0xa8: {  	s6 =	sshll.u32 @p0 s6, $0xE  }
0xa9: {  	s6 =	sadd.s32 @p0 $0x11B8D, s6;
	s7 =	sshll.u32 @p0 s5, $0x11  }
0xaa: {  	s6 =	sor.u32 @p0 s7, s6  }
0xab: {  	[sflag:s6] =	ssyncadd.remote.s32 @p0 $0x1;
	_ =	sdelay $0x1  }
0xac: {  	s6 =	simm.s32 @p0 $0x1B8D  }
0xad: {  	_ =	swait.eq @p0 [sflag:s6], $0x1  }
0xae: {  	[sflag:s6] =	ssyncadd.s32 @p0 $0xFFFFFFFF  }
0xaf: {  	s7 =	sshll.u32 @!p0 s1, $0xE  }
0xb0: {  	s7 =	sor.u32 @!p0 $0x4000, s7;
	s6 =	simm.s32 @!p0 $0x1B8D  }
0xb1: {  	s5 =	sshll.u32 @!p0 s5, $0x11;
	s7 =	sadd.s32 @!p0 $0x11B8D, s7;
	_ =	swait.eq @!p0 [sflag:s6], $0x1  }
0xb2: {  	s5 =	sor.u32 @!p0 s5, s7;
	[sflag:s6] =	ssyncadd.s32 @!p0 $0xFFFFFFFF  }
0xb3: {  	s25 =	simm.s32 $0x1B8E;
	s24 =	sld [smem:$0x3FFE];
	[sflag:s5] =	ssyncadd.remote.s32 @!p0 $0x1  }
0xb4: {  	s26 =	simm.s32 $execute0_lowered;
	[smem:$0x3FD2] =	sst s25  }
0xb5: {  	s6 =	sshll.u32 s26, $0x1;
	_ =	strace $0x8000004C;
	[dreg:$0x1] =	wrdreg $0xFFFFFFFF  }
0xb6: {  	s28 =	simm.s32 $_size_execute0_lowered;
	s4 =	sadd.s32 s4, s6;
	[dreg:$0x0] =	wrdreg $0x0  }
0xb7: {  	s6 =	sshll.u32 s28, $0x1;
	[dreg:$0x2] =	wrdreg s4  }
0xb8: {  	[dreg:$0x3] =	wrdreg s6  }
0xb9: {  	[dreg:$0x4] =	wrdreg $0xC0  }
0xba: {  	_ =	task [dreg:s22], $0x5FFFF  }
0xbb: {  	[dreg:$0x1] =	wrdreg $0xFFFFFFFF  }
0xbc: {  	[dreg:$0x0] =	wrdreg $0x60  }
0xbd: {  	[dreg:$0x2] =	wrdreg s18  }
0xbe: {  	[dreg:$0x3] =	wrdreg s24  }
0xbf: {  	[dreg:$0x4] =	wrdreg $0xA  }
0xc0: {  	_ =	task.clear_ibuf [dreg:s22], $0x5FFFF;
	_ =	strace $0x9000004C  }
0xc1: {  	s29 =	simm.s32 $0xA;
	_ =	strace $0x8000004E  }
0xc2: {  	_ =	swait.ge [sflag:s29], $0x1  }
0xc3: {  	[sflag:s29] =	ssyncadd.s32 $0xFFFFFFFF  }
0xc4: {  	_ =	strace $0x9000004E  }
0xc5: {  	_ =	sfence  }
0xc6: {  	s30 =	sld [smem:$0x0];
	_ =	sdelay $0x2  }
0xc7: {  	s31 =	sshll.u32 s1, $0xD;
	s1 =	sshrl.u32 s1, $0x2  }
0xc8: {  	s4 =	sand.u32 $0x4000, s31;
	s1 =	sadd.s32 s1, s30  }
0xc9: {  	s0 =	sor.u32 s4, s0;
	s1 =	sshll.u32 s1, $0x11  }
0xca: {  	s0 =	sor.u32 s1, s0  }
0xcb: {  	s0 =	sadd.s32 $0x8F2B, s0  }
0xcc: {  	[sflag:s0] =	ssyncadd.remote.s32 $0x1  }
0xcd: {  	_ =	sfence.sel $0xFFFF  }
0xce: {  	[dreg:$0x0] =	wrdreg $0xFFFFFFFF;
	(pc) =	sbr.abs _section_cstart, $3  }
0xcf: {  	[dreg:$0x1] =	wrdreg $0xFFFFFFFF  }
0xd0: {  	_ =	task.clear_ibuf [dreg:s22], $0x2FFFF;
	_ =	strace $0x9FFFFFFF  }
0xd1: {  	(tm) =	ssettm $0x7FFFFFFF  }
tec
execute0_lowered:
.L_overlay_start_1:
0x0: {  	(tag) =	ssettag $0x1  }
0x1: {  	s0 =	rddreg [dreg:$0x0]  }
0x2: {  	s1 =	rddreg [dreg:$0x1];
	s3 =	srdreg.scid;
	s2 =	simm.s32 $0x0  }
0x3: {  	s4 =	stileid.u32;
	s7 =	simm.s32 $0x200;
	s8 =	simm.s32 $0x4000  }
0x4: {  	s9 =	simm.s32 $0x2;
	s10 =	simm.s32 $0x6400;
	s11 =	simm.s32 $0x1  }
0x5: {  	s28 =	simm.s32 $0x4E00;
	s29 =	simm.s32 $0x5000;
	s30 =	simm.s32 $0x5200  }
0x6: {  	s31 =	simm.s32 $0x5400;
	s12 =	simm.s32 $0x5A00;
	s13 =	simm.s32 $0x5C00  }
0x7: {  	s14 =	simm.s32 $0x5E00;
	s15 =	simm.s32 $0x6000;
	s16 =	simm.s32 $0x6200  }
0x8: {  	s17 =	simm.s32 $0x8600;
	s18 =	simm.s32 $0x8400;
	s19 =	simm.s32 $0x8610  }
0x9: {  	s20 =	simm.s32 $0x0;
	s3 =	sand.u32 $0x1, s3;
	[smem:$0x7FF] =	sst s2  }
0xa: {  	s4 =	sshll.u32 s4, $0x7;
	s5 =	sshll.u32 s3, $0x6;
	s26 =	ssub.s32 $0x2, s3  }
0xb: {  	_ =	strace $0x8000004D;
	s4 =	sor.u32 s5, s4;
	s6 =	sshrl.u32 s26, $0x1  }
0xc: {  	s3 =	sadd.s32 $0x33600, s1;
	s1 =	sadd.s32 s4, s1;
	s6 =	ssub.s32 s26, s6  }
0xd: {  	v1 =	vlaneseq.u32;
	s4 =	sadd.s32 s0, s4;
	s26 =	simm.s32 $0x4C00;
	s0 =	simm.s32 $0x5600  }
0xe: {  	v0 =	vimm.s32 $0x0;
	v1 =	vmul.u32 $0x200, v1;
	s5 =	sadd.s32 $0x1600, s1;
	s6 =	smax.u32 s6, $0x1;
	s1 =	simm.s32 $0x5800  }
.LBB2_1:
0xf: {  	[tilespmem:s2], [sflag:$0x2] =	stream.strided.gather [hbm4b:s4+s7], $0x6400, s8, s7, $0x38;
	[tilespmem:$0xA610] =	vst v63  }
0x10: {  	_ =	swait.ge [sflag:s9], $0x6400  }
0x11: {  	[sflag:s9] =	ssyncset.done $0x0  }
0x12: {  	[sflag:s9] =	ssyncadd.s32 $0xFFFF9C00  }
0x13: {  	[tilespmem:s10], [sflag:$0x1] =	stream.indirect.gather [hbm4b:s3+s7], $0x10, s2, s7, $0xb8;
	[tilespmem:$0xA610] =	vst v63  }
0x14: {  	_ =	swait.ge [sflag:s11], $0x2000  }
0x15: {  	[sflag:s11] =	ssyncset.done $0x0  }
0x16: {  	[sflag:s11] =	ssyncadd.s32 $0xFFFFE000  }
0x17: {  	[tilespmem:s10], [sflag:$0x1] =	stream.indirect.gather.add.f32 [hbm:s3], $0x10, s7, s7, $0xb8;
	[tilespmem:$0xA610] =	vst v63  }
0x18: {  	s21 =	simm.s32 $0x400  }
0x19: {  	[tilespmem:s10], [sflag:$0x1] =	stream.indirect.gather.add.f32 [hbm:s3], $0x10, s21, s7, $0xb8;
	[tilespmem:$0xA610] =	vst v63  }
0x1a: {  	s24 =	simm.s32 $0x600  }
0x1b: {  	[tilespmem:s10], [sflag:$0x1] =	stream.indirect.gather.add.f32 [hbm:s3], $0x10, s24, s7, $0xb8;
	[tilespmem:$0xA610] =	vst v63  }
0x1c: {  	s25 =	simm.s32 $0x800  }
0x1d: {  	[tilespmem:s10], [sflag:$0x1] =	stream.indirect.gather.add.f32 [hbm:s3], $0x10, s25, s7, $0xb8;
	[tilespmem:$0xA610] =	vst v63  }
0x1e: {  	s22 =	simm.s32 $0xA00  }
0x1f: {  	[tilespmem:s10], [sflag:$0x1] =	stream.indirect.gather.add.f32 [hbm:s3], $0x10, s22, s7, $0xb8;
	[tilespmem:$0xA610] =	vst v63  }
0x20: {  	s23 =	simm.s32 $0xC00  }
0x21: {  	[tilespmem:s10], [sflag:$0x1] =	stream.indirect.gather.add.f32 [hbm:s3], $0x10, s23, s7, $0xb8;
	[tilespmem:$0xA610] =	vst v63  }
0x22: {  	s24 =	simm.s32 $0xE00  }
0x23: {  	[tilespmem:s10], [sflag:$0x1] =	stream.indirect.gather.add.f32 [hbm:s3], $0x10, s24, s7, $0xb8;
	[tilespmem:$0xA610] =	vst v63  }
0x24: {  	s25 =	simm.s32 $0x1000  }
0x25: {  	[tilespmem:s10], [sflag:$0x1] =	stream.indirect.gather.add.f32 [hbm:s3], $0x10, s25, s7, $0xb8;
	[tilespmem:$0xA610] =	vst v63  }
0x26: {  	s22 =	simm.s32 $0x1200  }
0x27: {  	[tilespmem:s10], [sflag:$0x1] =	stream.indirect.gather.add.f32 [hbm:s3], $0x10, s22, s7, $0xb8;
	[tilespmem:$0xA610] =	vst v63  }
0x28: {  	s23 =	simm.s32 $0x1400  }
0x29: {  	[tilespmem:s10], [sflag:$0x1] =	stream.indirect.gather.add.f32 [hbm:s3], $0x10, s23, s7, $0xb8;
	[tilespmem:$0xA610] =	vst v63  }
0x2a: {  	s24 =	simm.s32 $0x1600  }
0x2b: {  	[tilespmem:s10], [sflag:$0x1] =	stream.indirect.gather.add.f32 [hbm:s3], $0x10, s24, s7, $0xb8;
	[tilespmem:$0xA610] =	vst v63  }
0x2c: {  	s25 =	simm.s32 $0x1800  }
0x2d: {  	[tilespmem:s10], [sflag:$0x1] =	stream.indirect.gather.add.f32 [hbm:s3], $0x10, s25, s7, $0xb8;
	[tilespmem:$0xA610] =	vst v63  }
0x2e: {  	s22 =	simm.s32 $0x1A00  }
0x2f: {  	[tilespmem:s10], [sflag:$0x1] =	stream.indirect.gather.add.f32 [hbm:s3], $0x10, s22, s7, $0xb8;
	[tilespmem:$0xA610] =	vst v63  }
0x30: {  	s23 =	simm.s32 $0x1C00  }
0x31: {  	[tilespmem:s10], [sflag:$0x1] =	stream.indirect.gather.add.f32 [hbm:s3], $0x10, s23, s7, $0xb8;
	[tilespmem:$0xA610] =	vst v63  }
0x32: {  	s24 =	simm.s32 $0x1E00  }
0x33: {  	[tilespmem:s10], [sflag:$0x1] =	stream.indirect.gather.add.f32 [hbm:s3], $0x10, s24, s7, $0xb8;
	[tilespmem:$0xA610] =	vst v63  }
0x34: {  	s25 =	simm.s32 $0x2000  }
0x35: {  	[tilespmem:s10], [sflag:$0x1] =	stream.indirect.gather.add.f32 [hbm:s3], $0x10, s25, s7, $0xb8;
	[tilespmem:$0xA610] =	vst v63  }
0x36: {  	s22 =	simm.s32 $0x2200  }
0x37: {  	[tilespmem:s10], [sflag:$0x1] =	stream.indirect.gather.add.f32 [hbm:s3], $0x10, s22, s7, $0xb8;
	[tilespmem:$0xA610] =	vst v63  }
0x38: {  	s23 =	simm.s32 $0x2400  }
0x39: {  	[tilespmem:s10], [sflag:$0x1] =	stream.indirect.gather.add.f32 [hbm:s3], $0x10, s23, s7, $0xb8;
	[tilespmem:$0xA610] =	vst v63  }
0x3a: {  	s24 =	simm.s32 $0x2600  }
0x3b: {  	[tilespmem:s10], [sflag:$0x1] =	stream.indirect.gather.add.f32 [hbm:s3], $0x10, s24, s7, $0xb8;
	[tilespmem:$0xA610] =	vst v63  }
0x3c: {  	s25 =	simm.s32 $0x2800  }
0x3d: {  	[tilespmem:s10], [sflag:$0x1] =	stream.indirect.gather.add.f32 [hbm:s3], $0x10, s25, s7, $0xb8;
	[tilespmem:$0xA610] =	vst v63  }
0x3e: {  	s22 =	simm.s32 $0x2A00  }
0x3f: {  	[tilespmem:s10], [sflag:$0x1] =	stream.indirect.gather.add.f32 [hbm:s3], $0x10, s22, s7, $0xb8;
	[tilespmem:$0xA610] =	vst v63  }
0x40: {  	s23 =	simm.s32 $0x2C00  }
0x41: {  	[tilespmem:s10], [sflag:$0x1] =	stream.indirect.gather.add.f32 [hbm:s3], $0x10, s23, s7, $0xb8;
	[tilespmem:$0xA610] =	vst v63  }
0x42: {  	s24 =	simm.s32 $0x2E00  }
0x43: {  	[tilespmem:s10], [sflag:$0x1] =	stream.indirect.gather.add.f32 [hbm:s3], $0x10, s24, s7, $0xb8;
	[tilespmem:$0xA610] =	vst v63  }
0x44: {  	s25 =	simm.s32 $0x3000  }
0x45: {  	[tilespmem:s10], [sflag:$0x1] =	stream.indirect.gather.add.f32 [hbm:s3], $0x10, s25, s7, $0xb8;
	[tilespmem:$0xA610] =	vst v63  }
0x46: {  	s22 =	simm.s32 $0x3200  }
0x47: {  	[tilespmem:s10], [sflag:$0x1] =	stream.indirect.gather.add.f32 [hbm:s3], $0x10, s22, s7, $0xb8;
	[tilespmem:$0xA610] =	vst v63  }
0x48: {  	s23 =	simm.s32 $0x3400  }
0x49: {  	[tilespmem:s10], [sflag:$0x1] =	stream.indirect.gather.add.f32 [hbm:s3], $0x10, s23, s7, $0xb8;
	[tilespmem:$0xA610] =	vst v63  }
0x4a: {  	s24 =	simm.s32 $0x3600  }
0x4b: {  	[tilespmem:s10], [sflag:$0x1] =	stream.indirect.gather.add.f32 [hbm:s3], $0x10, s24, s7, $0xb8;
	[tilespmem:$0xA610] =	vst v63  }
0x4c: {  	s25 =	simm.s32 $0x3800  }
0x4d: {  	[tilespmem:s10], [sflag:$0x1] =	stream.indirect.gather.add.f32 [hbm:s3], $0x10, s25, s7, $0xb8;
	[tilespmem:$0xA610] =	vst v63  }
0x4e: {  	s22 =	simm.s32 $0x3A00  }
0x4f: {  	[tilespmem:s10], [sflag:$0x1] =	stream.indirect.gather.add.f32 [hbm:s3], $0x10, s22, s7, $0xb8;
	[tilespmem:$0xA610] =	vst v63  }
0x50: {  	s23 =	simm.s32 $0x3C00  }
0x51: {  	[tilespmem:s10], [sflag:$0x1] =	stream.indirect.gather.add.f32 [hbm:s3], $0x10, s23, s7, $0xb8;
	[tilespmem:$0xA610] =	vst v63  }
0x52: {  	s24 =	simm.s32 $0x3E00  }
0x53: {  	[tilespmem:s10], [sflag:$0x1] =	stream.indirect.gather.add.f32 [hbm:s3], $0x10, s24, s7, $0xb8;
	[tilespmem:$0xA610] =	vst v63  }
0x54: {  	_ = 	snop  }
0x55: {  	[tilespmem:s10], [sflag:$0x1] =	stream.indirect.gather.add.f32 [hbm:s3], $0x10, s8, s7, $0xb8;
	[tilespmem:$0xA610] =	vst v63  }
0x56: {  	s25 =	simm.s32 $0x4200  }
0x57: {  	[tilespmem:s10], [sflag:$0x1] =	stream.indirect.gather.add.f32 [hbm:s3], $0x10, s25, s7, $0xb8;
	[tilespmem:$0xA610] =	vst v63  }
0x58: {  	s22 =	simm.s32 $0x4400  }
0x59: {  	[tilespmem:s10], [sflag:$0x1] =	stream.indirect.gather.add.f32 [hbm:s3], $0x10, s22, s7, $0xb8;
	[tilespmem:$0xA610] =	vst v63  }
0x5a: {  	s23 =	simm.s32 $0x4600  }
0x5b: {  	[tilespmem:s10], [sflag:$0x1] =	stream.indirect.gather.add.f32 [hbm:s3], $0x10, s23, s7, $0xb8;
	[tilespmem:$0xA610] =	vst v63  }
0x5c: {  	s24 =	simm.s32 $0x4800  }
0x5d: {  	[tilespmem:s10], [sflag:$0x1] =	stream.indirect.gather.add.f32 [hbm:s3], $0x10, s24, s7, $0xb8;
	[tilespmem:$0xA610] =	vst v63  }
0x5e: {  	s25 =	simm.s32 $0x4A00  }
0x5f: {  	[tilespmem:s10], [sflag:$0x1] =	stream.indirect.gather.add.f32 [hbm:s3], $0x10, s25, s7, $0xb8;
	[tilespmem:$0xA610] =	vst v63  }
0x60: {  	_ = 	snop  }
0x61: {  	[tilespmem:s10], [sflag:$0x1] =	stream.indirect.gather.add.f32 [hbm:s3], $0x10, s26, s7, $0xb8;
	[tilespmem:$0xA610] =	vst v63  }
0x62: {  	_ = 	snop  }
0x63: {  	[tilespmem:s10], [sflag:$0x1] =	stream.indirect.gather.add.f32 [hbm:s3], $0x10, s28, s7, $0xb8;
	[tilespmem:$0xA610] =	vst v63  }
0x64: {  	_ = 	snop  }
0x65: {  	[tilespmem:s10], [sflag:$0x1] =	stream.indirect.gather.add.f32 [hbm:s3], $0x10, s29, s7, $0xb8;
	[tilespmem:$0xA610] =	vst v63  }
0x66: {  	_ = 	snop  }
0x67: {  	[tilespmem:s10], [sflag:$0x1] =	stream.indirect.gather.add.f32 [hbm:s3], $0x10, s30, s7, $0xb8;
	[tilespmem:$0xA610] =	vst v63  }
0x68: {  	_ = 	snop  }
0x69: {  	[tilespmem:s10], [sflag:$0x1] =	stream.indirect.gather.add.f32 [hbm:s3], $0x10, s31, s7, $0xb8;
	[tilespmem:$0xA610] =	vst v63  }
0x6a: {  	_ = 	snop  }
0x6b: {  	[tilespmem:s10], [sflag:$0x1] =	stream.indirect.gather.add.f32 [hbm:s3], $0x10, s0, s7, $0xb8;
	[tilespmem:$0xA610] =	vst v63  }
0x6c: {  	_ = 	snop  }
0x6d: {  	[tilespmem:s10], [sflag:$0x1] =	stream.indirect.gather.add.f32 [hbm:s3], $0x10, s1, s7, $0xb8;
	[tilespmem:$0xA610] =	vst v63  }
0x6e: {  	_ = 	snop  }
0x6f: {  	[tilespmem:s10], [sflag:$0x1] =	stream.indirect.gather.add.f32 [hbm:s3], $0x10, s12, s7, $0xb8;
	[tilespmem:$0xA610] =	vst v63  }
0x70: {  	_ = 	snop  }
0x71: {  	[tilespmem:s10], [sflag:$0x1] =	stream.indirect.gather.add.f32 [hbm:s3], $0x10, s13, s7, $0xb8;
	[tilespmem:$0xA610] =	vst v63  }
0x72: {  	_ = 	snop  }
0x73: {  	[tilespmem:s10], [sflag:$0x1] =	stream.indirect.gather.add.f32 [hbm:s3], $0x10, s14, s7, $0xb8;
	[tilespmem:$0xA610] =	vst v63  }
0x74: {  	_ = 	snop  }
0x75: {  	[tilespmem:s10], [sflag:$0x1] =	stream.indirect.gather.add.f32 [hbm:s3], $0x10, s15, s7, $0xb8;
	[tilespmem:$0xA610] =	vst v63  }
0x76: {  	s21 =	simm.s32 $0x0;
	s22 =	simm.s32 $0x0  }
0x77: {  	[tilespmem:s10], [sflag:$0x1] =	stream.indirect.gather.add.f32 [hbm:s3], $0x10, s16, s7, $0xb8;
	[tilespmem:$0xA610] =	vst v63  }
.LBB2_2:
0x78: {  	v3 =	vmov s21;
	_ =	sdelay $0x3  }
0x79: {  	s25 =	simm.s32 $0x0  }
0x7a: {  	s23 =	sshll.u32 s22, $0x6;
	v2 =	vimm.s32 $0x0;
	s24 =	simm.s32 $0x800;
	v4 =	vld.idx.msk [tilespmem:v3+s25+$0x0 ss:$0x1], $0xffff  }
.LBB2_3:
0x7b: {  	_ = 	snop  }
0x7c: {  	p0 =	sne.s32 s24, $0x18800  }
.Ltmp0:
0x7d: {  	_ = 	snop;
	(pc) =	sbr.rel @p0 .LBB2_3-.Ltmp0, $4  }
0x7e: {  	_ = 	snop  }
0x7f: {  	vm0 =	veq.s32 v4, $0x0  }
0x80: {  	s25 =	sshra.s32 s24, $0x2;
	v5 =	vsel vm0, $0x1, v0  }
0x81: {  	s24 =	sadd.s32 $0x800, s24;
	v4 =	vld.idx.msk [tilespmem:v3+s25+$0x0 ss:$0x1], $0xffff;
	v2 =	vadd.s32 v5, v2  }
0x82: {  	_ =	sdelay $0x2  }
0x83: {  	s22 =	sadd.s32 $0x1, s22  }
0x84: {  	p0 =	sne.s32 s22, $0x20;
	vm0 =	veq.s32 v4, $0x0  }
.Ltmp1:
0x85: {  	v3 =	vsel vm0, $0x1, v0;
	(pc) =	sbr.rel @p0 .LBB2_2-.Ltmp1, $4  }
0x86: {  	v2 =	vadd.s32 v3, v2  }
0x87: {  	v2 =	vcvt.s32.f32 v2  }
0x88: {  	s23 =	sshrl.u32 s23, $0x2  }
0x89: {  	s21 =	sadd.s32 $0x10, s21;
	[tilespmem:s23+$0x8400] =	vst v2  }
0x8a: {  	[tilespmem:s17], [sflag:$0x2] =	stream.linear.gather [hbm4b:s3+s2], $0x10, $0x38;
	[tilespmem:$0xA610] =	vst v63  }
0x8b: {  	_ =	swait.ge [sflag:s9], $0x10  }
0x8c: {  	[sflag:s9] =	ssyncset.done $0x0  }
0x8d: {  	[sflag:s9] =	ssyncadd.s32 $0xFFFFFFF0  }
0x8e: {  	_ =	swait.ge [sflag:s11], $0x2000  }
0x8f: {  	s21 =	simm.s32 $0x30;
	[sflag:s11] =	ssyncset.done $0x0  }
.LBB2_6:
0x90: {  	p0 =	sne.s32 s21, $0x1;
	s21 =	sadd.s32 $0xFFFFFFFF, s21;
	[sflag:s11] =	ssyncadd.s32 $0xFFFFE000  }
.Ltmp2:
0x91: {  	(pc) =	sbr.rel @p0 .LBB2_6-.Ltmp2, $3  }
0x92: {  	_ =	sdelay $0x1  }
0x93: {  	_ =	swait.ge [sflag:s11], $0x2000  }
0x94: {  	[sflag:s11] =	ssyncset.done $0x0  }
0x95: {  	s23 =	simm.s32 $0x0  }
0x96: {  	v2 =	vmov s23;
	_ =	sdelay $0x1  }
0x97: {  	[sflag:s11] =	ssyncadd.s32 $0xFFFFE000  }
0x98: {  	s21 =	simm.s32 $0x6400;
	v3 =	vld [tilespmem:$0x8600]  }
0x99: {  	v5 =	vld [tilespmem:s21+$0x0]  }
0x9a: {  	v6 =	vld.idx.msk [tilespmem:v2+s18+$0x0], $0xffff;
	_ =	sdelay $0x2  }
0x9b: {  	v2 =	vmul.f32 $1.999999960e-02, v3  }
0x9c: {  	s22 =	simm.s32 $0x1;
	v3 =	vor.u32 s23, v1  }
0x9d: {  	v4 =	vmov s22;
	s23 =	simm.s32 $0x2;
	v5 =	vmul.f32 $1.999999960e-02, v5;
	v6 =	vmul.f32 v6, v2  }
.LBB2_8:
0x9e: {  	p0 =	sne.s32 s23, $0x1FF  }
0x9f: {  	v5 =	vsub.f32 v5, v6;
	_ =	sdelay $0x1  }
0xa0: {  	[tilespmem:v3+s19+$0x0] =	vst.idx.msk $0xffff, v5  }
0xa1: {  	s21 =	sadd.s32 $0x10, s21;
	v6 =	vld.idx.msk [tilespmem:v4+s18+$0x0], $0xffff  }
0xa2: {  	v5 =	vld [tilespmem:s21+$0x0]  }
.Ltmp3:
0xa3: {  	(pc) =	sbr.rel @p0 .LBB2_8-.Ltmp3, $3  }
0xa4: {  	_ =	sdelay $0x1  }
0xa5: {  	v3 =	vor.u32 s22, v1;
	s22 =	smov.u32 s23  }
0xa6: {  	s23 =	sadd.s32 $0x1, s23;
	v4 =	vmov s22;
	v6 =	vmul.f32 v6, v2;
	v5 =	vmul.f32 $1.999999960e-02, v5  }
0xa7: {  	_ =	sdelay $0x1  }
0xa8: {  	v5 =	vsub.f32 v5, v6;
	_ =	sdelay $0x1  }
0xa9: {  	[tilespmem:v3+s19+$0x0] =	vst.idx.msk $0xffff, v5  }
0xaa: {  	s21 =	sadd.s32 $0x10, s21;
	v3 =	vld.idx.msk [tilespmem:v4+s18+$0x0], $0xffff  }
0xab: {  	v62 =	vld [tilespmem:s21+$0x0];
	_ =	sdelay $0x3  }
0xac: {  	v63 =	vor.u32 s22, v1  }
0xad: {  	v4 =	vmul.f32 $1.999999960e-02, v62;
	v2 =	vmul.f32 v3, v2;
	_ =	sdelay $0x1  }
0xae: {  	s20 =	sadd.s32 $0x1, s20;
	v2 =	vsub.f32 v4, v2  }
0xaf: {  	p0 =	sne.s32 s20, s6  }
.Ltmp4:
0xb0: {  	[tilespmem:v63+s19+$0x0] =	vst.idx.msk $0xffff, v2;
	(pc) =	sbr.rel @p0 .LBB2_1-.Ltmp4, $4  }
0xb1: {  	[hbm4b:s5+s7] =	stream.strided.scatter [tilespmem:s19], [sflag:$0x2], $0x2000, s8, s7, $0x38;
	[tilespmem:$0xA610] =	vst v63  }
0xb2: {  	_ =	swait.ge [sflag:s9], $0x2000  }
0xb3: {  	[sflag:s9] =	ssyncset.done $0x0  }
0xb4: {  	[sflag:s9] =	ssyncadd.s32 $0xFFFFE000  }
0xb5: {  	_ =	sfence.sel $0x180000  }
0xb6: {  	[bflag:$0x0] =	sbarrier.arrive $0xFFFF  }
0xb7: {  	_ =	strace $0x9000004D  }
0xb8: {  	s0 =	stileid.u32;
	[bflag:$0x2] =	sbarrier.arrive $0xFFFF  }
0xb9: {  	p0 =	sne.s32 s0, $0x0;
	s0 =	rddreg [dreg:$0x2]  }
0xba: {  	s0 =	sadd.s32 @!p0 $0x100000, s0  }
0xbb: {  	[sflag:s0] =	ssyncadd.tile.s32 @!p0 $0x1;
	_ =	shalt  }
.Lfunc_end2:
_tile_overlayer_lowered:
.L_overlay_start_2:
0xbc: {  	(tag) =	ssettag $0x2  }
0xbd: {  	s0 =	rddreg [dreg:$0x0];
	s2 =	stileid.u32  }
0xbe: {  	s1 =	rddreg [dreg:$0x1];
	p0 =	sne.s32 s2, $0x0  }
0xbf: {  	s3 =	rddreg [dreg:$0x2];
	[bflag:$0x3] =	sbarrier.arrive $0xFFFF;
	s2 =	simm.s32 @!p0 $0x1C02  }
0xc0: {  	[timem:s3], [sflag:s2] =	dma.local @!p0 [hbm:s0], s1  }
0xc1: {  	s0 =	simm.s32 @!p0 $0x2  }
0xc2: {  	_ =	swait.ge @!p0 [sflag:s0], s1  }
0xc3: {  	s1 =	ssub.s32 @!p0 $0x0, s1;
	[sflag:s0] =	ssyncset.done @!p0 $0x0  }
0xc4: {  	[sflag:s0] =	ssyncadd.s32 @!p0 s1  }
0xc5: {  	[bflag:$0x3] =	sbarrier.arrive $0xFFFF  }
0xc6: {  	_ =	shalt  }

</sc_bundles>
